<compile_context>
chip_gen: v7x
topology: tpu7x:2x2x1
jax: 0.10.2.dev20260603
libtpu: 0.0.44.dev20260713+nightly
codegen_flags: <defaults>
</compile_context>

<pallas_src>
import functools

import jax
import jax.numpy as jnp
from jax import lax
from jax.experimental import pallas as pl
from jax.experimental.pallas import tpu as pltpu
from jax.experimental.pallas import tpu_sc as plsc

B = 4096
D = 128
A = 1000
G = 16
K = 64
NG = 1280
C = NG // K
P = NG * G

NC = 2
NS = 16
NW = NC * NS
BPW = B // NW


def _route(src_hbm, sidx_hbm, didx_hbm, out_hbm, src_v, dst_v, rows_v, sem):
    wid = lax.axis_index("s") * NC + lax.axis_index("c")
    base = wid * BPW
    pltpu.sync_copy(sidx_hbm.at[pl.ds(base, BPW)], src_v)
    pltpu.sync_copy(didx_hbm.at[pl.ds(base, BPW)], dst_v)
    pltpu.async_copy(src_hbm.at[src_v], rows_v, sem).wait()
    pltpu.async_copy(rows_v, out_hbm.at[dst_v], sem).wait()


def _make_route(n_out):
    mesh = plsc.VectorSubcoreMesh(core_axis_name="c", subcore_axis_name="s")
    return functools.partial(
        pl.kernel, mesh=mesh,
        out_type=jax.ShapeDtypeStruct((n_out, D), jnp.float32),
        scratch_types=[
            pltpu.VMEM((BPW,), jnp.int32),
            pltpu.VMEM((BPW,), jnp.int32),
            pltpu.VMEM((BPW, D), jnp.float32),
            pltpu.SemaphoreType.DMA,
        ],
    )(_route)


def _tc_body(garr_ref, x_ref, b_ref, *rest):
    w_refs = rest[:K]
    o_ref = rest[K]
    i = pl.program_id(0)
    for k in range(K):
        bidx = garr_ref[k * C + i]
        xg = x_ref[k, 0]
        z = jax.lax.dot_general(xg, w_refs[k][0], (((1,), (1,)), ((), ())),
                                preferred_element_type=jnp.float32)
        o_ref[k, 0] = z + b_ref[pl.ds(bidx, 1), :]


def kernel(x, a, weight, bias):
    idx = a[:, 0].astype(jnp.int32)
    iota = jnp.arange(B, dtype=jnp.int32)
    sidx, perm = jax.lax.sort_key_val(idx, iota)

    starts = jnp.concatenate([jnp.ones((1,), jnp.bool_),
                              sidx[1:] != sidx[:-1]])
    seg_start = jax.lax.cummax(jnp.where(starts, iota, 0))
    pos_in_run = iota - seg_start
    new_group = starts | (pos_in_run % G == 0)
    g = jnp.cumsum(new_group.astype(jnp.int32)) - 1
    ppos = g * G + pos_in_run % G

    key = jnp.where(new_group, g, jnp.int32(1 << 20))
    val = jnp.where(new_group, sidx, jnp.int32(0))
    _, garr = jax.lax.sort_key_val(key, val)
    garr = garr[:NG]
    n_groups = g[-1] + 1
    c_dyn = jnp.minimum((n_groups + K - 1) // K, C)

    x_pad = _make_route(P)(x, perm, ppos)

    def w_spec(k):
        return pl.BlockSpec(
            (1, D, D),
            lambda i, g_ref, _k=k: (g_ref[_k * C + i], 0, 0))

    z_pad = pl.pallas_call(
        _tc_body,
        grid_spec=pltpu.PrefetchScalarGridSpec(
            num_scalar_prefetch=1,
            grid=(c_dyn,),
            in_specs=[
                pl.BlockSpec((K, 1, G, D), lambda i, g_: (0, i, 0, 0)),
                pl.BlockSpec((A, D), lambda i, g_: (0, 0)),
            ] + [w_spec(k) for k in range(K)],
            out_specs=pl.BlockSpec((K, 1, G, D), lambda i, g_: (0, i, 0, 0)),
        ),
        out_shape=jax.ShapeDtypeStruct((K, C, G, D), jnp.float32),
    )(garr, x_pad.reshape(K, C, G, D), bias, *([weight] * K))

    return _make_route(B)(z_pad.reshape(P, D), ppos, perm)

# --- scband reference (transcript-rebuilt; emitter-appended) ---
"""Pipeline reference for scband-discrete-linear-40389872451869 (READ-ONLY COPY).

The authoritative reference and input builder live on the scoring server;
editing this copy changes nothing except your own understanding.
"""

import jax, jax.numpy as jnp
import numpy as np

B = 4096
D = 128
A = 1000

def setup_inputs(seed: int = 0) -> dict:
    key = jax.random.key(seed)
    k1, k2, k3, k4 = jax.random.split(key, 4)
    x = jax.random.normal(k1, (B, D), dtype=jnp.float32)
    a = jax.random.randint(k2, (B, 1), 0, A, dtype=jnp.int64)
    stdv = 1.0 / np.sqrt(D)
    weight = jax.random.uniform(k3, (A, D, D), dtype=jnp.float32, minval=-stdv, maxval=stdv)
    bias = jax.random.uniform(k4, (A, D), dtype=jnp.float32, minval=-stdv, maxval=stdv)
    return {"x": x, "a": a, "weight": weight, "bias": bias}

def reference(x, a, weight, bias):
    # a: [B, 1] int -> squeeze to [B]
    idx = a[:, 0].astype(jnp.int32)
    # gather per-sample transformation matrices: [B, D, D]
    W = jnp.take(weight, idx, axis=0)
    b = jnp.take(bias, idx, axis=0)
    # (weight[a].squeeze(1) @ x.unsqueeze(-1)).reshape(x.shape) + bias[a].squeeze(1)
    z = jnp.einsum('bij,bj->bi', W, x)
    z = z + b
    return z

if __name__ == "__main__":
    import jax
    _d = setup_inputs()
    print(jax.jit(kernel)(*tuple(_d.values())))

</pallas_src>

<mosaic_0001>
#map = affine_map<(d0, d1) -> (0, 0)>
#map1 = affine_map<(d0, d1) -> (0)>
module attributes {stable_mosaic.version = 14 : i64} {
  func.func @_route(%arg0: i32, %arg1: i32, %arg2: memref<4096x128xf32, #tpu.memory_space<hbm>>, %arg3: memref<4096xi32, #tpu.memory_space<hbm>>, %arg4: memref<4096xi32, #tpu.memory_space<hbm>>, %arg5: memref<20480x128xf32, #tpu.memory_space<hbm>>, %arg6: memref<128xi32, #tpu.memory_space<vmem>>, %arg7: memref<128xi32, #tpu.memory_space<vmem>>, %arg8: memref<128x128xf32, #tpu.memory_space<vmem>>, %arg9: memref<!tpu.dma_semaphore, #tpu.memory_space<semaphore_mem>>) attributes {dimension_semantics = [#tpu.dimension_semantics<core_parallel>, #tpu.dimension_semantics<subcore_parallel>], iteration_bounds = array<i64: 2, 16>, scalar_prefetch = 0 : i64, scratch_operands = 4 : i64, tpu.core_type = #tpu.core_type<sc_vector_subcore>, window_params = [{transform_indices = #map}, {transform_indices = #map1}, {transform_indices = #map1}, {transform_indices = #map}]} {
    %mul3A = arith.constant 2 : i32
    %mul3A_0 = arith.muli %arg1, %mul3A : i32
    %add3A = arith.addi %mul3A_0, %arg0 : i32
    %mul3A_1 = arith.constant 128 : i32
    %mul3A_2 = arith.muli %add3A, %mul3A_1 : i32
    "tpu.region"() ({
      %run_scoped3A = tpu.sem_alloc : memref<!tpu.dma_semaphore, #tpu.memory_space<semaphore_mem>>
      %dma_start3A_13 = tpu.memref_slice %arg3[%mul3A_2] : memref<4096xi32, #tpu.memory_space<hbm>> -> memref<128xi32, #tpu.memory_space<hbm>>
      %dma_start3A_14 = tpu.memref_slice %arg3[%mul3A_2] : memref<4096xi32, #tpu.memory_space<hbm>> -> memref<128xi32, #tpu.memory_space<hbm>>
      tpu.enqueue_dma source(%dma_start3A_14 : memref<128xi32, #tpu.memory_space<hbm>>) target(%arg6 : memref<128xi32, #tpu.memory_space<vmem>>) target_semaphore(%run_scoped3A : memref<!tpu.dma_semaphore, #tpu.memory_space<semaphore_mem>>)
      %dma_wait3A_15 = tpu.memref_slice %arg3[%mul3A_2] : memref<4096xi32, #tpu.memory_space<hbm>> -> memref<128xi32, #tpu.memory_space<hbm>>
      %dma_wait3A_16 = tpu.memref_slice %arg3[%mul3A_2] : memref<4096xi32, #tpu.memory_space<hbm>> -> memref<128xi32, #tpu.memory_space<hbm>>
      tpu.wait_dma2 semaphore(%run_scoped3A : memref<!tpu.dma_semaphore, #tpu.memory_space<semaphore_mem>>) src(%dma_wait3A_16 : memref<128xi32, #tpu.memory_space<hbm>>) dst(%arg6 : memref<128xi32, #tpu.memory_space<vmem>>)
      tpu.yield
    }) : () -> ()
    "tpu.region"() ({
      %run_scoped3A = tpu.sem_alloc : memref<!tpu.dma_semaphore, #tpu.memory_space<semaphore_mem>>
      %dma_start3A_13 = tpu.memref_slice %arg4[%mul3A_2] : memref<4096xi32, #tpu.memory_space<hbm>> -> memref<128xi32, #tpu.memory_space<hbm>>
      %dma_start3A_14 = tpu.memref_slice %arg4[%mul3A_2] : memref<4096xi32, #tpu.memory_space<hbm>> -> memref<128xi32, #tpu.memory_space<hbm>>
      tpu.enqueue_dma source(%dma_start3A_14 : memref<128xi32, #tpu.memory_space<hbm>>) target(%arg7 : memref<128xi32, #tpu.memory_space<vmem>>) target_semaphore(%run_scoped3A : memref<!tpu.dma_semaphore, #tpu.memory_space<semaphore_mem>>)
      %dma_wait3A_15 = tpu.memref_slice %arg4[%mul3A_2] : memref<4096xi32, #tpu.memory_space<hbm>> -> memref<128xi32, #tpu.memory_space<hbm>>
      %dma_wait3A_16 = tpu.memref_slice %arg4[%mul3A_2] : memref<4096xi32, #tpu.memory_space<hbm>> -> memref<128xi32, #tpu.memory_space<hbm>>
      tpu.wait_dma2 semaphore(%run_scoped3A : memref<!tpu.dma_semaphore, #tpu.memory_space<semaphore_mem>>) src(%dma_wait3A_16 : memref<128xi32, #tpu.memory_space<hbm>>) dst(%arg7 : memref<128xi32, #tpu.memory_space<vmem>>)
      tpu.yield
    }) : () -> ()
    %dma_start3A = arith.constant 0 : i32
    %dma_start3A_3 = arith.constant 0 : i32
    %dma_start3A_4 = tpu.memref_slice %arg2[%dma_start3A, %dma_start3A_3] : memref<4096x128xf32, #tpu.memory_space<hbm>> -> memref<4096x128xf32, #tpu.memory_space<hbm>>
    tpu.enqueue_indirect_dma source(%dma_start3A_4 : memref<4096x128xf32, #tpu.memory_space<hbm>>) target(%arg8 : memref<128x128xf32, #tpu.memory_space<vmem>>) offsets(%arg6 : memref<128xi32, #tpu.memory_space<vmem>>) semaphore(%arg9 : memref<!tpu.dma_semaphore, #tpu.memory_space<semaphore_mem>>)
    %dma_wait3A = arith.constant 0 : i32
    %dma_wait3A_5 = arith.constant 0 : i32
    %dma_wait3A_6 = tpu.memref_slice %arg2[%dma_wait3A, %dma_wait3A_5] : memref<4096x128xf32, #tpu.memory_space<hbm>> -> memref<4096x128xf32, #tpu.memory_space<hbm>>
    tpu.wait_indirect_dma semaphore(%arg9 : memref<!tpu.dma_semaphore, #tpu.memory_space<semaphore_mem>>) src(%dma_wait3A_6 : memref<4096x128xf32, #tpu.memory_space<hbm>>) dst(%arg8 : memref<128x128xf32, #tpu.memory_space<vmem>>)
    %dma_start3A_7 = arith.constant 0 : i32
    %dma_start3A_8 = arith.constant 0 : i32
    %dma_start3A_9 = tpu.memref_slice %arg5[%dma_start3A_7, %dma_start3A_8] : memref<20480x128xf32, #tpu.memory_space<hbm>> -> memref<20480x128xf32, #tpu.memory_space<hbm>>
    tpu.enqueue_indirect_dma source(%arg8 : memref<128x128xf32, #tpu.memory_space<vmem>>) target(%dma_start3A_9 : memref<20480x128xf32, #tpu.memory_space<hbm>>) offsets(%arg7 : memref<128xi32, #tpu.memory_space<vmem>>) semaphore(%arg9 : memref<!tpu.dma_semaphore, #tpu.memory_space<semaphore_mem>>)
    %dma_wait3A_10 = arith.constant 0 : i32
    %dma_wait3A_11 = arith.constant 0 : i32
    %dma_wait3A_12 = tpu.memref_slice %arg5[%dma_wait3A_10, %dma_wait3A_11] : memref<20480x128xf32, #tpu.memory_space<hbm>> -> memref<20480x128xf32, #tpu.memory_space<hbm>>
    tpu.wait_indirect_dma semaphore(%arg9 : memref<!tpu.dma_semaphore, #tpu.memory_space<semaphore_mem>>) src(%arg8 : memref<128x128xf32, #tpu.memory_space<vmem>>) dst(%dma_wait3A_12 : memref<20480x128xf32, #tpu.memory_space<hbm>>)
    return
  }
}

#map = affine_map<(d0, d1) -> (0, 0)>
#map1 = affine_map<(d0, d1) -> (0)>
module attributes {stable_mosaic.version = 14 : i64} {
  func.func @_route(%arg0: i32, %arg1: i32, %arg2: memref<20480x128xf32, #tpu.memory_space<hbm>>, %arg3: memref<4096xi32, #tpu.memory_space<hbm>>, %arg4: memref<4096xi32, #tpu.memory_space<hbm>>, %arg5: memref<4096x128xf32, #tpu.memory_space<hbm>>, %arg6: memref<128xi32, #tpu.memory_space<vmem>>, %arg7: memref<128xi32, #tpu.memory_space<vmem>>, %arg8: memref<128x128xf32, #tpu.memory_space<vmem>>, %arg9: memref<!tpu.dma_semaphore, #tpu.memory_space<semaphore_mem>>) attributes {dimension_semantics = [#tpu.dimension_semantics<core_parallel>, #tpu.dimension_semantics<subcore_parallel>], iteration_bounds = array<i64: 2, 16>, scalar_prefetch = 0 : i64, scratch_operands = 4 : i64, tpu.core_type = #tpu.core_type<sc_vector_subcore>, window_params = [{transform_indices = #map}, {transform_indices = #map1}, {transform_indices = #map1}, {transform_indices = #map}]} {
    %mul3A = arith.constant 2 : i32
    %mul3A_0 = arith.muli %arg1, %mul3A : i32
    %add3A = arith.addi %mul3A_0, %arg0 : i32
    %mul3A_1 = arith.constant 128 : i32
    %mul3A_2 = arith.muli %add3A, %mul3A_1 : i32
    "tpu.region"() ({
      %run_scoped3A = tpu.sem_alloc : memref<!tpu.dma_semaphore, #tpu.memory_space<semaphore_mem>>
      %dma_start3A_13 = tpu.memref_slice %arg3[%mul3A_2] : memref<4096xi32, #tpu.memory_space<hbm>> -> memref<128xi32, #tpu.memory_space<hbm>>
      %dma_start3A_14 = tpu.memref_slice %arg3[%mul3A_2] : memref<4096xi32, #tpu.memory_space<hbm>> -> memref<128xi32, #tpu.memory_space<hbm>>
      tpu.enqueue_dma source(%dma_start3A_14 : memref<128xi32, #tpu.memory_space<hbm>>) target(%arg6 : memref<128xi32, #tpu.memory_space<vmem>>) target_semaphore(%run_scoped3A : memref<!tpu.dma_semaphore, #tpu.memory_space<semaphore_mem>>)
      %dma_wait3A_15 = tpu.memref_slice %arg3[%mul3A_2] : memref<4096xi32, #tpu.memory_space<hbm>> -> memref<128xi32, #tpu.memory_space<hbm>>
      %dma_wait3A_16 = tpu.memref_slice %arg3[%mul3A_2] : memref<4096xi32, #tpu.memory_space<hbm>> -> memref<128xi32, #tpu.memory_space<hbm>>
      tpu.wait_dma2 semaphore(%run_scoped3A : memref<!tpu.dma_semaphore, #tpu.memory_space<semaphore_mem>>) src(%dma_wait3A_16 : memref<128xi32, #tpu.memory_space<hbm>>) dst(%arg6 : memref<128xi32, #tpu.memory_space<vmem>>)
      tpu.yield
    }) : () -> ()
    "tpu.region"() ({
      %run_scoped3A = tpu.sem_alloc : memref<!tpu.dma_semaphore, #tpu.memory_space<semaphore_mem>>
      %dma_start3A_13 = tpu.memref_slice %arg4[%mul3A_2] : memref<4096xi32, #tpu.memory_space<hbm>> -> memref<128xi32, #tpu.memory_space<hbm>>
      %dma_start3A_14 = tpu.memref_slice %arg4[%mul3A_2] : memref<4096xi32, #tpu.memory_space<hbm>> -> memref<128xi32, #tpu.memory_space<hbm>>
      tpu.enqueue_dma source(%dma_start3A_14 : memref<128xi32, #tpu.memory_space<hbm>>) target(%arg7 : memref<128xi32, #tpu.memory_space<vmem>>) target_semaphore(%run_scoped3A : memref<!tpu.dma_semaphore, #tpu.memory_space<semaphore_mem>>)
      %dma_wait3A_15 = tpu.memref_slice %arg4[%mul3A_2] : memref<4096xi32, #tpu.memory_space<hbm>> -> memref<128xi32, #tpu.memory_space<hbm>>
      %dma_wait3A_16 = tpu.memref_slice %arg4[%mul3A_2] : memref<4096xi32, #tpu.memory_space<hbm>> -> memref<128xi32, #tpu.memory_space<hbm>>
      tpu.wait_dma2 semaphore(%run_scoped3A : memref<!tpu.dma_semaphore, #tpu.memory_space<semaphore_mem>>) src(%dma_wait3A_16 : memref<128xi32, #tpu.memory_space<hbm>>) dst(%arg7 : memref<128xi32, #tpu.memory_space<vmem>>)
      tpu.yield
    }) : () -> ()
    %dma_start3A = arith.constant 0 : i32
    %dma_start3A_3 = arith.constant 0 : i32
    %dma_start3A_4 = tpu.memref_slice %arg2[%dma_start3A, %dma_start3A_3] : memref<20480x128xf32, #tpu.memory_space<hbm>> -> memref<20480x128xf32, #tpu.memory_space<hbm>>
    tpu.enqueue_indirect_dma source(%dma_start3A_4 : memref<20480x128xf32, #tpu.memory_space<hbm>>) target(%arg8 : memref<128x128xf32, #tpu.memory_space<vmem>>) offsets(%arg6 : memref<128xi32, #tpu.memory_space<vmem>>) semaphore(%arg9 : memref<!tpu.dma_semaphore, #tpu.memory_space<semaphore_mem>>)
    %dma_wait3A = arith.constant 0 : i32
    %dma_wait3A_5 = arith.constant 0 : i32
    %dma_wait3A_6 = tpu.memref_slice %arg2[%dma_wait3A, %dma_wait3A_5] : memref<20480x128xf32, #tpu.memory_space<hbm>> -> memref<20480x128xf32, #tpu.memory_space<hbm>>
    tpu.wait_indirect_dma semaphore(%arg9 : memref<!tpu.dma_semaphore, #tpu.memory_space<semaphore_mem>>) src(%dma_wait3A_6 : memref<20480x128xf32, #tpu.memory_space<hbm>>) dst(%arg8 : memref<128x128xf32, #tpu.memory_space<vmem>>)
    %dma_start3A_7 = arith.constant 0 : i32
    %dma_start3A_8 = arith.constant 0 : i32
    %dma_start3A_9 = tpu.memref_slice %arg5[%dma_start3A_7, %dma_start3A_8] : memref<4096x128xf32, #tpu.memory_space<hbm>> -> memref<4096x128xf32, #tpu.memory_space<hbm>>
    tpu.enqueue_indirect_dma source(%arg8 : memref<128x128xf32, #tpu.memory_space<vmem>>) target(%dma_start3A_9 : memref<4096x128xf32, #tpu.memory_space<hbm>>) offsets(%arg7 : memref<128xi32, #tpu.memory_space<vmem>>) semaphore(%arg9 : memref<!tpu.dma_semaphore, #tpu.memory_space<semaphore_mem>>)
    %dma_wait3A_10 = arith.constant 0 : i32
    %dma_wait3A_11 = arith.constant 0 : i32
    %dma_wait3A_12 = tpu.memref_slice %arg5[%dma_wait3A_10, %dma_wait3A_11] : memref<4096x128xf32, #tpu.memory_space<hbm>> -> memref<4096x128xf32, #tpu.memory_space<hbm>>
    tpu.wait_indirect_dma semaphore(%arg9 : memref<!tpu.dma_semaphore, #tpu.memory_space<semaphore_mem>>) src(%arg8 : memref<128x128xf32, #tpu.memory_space<vmem>>) dst(%dma_wait3A_12 : memref<4096x128xf32, #tpu.memory_space<hbm>>)
    return
  }
}

module attributes {stable_mosaic.version = 14 : i64} {
  func.func @_tc_body(%arg0: i32, %arg1: memref<1280xi32, #tpu.memory_space<smem>>, %arg2: memref<64x1x16x128xf32, #tpu.memory_space<vmem>>, %arg3: memref<1000x128xf32, #tpu.memory_space<vmem>>, %arg4: memref<1x128x128xf32, #tpu.memory_space<vmem>>, %arg5: memref<1x128x128xf32, #tpu.memory_space<vmem>>, %arg6: memref<1x128x128xf32, #tpu.memory_space<vmem>>, %arg7: memref<1x128x128xf32, #tpu.memory_space<vmem>>, %arg8: memref<1x128x128xf32, #tpu.memory_space<vmem>>, %arg9: memref<1x128x128xf32, #tpu.memory_space<vmem>>, %arg10: memref<1x128x128xf32, #tpu.memory_space<vmem>>, %arg11: memref<1x128x128xf32, #tpu.memory_space<vmem>>, %arg12: memref<1x128x128xf32, #tpu.memory_space<vmem>>, %arg13: memref<1x128x128xf32, #tpu.memory_space<vmem>>, %arg14: memref<1x128x128xf32, #tpu.memory_space<vmem>>, %arg15: memref<1x128x128xf32, #tpu.memory_space<vmem>>, %arg16: memref<1x128x128xf32, #tpu.memory_space<vmem>>, %arg17: memref<1x128x128xf32, #tpu.memory_space<vmem>>, %arg18: memref<1x128x128xf32, #tpu.memory_space<vmem>>, %arg19: memref<1x128x128xf32, #tpu.memory_space<vmem>>, %arg20: memref<1x128x128xf32, #tpu.memory_space<vmem>>, %arg21: memref<1x128x128xf32, #tpu.memory_space<vmem>>, %arg22: memref<1x128x128xf32, #tpu.memory_space<vmem>>, %arg23: memref<1x128x128xf32, #tpu.memory_space<vmem>>, %arg24: memref<1x128x128xf32, #tpu.memory_space<vmem>>, %arg25: memref<1x128x128xf32, #tpu.memory_space<vmem>>, %arg26: memref<1x128x128xf32, #tpu.memory_space<vmem>>, %arg27: memref<1x128x128xf32, #tpu.memory_space<vmem>>, %arg28: memref<1x128x128xf32, #tpu.memory_space<vmem>>, %arg29: memref<1x128x128xf32, #tpu.memory_space<vmem>>, %arg30: memref<1x128x128xf32, #tpu.memory_space<vmem>>, %arg31: memref<1x128x128xf32, #tpu.memory_space<vmem>>, %arg32: memref<1x128x128xf32, #tpu.memory_space<vmem>>, %arg33: memref<1x128x128xf32, #tpu.memory_space<vmem>>, %arg34: memref<1x128x128xf32, #tpu.memory_space<vmem>>, %arg35: memref<1x128x128xf32, #tpu.memory_space<vmem>>, %arg36: memref<1x128x128xf32, #tpu.memory_space<vmem>>, %arg37: memref<1x128x128xf32, #tpu.memory_space<vmem>>, %arg38: memref<1x128x128xf32, #tpu.memory_space<vmem>>, %arg39: memref<1x128x128xf32, #tpu.memory_space<vmem>>, %arg40: memref<1x128x128xf32, #tpu.memory_space<vmem>>, %arg41: memref<1x128x128xf32, #tpu.memory_space<vmem>>, %arg42: memref<1x128x128xf32, #tpu.memory_space<vmem>>, %arg43: memref<1x128x128xf32, #tpu.memory_space<vmem>>, %arg44: memref<1x128x128xf32, #tpu.memory_space<vmem>>, %arg45: memref<1x128x128xf32, #tpu.memory_space<vmem>>, %arg46: memref<1x128x128xf32, #tpu.memory_space<vmem>>, %arg47: memref<1x128x128xf32, #tpu.memory_space<vmem>>, %arg48: memref<1x128x128xf32, #tpu.memory_space<vmem>>, %arg49: memref<1x128x128xf32, #tpu.memory_space<vmem>>, %arg50: memref<1x128x128xf32, #tpu.memory_space<vmem>>, %arg51: memref<1x128x128xf32, #tpu.memory_space<vmem>>, %arg52: memref<1x128x128xf32, #tpu.memory_space<vmem>>, %arg53: memref<1x128x128xf32, #tpu.memory_space<vmem>>, %arg54: memref<1x128x128xf32, #tpu.memory_space<vmem>>, %arg55: memref<1x128x128xf32, #tpu.memory_space<vmem>>, %arg56: memref<1x128x128xf32, #tpu.memory_space<vmem>>, %arg57: memref<1x128x128xf32, #tpu.memory_space<vmem>>, %arg58: memref<1x128x128xf32, #tpu.memory_space<vmem>>, %arg59: memref<1x128x128xf32, #tpu.memory_space<vmem>>, %arg60: memref<1x128x128xf32, #tpu.memory_space<vmem>>, %arg61: memref<1x128x128xf32, #tpu.memory_space<vmem>>, %arg62: memref<1x128x128xf32, #tpu.memory_space<vmem>>, %arg63: memref<1x128x128xf32, #tpu.memory_space<vmem>>, %arg64: memref<1x128x128xf32, #tpu.memory_space<vmem>>, %arg65: memref<1x128x128xf32, #tpu.memory_space<vmem>>, %arg66: memref<1x128x128xf32, #tpu.memory_space<vmem>>, %arg67: memref<1x128x128xf32, #tpu.memory_space<vmem>>, %arg68: memref<64x1x16x128xf32, #tpu.memory_space<vmem>>) attributes {dimension_semantics = [#tpu.dimension_semantics<arbitrary>], iteration_bounds = array<i64: -9223372036854775808>, scalar_prefetch = 1 : i64, scratch_operands = 0 : i64, tpu.core_type = #tpu.core_type<tc>, window_params = [{transform_indices = @transform_0, window_bounds = array<i64: 64, 1, 16, 128>}, {pipeline_mode = #tpu.pipeline_mode<synchronous>, transform_indices = @transform_1, window_bounds = array<i64: 1000, 128>}, {transform_indices = @transform_2, window_bounds = array<i64: 1, 128, 128>}, {transform_indices = @transform_3, window_bounds = array<i64: 1, 128, 128>}, {transform_indices = @transform_4, window_bounds = array<i64: 1, 128, 128>}, {transform_indices = @transform_5, window_bounds = array<i64: 1, 128, 128>}, {transform_indices = @transform_6, window_bounds = array<i64: 1, 128, 128>}, {transform_indices = @transform_7, window_bounds = array<i64: 1, 128, 128>}, {transform_indices = @transform_8, window_bounds = array<i64: 1, 128, 128>}, {transform_indices = @transform_9, window_bounds = array<i64: 1, 128, 128>}, {transform_indices = @transform_10, window_bounds = array<i64: 1, 128, 128>}, {transform_indices = @transform_11, window_bounds = array<i64: 1, 128, 128>}, {transform_indices = @transform_12, window_bounds = array<i64: 1, 128, 128>}, {transform_indices = @transform_13, window_bounds = array<i64: 1, 128, 128>}, {transform_indices = @transform_14, window_bounds = array<i64: 1, 128, 128>}, {transform_indices = @transform_15, window_bounds = array<i64: 1, 128, 128>}, {transform_indices = @transform_16, window_bounds = array<i64: 1, 128, 128>}, {transform_indices = @transform_17, window_bounds = array<i64: 1, 128, 128>}, {transform_indices = @transform_18, window_bounds = array<i64: 1, 128, 128>}, {transform_indices = @transform_19, window_bounds = array<i64: 1, 128, 128>}, {transform_indices = @transform_20, window_bounds = array<i64: 1, 128, 128>}, {transform_indices = @transform_21, window_bounds = array<i64: 1, 128, 128>}, {transform_indices = @transform_22, window_bounds = array<i64: 1, 128, 128>}, {transform_indices = @transform_23, window_bounds = array<i64: 1, 128, 128>}, {transform_indices = @transform_24, window_bounds = array<i64: 1, 128, 128>}, {transform_indices = @transform_25, window_bounds = array<i64: 1, 128, 128>}, {transform_indices = @transform_26, window_bounds = array<i64: 1, 128, 128>}, {transform_indices = @transform_27, window_bounds = array<i64: 1, 128, 128>}, {transform_indices = @transform_28, window_bounds = array<i64: 1, 128, 128>}, {transform_indices = @transform_29, window_bounds = array<i64: 1, 128, 128>}, {transform_indices = @transform_30, window_bounds = array<i64: 1, 128, 128>}, {transform_indices = @transform_31, window_bounds = array<i64: 1, 128, 128>}, {transform_indices = @transform_32, window_bounds = array<i64: 1, 128, 128>}, {transform_indices = @transform_33, window_bounds = array<i64: 1, 128, 128>}, {transform_indices = @transform_34, window_bounds = array<i64: 1, 128, 128>}, {transform_indices = @transform_35, window_bounds = array<i64: 1, 128, 128>}, {transform_indices = @transform_36, window_bounds = array<i64: 1, 128, 128>}, {transform_indices = @transform_37, window_bounds = array<i64: 1, 128, 128>}, {transform_indices = @transform_38, window_bounds = array<i64: 1, 128, 128>}, {transform_indices = @transform_39, window_bounds = array<i64: 1, 128, 128>}, {transform_indices = @transform_40, window_bounds = array<i64: 1, 128, 128>}, {transform_indices = @transform_41, window_bounds = array<i64: 1, 128, 128>}, {transform_indices = @transform_42, window_bounds = array<i64: 1, 128, 128>}, {transform_indices = @transform_43, window_bounds = array<i64: 1, 128, 128>}, {transform_indices = @transform_44, window_bounds = array<i64: 1, 128, 128>}, {transform_indices = @transform_45, window_bounds = array<i64: 1, 128, 128>}, {transform_indices = @transform_46, window_bounds = array<i64: 1, 128, 128>}, {transform_indices = @transform_47, window_bounds = array<i64: 1, 128, 128>}, {transform_indices = @transform_48, window_bounds = array<i64: 1, 128, 128>}, {transform_indices = @transform_49, window_bounds = array<i64: 1, 128, 128>}, {transform_indices = @transform_50, window_bounds = array<i64: 1, 128, 128>}, {transform_indices = @transform_51, window_bounds = array<i64: 1, 128, 128>}, {transform_indices = @transform_52, window_bounds = array<i64: 1, 128, 128>}, {transform_indices = @transform_53, window_bounds = array<i64: 1, 128, 128>}, {transform_indices = @transform_54, window_bounds = array<i64: 1, 128, 128>}, {transform_indices = @transform_55, window_bounds = array<i64: 1, 128, 128>}, {transform_indices = @transform_56, window_bounds = array<i64: 1, 128, 128>}, {transform_indices = @transform_57, window_bounds = array<i64: 1, 128, 128>}, {transform_indices = @transform_58, window_bounds = array<i64: 1, 128, 128>}, {transform_indices = @transform_59, window_bounds = array<i64: 1, 128, 128>}, {transform_indices = @transform_60, window_bounds = array<i64: 1, 128, 128>}, {transform_indices = @transform_61, window_bounds = array<i64: 1, 128, 128>}, {transform_indices = @transform_62, window_bounds = array<i64: 1, 128, 128>}, {transform_indices = @transform_63, window_bounds = array<i64: 1, 128, 128>}, {transform_indices = @transform_64, window_bounds = array<i64: 1, 128, 128>}, {transform_indices = @transform_65, window_bounds = array<i64: 1, 128, 128>}, {transform_indices = @transform_66, window_bounds = array<i64: 64, 1, 16, 128>}]} {
    %add3A = arith.constant 0 : i32
    %add3A_0 = arith.addi %add3A, %arg0 : i32
    %get3A = arith.index_cast %add3A_0 : i32 to index
    %get3A_1 = memref.load %arg1[%get3A] : memref<1280xi32, #tpu.memory_space<smem>>
    %get3A_2 = arith.constant 0 : index
    %get3A_3 = arith.constant 0 : index
    %get3A_4 = arith.constant 0 : index
    %get3A_5 = arith.constant 0 : index
    %get3A_6 = vector.load %arg2[%get3A_2, %get3A_3, %get3A_4, %get3A_5] : memref<64x1x16x128xf32, #tpu.memory_space<vmem>>, vector<1x1x16x128xf32>
    %get3A_7 = vector.shape_cast %get3A_6 : vector<1x1x16x128xf32> to vector<16x128xf32>
    %get3A_8 = arith.constant 0 : index
    %get3A_9 = arith.constant 0 : index
    %get3A_10 = arith.constant 0 : index
    %get3A_11 = vector.load %arg4[%get3A_8, %get3A_9, %get3A_10] : memref<1x128x128xf32, #tpu.memory_space<vmem>>, vector<1x128x128xf32>
    %get3A_12 = vector.shape_cast %get3A_11 : vector<1x128x128xf32> to vector<128x128xf32>
    %dot_general3A = arith.constant dense<0.000000e+00> : vector<16x128xf32>
    %dot_general3A_13 = tpu.matmul %get3A_7, %get3A_12, %dot_general3A {dimension_numbers = #tpu.dot_dimension_numbers<[1], [1], [0], [0], [0, 0, 1, 0], [], []>, transpose_lhs_hint = false} : vector<16x128xf32>, vector<128x128xf32>, vector<16x128xf32> -> vector<16x128xf32>
    %get3A_14 = arith.index_cast %get3A_1 : i32 to index
    %get3A_15 = arith.constant 0 : index
    %get3A_16 = vector.load %arg3[%get3A_14, %get3A_15] : memref<1000x128xf32, #tpu.memory_space<vmem>>, vector<1x128xf32>
    %add3A_17 = vector.broadcast %get3A_16 : vector<1x128xf32> to vector<16x128xf32>
    %add3A_18 = arith.addf %dot_general3A_13, %add3A_17 : vector<16x128xf32>
    %swap3A = arith.constant 0 : index
    %swap3A_19 = arith.constant 0 : index
    %swap3A_20 = arith.constant 0 : index
    %swap3A_21 = arith.constant 0 : index
    %swap3A_22 = vector.load %arg68[%swap3A, %swap3A_19, %swap3A_20, %swap3A_21] : memref<64x1x16x128xf32, #tpu.memory_space<vmem>>, vector<1x1x16x128xf32>
    %swap3A_23 = vector.shape_cast %swap3A_22 : vector<1x1x16x128xf32> to vector<16x128xf32>
    %swap3A_24 = vector.shape_cast %add3A_18 : vector<16x128xf32> to vector<1x1x16x128xf32>
    tpu.vector_store %arg68[%swap3A, %swap3A_19, %swap3A_20, %swap3A_21], %swap3A_24 {strides = array<i32>} : memref<64x1x16x128xf32, #tpu.memory_space<vmem>>, vector<1x1x16x128xf32>,
    %add3A_25 = arith.constant 20 : i32
    %add3A_26 = arith.addi %add3A_25, %arg0 : i32
    %get3A_27 = arith.index_cast %add3A_26 : i32 to index
    %get3A_28 = memref.load %arg1[%get3A_27] : memref<1280xi32, #tpu.memory_space<smem>>
    %get3A_29 = arith.constant 1 : index
    %get3A_30 = arith.constant 0 : index
    %get3A_31 = arith.constant 0 : index
    %get3A_32 = arith.constant 0 : index
    %get3A_33 = vector.load %arg2[%get3A_29, %get3A_30, %get3A_31, %get3A_32] : memref<64x1x16x128xf32, #tpu.memory_space<vmem>>, vector<1x1x16x128xf32>
    %get3A_34 = vector.shape_cast %get3A_33 : vector<1x1x16x128xf32> to vector<16x128xf32>
    %get3A_35 = arith.constant 0 : index
    %get3A_36 = arith.constant 0 : index
    %get3A_37 = arith.constant 0 : index
    %get3A_38 = vector.load %arg5[%get3A_35, %get3A_36, %get3A_37] : memref<1x128x128xf32, #tpu.memory_space<vmem>>, vector<1x128x128xf32>
    %get3A_39 = vector.shape_cast %get3A_38 : vector<1x128x128xf32> to vector<128x128xf32>
    %dot_general3A_40 = arith.constant dense<0.000000e+00> : vector<16x128xf32>
    %dot_general3A_41 = tpu.matmul %get3A_34, %get3A_39, %dot_general3A_40 {dimension_numbers = #tpu.dot_dimension_numbers<[1], [1], [0], [0], [0, 0, 1, 0], [], []>, transpose_lhs_hint = false} : vector<16x128xf32>, vector<128x128xf32>, vector<16x128xf32> -> vector<16x128xf32>
    %get3A_42 = arith.index_cast %get3A_28 : i32 to index
    %get3A_43 = arith.constant 0 : index
    %get3A_44 = vector.load %arg3[%get3A_42, %get3A_43] : memref<1000x128xf32, #tpu.memory_space<vmem>>, vector<1x128xf32>
    %add3A_45 = vector.broadcast %get3A_44 : vector<1x128xf32> to vector<16x128xf32>
    %add3A_46 = arith.addf %dot_general3A_41, %add3A_45 : vector<16x128xf32>
    %swap3A_47 = arith.constant 1 : index
    %swap3A_48 = arith.constant 0 : index
    %swap3A_49 = arith.constant 0 : index
    %swap3A_50 = arith.constant 0 : index
    %swap3A_51 = vector.load %arg68[%swap3A_47, %swap3A_48, %swap3A_49, %swap3A_50] : memref<64x1x16x128xf32, #tpu.memory_space<vmem>>, vector<1x1x16x128xf32>
    %swap3A_52 = vector.shape_cast %swap3A_51 : vector<1x1x16x128xf32> to vector<16x128xf32>
    %swap3A_53 = vector.shape_cast %add3A_46 : vector<16x128xf32> to vector<1x1x16x128xf32>
    tpu.vector_store %arg68[%swap3A_47, %swap3A_48, %swap3A_49, %swap3A_50], %swap3A_53 {strides = array<i32>} : memref<64x1x16x128xf32, #tpu.memory_space<vmem>>, vector<1x1x16x128xf32>,
    %add3A_54 = arith.constant 40 : i32
    %add3A_55 = arith.addi %add3A_54, %arg0 : i32
    %get3A_56 = arith.index_cast %add3A_55 : i32 to index
    %get3A_57 = memref.load %arg1[%get3A_56] : memref<1280xi32, #tpu.memory_space<smem>>
    %get3A_58 = arith.constant 2 : index
    %get3A_59 = arith.constant 0 : index
    %get3A_60 = arith.constant 0 : index
    %get3A_61 = arith.constant 0 : index
    %get3A_62 = vector.load %arg2[%get3A_58, %get3A_59, %get3A_60, %get3A_61] : memref<64x1x16x128xf32, #tpu.memory_space<vmem>>, vector<1x1x16x128xf32>
    %get3A_63 = vector.shape_cast %get3A_62 : vector<1x1x16x128xf32> to vector<16x128xf32>
    %get3A_64 = arith.constant 0 : index
    %get3A_65 = arith.constant 0 : index
    %get3A_66 = arith.constant 0 : index
    %get3A_67 = vector.load %arg6[%get3A_64, %get3A_65, %get3A_66] : memref<1x128x128xf32, #tpu.memory_space<vmem>>, vector<1x128x128xf32>
    %get3A_68 = vector.shape_cast %get3A_67 : vector<1x128x128xf32> to vector<128x128xf32>
    %dot_general3A_69 = arith.constant dense<0.000000e+00> : vector<16x128xf32>
    %dot_general3A_70 = tpu.matmul %get3A_63, %get3A_68, %dot_general3A_69 {dimension_numbers = #tpu.dot_dimension_numbers<[1], [1], [0], [0], [0, 0, 1, 0], [], []>, transpose_lhs_hint = false} : vector<16x128xf32>, vector<128x128xf32>, vector<16x128xf32> -> vector<16x128xf32>
    %get3A_71 = arith.index_cast %get3A_57 : i32 to index
    %get3A_72 = arith.constant 0 : index
    %get3A_73 = vector.load %arg3[%get3A_71, %get3A_72] : memref<1000x128xf32, #tpu.memory_space<vmem>>, vector<1x128xf32>
    %add3A_74 = vector.broadcast %get3A_73 : vector<1x128xf32> to vector<16x128xf32>
    %add3A_75 = arith.addf %dot_general3A_70, %add3A_74 : vector<16x128xf32>
    %swap3A_76 = arith.constant 2 : index
    %swap3A_77 = arith.constant 0 : index
    %swap3A_78 = arith.constant 0 : index
    %swap3A_79 = arith.constant 0 : index
    %swap3A_80 = vector.load %arg68[%swap3A_76, %swap3A_77, %swap3A_78, %swap3A_79] : memref<64x1x16x128xf32, #tpu.memory_space<vmem>>, vector<1x1x16x128xf32>
    %swap3A_81 = vector.shape_cast %swap3A_80 : vector<1x1x16x128xf32> to vector<16x128xf32>
    %swap3A_82 = vector.shape_cast %add3A_75 : vector<16x128xf32> to vector<1x1x16x128xf32>
    tpu.vector_store %arg68[%swap3A_76, %swap3A_77, %swap3A_78, %swap3A_79], %swap3A_82 {strides = array<i32>} : memref<64x1x16x128xf32, #tpu.memory_space<vmem>>, vector<1x1x16x128xf32>,
    %add3A_83 = arith.constant 60 : i32
    %add3A_84 = arith.addi %add3A_83, %arg0 : i32
    %get3A_85 = arith.index_cast %add3A_84 : i32 to index
    %get3A_86 = memref.load %arg1[%get3A_85] : memref<1280xi32, #tpu.memory_space<smem>>
    %get3A_87 = arith.constant 3 : index
    %get3A_88 = arith.constant 0 : index
    %get3A_89 = arith.constant 0 : index
    %get3A_90 = arith.constant 0 : index
    %get3A_91 = vector.load %arg2[%get3A_87, %get3A_88, %get3A_89, %get3A_90] : memref<64x1x16x128xf32, #tpu.memory_space<vmem>>, vector<1x1x16x128xf32>
    %get3A_92 = vector.shape_cast %get3A_91 : vector<1x1x16x128xf32> to vector<16x128xf32>
    %get3A_93 = arith.constant 0 : index
    %get3A_94 = arith.constant 0 : index
    %get3A_95 = arith.constant 0 : index
    %get3A_96 = vector.load %arg7[%get3A_93, %get3A_94, %get3A_95] : memref<1x128x128xf32, #tpu.memory_space<vmem>>, vector<1x128x128xf32>
    %get3A_97 = vector.shape_cast %get3A_96 : vector<1x128x128xf32> to vector<128x128xf32>
    %dot_general3A_98 = arith.constant dense<0.000000e+00> : vector<16x128xf32>
    %dot_general3A_99 = tpu.matmul %get3A_92, %get3A_97, %dot_general3A_98 {dimension_numbers = #tpu.dot_dimension_numbers<[1], [1], [0], [0], [0, 0, 1, 0], [], []>, transpose_lhs_hint = false} : vector<16x128xf32>, vector<128x128xf32>, vector<16x128xf32> -> vector<16x128xf32>
    %get3A_100 = arith.index_cast %get3A_86 : i32 to index
    %get3A_101 = arith.constant 0 : index
    %get3A_102 = vector.load %arg3[%get3A_100, %get3A_101] : memref<1000x128xf32, #tpu.memory_space<vmem>>, vector<1x128xf32>
    %add3A_103 = vector.broadcast %get3A_102 : vector<1x128xf32> to vector<16x128xf32>
    %add3A_104 = arith.addf %dot_general3A_99, %add3A_103 : vector<16x128xf32>
    %swap3A_105 = arith.constant 3 : index
    %swap3A_106 = arith.constant 0 : index
    %swap3A_107 = arith.constant 0 : index
    %swap3A_108 = arith.constant 0 : index
    %swap3A_109 = vector.load %arg68[%swap3A_105, %swap3A_106, %swap3A_107, %swap3A_108] : memref<64x1x16x128xf32, #tpu.memory_space<vmem>>, vector<1x1x16x128xf32>
    %swap3A_110 = vector.shape_cast %swap3A_109 : vector<1x1x16x128xf32> to vector<16x128xf32>
    %swap3A_111 = vector.shape_cast %add3A_104 : vector<16x128xf32> to vector<1x1x16x128xf32>
    tpu.vector_store %arg68[%swap3A_105, %swap3A_106, %swap3A_107, %swap3A_108], %swap3A_111 {strides = array<i32>} : memref<64x1x16x128xf32, #tpu.memory_space<vmem>>, vector<1x1x16x128xf32>,
    %add3A_112 = arith.constant 80 : i32
    %add3A_113 = arith.addi %add3A_112, %arg0 : i32
    %get3A_114 = arith.index_cast %add3A_113 : i32 to index
    %get3A_115 = memref.load %arg1[%get3A_114] : memref<1280xi32, #tpu.memory_space<smem>>
    %get3A_116 = arith.constant 4 : index
    %get3A_117 = arith.constant 0 : index
    %get3A_118 = arith.constant 0 : index
    %get3A_119 = arith.constant 0 : index
    %get3A_120 = vector.load %arg2[%get3A_116, %get3A_117, %get3A_118, %get3A_119] : memref<64x1x16x128xf32, #tpu.memory_space<vmem>>, vector<1x1x16x128xf32>
    %get3A_121 = vector.shape_cast %get3A_120 : vector<1x1x16x128xf32> to vector<16x128xf32>
    %get3A_122 = arith.constant 0 : index
    %get3A_123 = arith.constant 0 : index
    %get3A_124 = arith.constant 0 : index
    %get3A_125 = vector.load %arg8[%get3A_122, %get3A_123, %get3A_124] : memref<1x128x128xf32, #tpu.memory_space<vmem>>, vector<1x128x128xf32>
    %get3A_126 = vector.shape_cast %get3A_125 : vector<1x128x128xf32> to vector<128x128xf32>
    %dot_general3A_127 = arith.constant dense<0.000000e+00> : vector<16x128xf32>
    %dot_general3A_128 = tpu.matmul %get3A_121, %get3A_126, %dot_general3A_127 {dimension_numbers = #tpu.dot_dimension_numbers<[1], [1], [0], [0], [0, 0, 1, 0], [], []>, transpose_lhs_hint = false} : vector<16x128xf32>, vector<128x128xf32>, vector<16x128xf32> -> vector<16x128xf32>
    %get3A_129 = arith.index_cast %get3A_115 : i32 to index
    %get3A_130 = arith.constant 0 : index
    %get3A_131 = vector.load %arg3[%get3A_129, %get3A_130] : memref<1000x128xf32, #tpu.memory_space<vmem>>, vector<1x128xf32>
    %add3A_132 = vector.broadcast %get3A_131 : vector<1x128xf32> to vector<16x128xf32>
    %add3A_133 = arith.addf %dot_general3A_128, %add3A_132 : vector<16x128xf32>
    %swap3A_134 = arith.constant 4 : index
    %swap3A_135 = arith.constant 0 : index
    %swap3A_136 = arith.constant 0 : index
    %swap3A_137 = arith.constant 0 : index
    %swap3A_138 = vector.load %arg68[%swap3A_134, %swap3A_135, %swap3A_136, %swap3A_137] : memref<64x1x16x128xf32, #tpu.memory_space<vmem>>, vector<1x1x16x128xf32>
    %swap3A_139 = vector.shape_cast %swap3A_138 : vector<1x1x16x128xf32> to vector<16x128xf32>
    %swap3A_140 = vector.shape_cast %add3A_133 : vector<16x128xf32> to vector<1x1x16x128xf32>
    tpu.vector_store %arg68[%swap3A_134, %swap3A_135, %swap3A_136, %swap3A_137], %swap3A_140 {strides = array<i32>} : memref<64x1x16x128xf32, #tpu.memory_space<vmem>>, vector<1x1x16x128xf32>,
    %add3A_141 = arith.constant 100 : i32
    %add3A_142 = arith.addi %add3A_141, %arg0 : i32
    %get3A_143 = arith.index_cast %add3A_142 : i32 to index
    %get3A_144 = memref.load %arg1[%get3A_143] : memref<1280xi32, #tpu.memory_space<smem>>
    %get3A_145 = arith.constant 5 : index
    %get3A_146 = arith.constant 0 : index
    %get3A_147 = arith.constant 0 : index
    %get3A_148 = arith.constant 0 : index
    %get3A_149 = vector.load %arg2[%get3A_145, %get3A_146, %get3A_147, %get3A_148] : memref<64x1x16x128xf32, #tpu.memory_space<vmem>>, vector<1x1x16x128xf32>
    %get3A_150 = vector.shape_cast %get3A_149 : vector<1x1x16x128xf32> to vector<16x128xf32>
    %get3A_151 = arith.constant 0 : index
    %get3A_152 = arith.constant 0 : index
    %get3A_153 = arith.constant 0 : index
    %get3A_154 = vector.load %arg9[%get3A_151, %get3A_152, %get3A_153] : memref<1x128x128xf32, #tpu.memory_space<vmem>>, vector<1x128x128xf32>
    %get3A_155 = vector.shape_cast %get3A_154 : vector<1x128x128xf32> to vector<128x128xf32>
    %dot_general3A_156 = arith.constant dense<0.000000e+00> : vector<16x128xf32>
    %dot_general3A_157 = tpu.matmul %get3A_150, %get3A_155, %dot_general3A_156 {dimension_numbers = #tpu.dot_dimension_numbers<[1], [1], [0], [0], [0, 0, 1, 0], [], []>, transpose_lhs_hint = false} : vector<16x128xf32>, vector<128x128xf32>, vector<16x128xf32> -> vector<16x128xf32>
    %get3A_158 = arith.index_cast %get3A_144 : i32 to index
    %get3A_159 = arith.constant 0 : index
    %get3A_160 = vector.load %arg3[%get3A_158, %get3A_159] : memref<1000x128xf32, #tpu.memory_space<vmem>>, vector<1x128xf32>
    %add3A_161 = vector.broadcast %get3A_160 : vector<1x128xf32> to vector<16x128xf32>
    %add3A_162 = arith.addf %dot_general3A_157, %add3A_161 : vector<16x128xf32>
    %swap3A_163 = arith.constant 5 : index
    %swap3A_164 = arith.constant 0 : index
    %swap3A_165 = arith.constant 0 : index
    %swap3A_166 = arith.constant 0 : index
    %swap3A_167 = vector.load %arg68[%swap3A_163, %swap3A_164, %swap3A_165, %swap3A_166] : memref<64x1x16x128xf32, #tpu.memory_space<vmem>>, vector<1x1x16x128xf32>
    %swap3A_168 = vector.shape_cast %swap3A_167 : vector<1x1x16x128xf32> to vector<16x128xf32>
    %swap3A_169 = vector.shape_cast %add3A_162 : vector<16x128xf32> to vector<1x1x16x128xf32>
    tpu.vector_store %arg68[%swap3A_163, %swap3A_164, %swap3A_165, %swap3A_166], %swap3A_169 {strides = array<i32>} : memref<64x1x16x128xf32, #tpu.memory_space<vmem>>, vector<1x1x16x128xf32>,
    %add3A_170 = arith.constant 120 : i32
    %add3A_171 = arith.addi %add3A_170, %arg0 : i32
    %get3A_172 = arith.index_cast %add3A_171 : i32 to index
    %get3A_173 = memref.load %arg1[%get3A_172] : memref<1280xi32, #tpu.memory_space<smem>>
    %get3A_174 = arith.constant 6 : index
    %get3A_175 = arith.constant 0 : index
    %get3A_176 = arith.constant 0 : index
    %get3A_177 = arith.constant 0 : index
    %get3A_178 = vector.load %arg2[%get3A_174, %get3A_175, %get3A_176, %get3A_177] : memref<64x1x16x128xf32, #tpu.memory_space<vmem>>, vector<1x1x16x128xf32>
    %get3A_179 = vector.shape_cast %get3A_178 : vector<1x1x16x128xf32> to vector<16x128xf32>
    %get3A_180 = arith.constant 0 : index
    %get3A_181 = arith.constant 0 : index
    %get3A_182 = arith.constant 0 : index
    %get3A_183 = vector.load %arg10[%get3A_180, %get3A_181, %get3A_182] : memref<1x128x128xf32, #tpu.memory_space<vmem>>, vector<1x128x128xf32>
    %get3A_184 = vector.shape_cast %get3A_183 : vector<1x128x128xf32> to vector<128x128xf32>
    %dot_general3A_185 = arith.constant dense<0.000000e+00> : vector<16x128xf32>
    %dot_general3A_186 = tpu.matmul %get3A_179, %get3A_184, %dot_general3A_185 {dimension_numbers = #tpu.dot_dimension_numbers<[1], [1], [0], [0], [0, 0, 1, 0], [], []>, transpose_lhs_hint = false} : vector<16x128xf32>, vector<128x128xf32>, vector<16x128xf32> -> vector<16x128xf32>
    %get3A_187 = arith.index_cast %get3A_173 : i32 to index
    %get3A_188 = arith.constant 0 : index
    %get3A_189 = vector.load %arg3[%get3A_187, %get3A_188] : memref<1000x128xf32, #tpu.memory_space<vmem>>, vector<1x128xf32>
    %add3A_190 = vector.broadcast %get3A_189 : vector<1x128xf32> to vector<16x128xf32>
    %add3A_191 = arith.addf %dot_general3A_186, %add3A_190 : vector<16x128xf32>
    %swap3A_192 = arith.constant 6 : index
    %swap3A_193 = arith.constant 0 : index
    %swap3A_194 = arith.constant 0 : index
    %swap3A_195 = arith.constant 0 : index
    %swap3A_196 = vector.load %arg68[%swap3A_192, %swap3A_193, %swap3A_194, %swap3A_195] : memref<64x1x16x128xf32, #tpu.memory_space<vmem>>, vector<1x1x16x128xf32>
    %swap3A_197 = vector.shape_cast %swap3A_196 : vector<1x1x16x128xf32> to vector<16x128xf32>
    %swap3A_198 = vector.shape_cast %add3A_191 : vector<16x128xf32> to vector<1x1x16x128xf32>
    tpu.vector_store %arg68[%swap3A_192, %swap3A_193, %swap3A_194, %swap3A_195], %swap3A_198 {strides = array<i32>} : memref<64x1x16x128xf32, #tpu.memory_space<vmem>>, vector<1x1x16x128xf32>,
    %add3A_199 = arith.constant 140 : i32
    %add3A_200 = arith.addi %add3A_199, %arg0 : i32
    %get3A_201 = arith.index_cast %add3A_200 : i32 to index
    %get3A_202 = memref.load %arg1[%get3A_201] : memref<1280xi32, #tpu.memory_space<smem>>
    %get3A_203 = arith.constant 7 : index
    %get3A_204 = arith.constant 0 : index
    %get3A_205 = arith.constant 0 : index
    %get3A_206 = arith.constant 0 : index
    %get3A_207 = vector.load %arg2[%get3A_203, %get3A_204, %get3A_205, %get3A_206] : memref<64x1x16x128xf32, #tpu.memory_space<vmem>>, vector<1x1x16x128xf32>
    %get3A_208 = vector.shape_cast %get3A_207 : vector<1x1x16x128xf32> to vector<16x128xf32>
    %get3A_209 = arith.constant 0 : index
    %get3A_210 = arith.constant 0 : index
    %get3A_211 = arith.constant 0 : index
    %get3A_212 = vector.load %arg11[%get3A_209, %get3A_210, %get3A_211] : memref<1x128x128xf32, #tpu.memory_space<vmem>>, vector<1x128x128xf32>
    %get3A_213 = vector.shape_cast %get3A_212 : vector<1x128x128xf32> to vector<128x128xf32>
    %dot_general3A_214 = arith.constant dense<0.000000e+00> : vector<16x128xf32>
    %dot_general3A_215 = tpu.matmul %get3A_208, %get3A_213, %dot_general3A_214 {dimension_numbers = #tpu.dot_dimension_numbers<[1], [1], [0], [0], [0, 0, 1, 0], [], []>, transpose_lhs_hint = false} : vector<16x128xf32>, vector<128x128xf32>, vector<16x128xf32> -> vector<16x128xf32>
    %get3A_216 = arith.index_cast %get3A_202 : i32 to index
    %get3A_217 = arith.constant 0 : index
    %get3A_218 = vector.load %arg3[%get3A_216, %get3A_217] : memref<1000x128xf32, #tpu.memory_space<vmem>>, vector<1x128xf32>
    %add3A_219 = vector.broadcast %get3A_218 : vector<1x128xf32> to vector<16x128xf32>
    %add3A_220 = arith.addf %dot_general3A_215, %add3A_219 : vector<16x128xf32>
    %swap3A_221 = arith.constant 7 : index
    %swap3A_222 = arith.constant 0 : index
    %swap3A_223 = arith.constant 0 : index
    %swap3A_224 = arith.constant 0 : index
    %swap3A_225 = vector.load %arg68[%swap3A_221, %swap3A_222, %swap3A_223, %swap3A_224] : memref<64x1x16x128xf32, #tpu.memory_space<vmem>>, vector<1x1x16x128xf32>
    %swap3A_226 = vector.shape_cast %swap3A_225 : vector<1x1x16x128xf32> to vector<16x128xf32>
    %swap3A_227 = vector.shape_cast %add3A_220 : vector<16x128xf32> to vector<1x1x16x128xf32>
    tpu.vector_store %arg68[%swap3A_221, %swap3A_222, %swap3A_223, %swap3A_224], %swap3A_227 {strides = array<i32>} : memref<64x1x16x128xf32, #tpu.memory_space<vmem>>, vector<1x1x16x128xf32>,
    %add3A_228 = arith.constant 160 : i32
    %add3A_229 = arith.addi %add3A_228, %arg0 : i32
    %get3A_230 = arith.index_cast %add3A_229 : i32 to index
    %get3A_231 = memref.load %arg1[%get3A_230] : memref<1280xi32, #tpu.memory_space<smem>>
    %get3A_232 = arith.constant 8 : index
    %get3A_233 = arith.constant 0 : index
    %get3A_234 = arith.constant 0 : index
    %get3A_235 = arith.constant 0 : index
    %get3A_236 = vector.load %arg2[%get3A_232, %get3A_233, %get3A_234, %get3A_235] : memref<64x1x16x128xf32, #tpu.memory_space<vmem>>, vector<1x1x16x128xf32>
    %get3A_237 = vector.shape_cast %get3A_236 : vector<1x1x16x128xf32> to vector<16x128xf32>
    %get3A_238 = arith.constant 0 : index
    %get3A_239 = arith.constant 0 : index
    %get3A_240 = arith.constant 0 : index
    %get3A_241 = vector.load %arg12[%get3A_238, %get3A_239, %get3A_240] : memref<1x128x128xf32, #tpu.memory_space<vmem>>, vector<1x128x128xf32>
    %get3A_242 = vector.shape_cast %get3A_241 : vector<1x128x128xf32> to vector<128x128xf32>
    %dot_general3A_243 = arith.constant dense<0.000000e+00> : vector<16x128xf32>
    %dot_general3A_244 = tpu.matmul %get3A_237, %get3A_242, %dot_general3A_243 {dimension_numbers = #tpu.dot_dimension_numbers<[1], [1], [0], [0], [0, 0, 1, 0], [], []>, transpose_lhs_hint = false} : vector<16x128xf32>, vector<128x128xf32>, vector<16x128xf32> -> vector<16x128xf32>
    %get3A_245 = arith.index_cast %get3A_231 : i32 to index
    %get3A_246 = arith.constant 0 : index
    %get3A_247 = vector.load %arg3[%get3A_245, %get3A_246] : memref<1000x128xf32, #tpu.memory_space<vmem>>, vector<1x128xf32>
    %add3A_248 = vector.broadcast %get3A_247 : vector<1x128xf32> to vector<16x128xf32>
    %add3A_249 = arith.addf %dot_general3A_244, %add3A_248 : vector<16x128xf32>
    %swap3A_250 = arith.constant 8 : index
    %swap3A_251 = arith.constant 0 : index
    %swap3A_252 = arith.constant 0 : index
    %swap3A_253 = arith.constant 0 : index
    %swap3A_254 = vector.load %arg68[%swap3A_250, %swap3A_251, %swap3A_252, %swap3A_253] : memref<64x1x16x128xf32, #tpu.memory_space<vmem>>, vector<1x1x16x128xf32>
    %swap3A_255 = vector.shape_cast %swap3A_254 : vector<1x1x16x128xf32> to vector<16x128xf32>
    %swap3A_256 = vector.shape_cast %add3A_249 : vector<16x128xf32> to vector<1x1x16x128xf32>
    tpu.vector_store %arg68[%swap3A_250, %swap3A_251, %swap3A_252, %swap3A_253], %swap3A_256 {strides = array<i32>} : memref<64x1x16x128xf32, #tpu.memory_space<vmem>>, vector<1x1x16x128xf32>,
    %add3A_257 = arith.constant 180 : i32
    %add3A_258 = arith.addi %add3A_257, %arg0 : i32
    %get3A_259 = arith.index_cast %add3A_258 : i32 to index
    %get3A_260 = memref.load %arg1[%get3A_259] : memref<1280xi32, #tpu.memory_space<smem>>
    %get3A_261 = arith.constant 9 : index
    %get3A_262 = arith.constant 0 : index
    %get3A_263 = arith.constant 0 : index
    %get3A_264 = arith.constant 0 : index
    %get3A_265 = vector.load %arg2[%get3A_261, %get3A_262, %get3A_263, %get3A_264] : memref<64x1x16x128xf32, #tpu.memory_space<vmem>>, vector<1x1x16x128xf32>
    %get3A_266 = vector.shape_cast %get3A_265 : vector<1x1x16x128xf32> to vector<16x128xf32>
    %get3A_267 = arith.constant 0 : index
    %get3A_268 = arith.constant 0 : index
    %get3A_269 = arith.constant 0 : index
    %get3A_270 = vector.load %arg13[%get3A_267, %get3A_268, %get3A_269] : memref<1x128x128xf32, #tpu.memory_space<vmem>>, vector<1x128x128xf32>
    %get3A_271 = vector.shape_cast %get3A_270 : vector<1x128x128xf32> to vector<128x128xf32>
    %dot_general3A_272 = arith.constant dense<0.000000e+00> : vector<16x128xf32>
    %dot_general3A_273 = tpu.matmul %get3A_266, %get3A_271, %dot_general3A_272 {dimension_numbers = #tpu.dot_dimension_numbers<[1], [1], [0], [0], [0, 0, 1, 0], [], []>, transpose_lhs_hint = false} : vector<16x128xf32>, vector<128x128xf32>, vector<16x128xf32> -> vector<16x128xf32>
    %get3A_274 = arith.index_cast %get3A_260 : i32 to index
    %get3A_275 = arith.constant 0 : index
    %get3A_276 = vector.load %arg3[%get3A_274, %get3A_275] : memref<1000x128xf32, #tpu.memory_space<vmem>>, vector<1x128xf32>
    %add3A_277 = vector.broadcast %get3A_276 : vector<1x128xf32> to vector<16x128xf32>
    %add3A_278 = arith.addf %dot_general3A_273, %add3A_277 : vector<16x128xf32>
    %swap3A_279 = arith.constant 9 : index
    %swap3A_280 = arith.constant 0 : index
    %swap3A_281 = arith.constant 0 : index
    %swap3A_282 = arith.constant 0 : index
    %swap3A_283 = vector.load %arg68[%swap3A_279, %swap3A_280, %swap3A_281, %swap3A_282] : memref<64x1x16x128xf32, #tpu.memory_space<vmem>>, vector<1x1x16x128xf32>
    %swap3A_284 = vector.shape_cast %swap3A_283 : vector<1x1x16x128xf32> to vector<16x128xf32>
    %swap3A_285 = vector.shape_cast %add3A_278 : vector<16x128xf32> to vector<1x1x16x128xf32>
    tpu.vector_store %arg68[%swap3A_279, %swap3A_280, %swap3A_281, %swap3A_282], %swap3A_285 {strides = array<i32>} : memref<64x1x16x128xf32, #tpu.memory_space<vmem>>, vector<1x1x16x128xf32>,
    %add3A_286 = arith.constant 200 : i32
    %add3A_287 = arith.addi %add3A_286, %arg0 : i32
    %get3A_288 = arith.index_cast %add3A_287 : i32 to index
    %get3A_289 = memref.load %arg1[%get3A_288] : memref<1280xi32, #tpu.memory_space<smem>>
    %get3A_290 = arith.constant 10 : index
    %get3A_291 = arith.constant 0 : index
    %get3A_292 = arith.constant 0 : index
    %get3A_293 = arith.constant 0 : index
    %get3A_294 = vector.load %arg2[%get3A_290, %get3A_291, %get3A_292, %get3A_293] : memref<64x1x16x128xf32, #tpu.memory_space<vmem>>, vector<1x1x16x128xf32>
    %get3A_295 = vector.shape_cast %get3A_294 : vector<1x1x16x128xf32> to vector<16x128xf32>
    %get3A_296 = arith.constant 0 : index
    %get3A_297 = arith.constant 0 : index
    %get3A_298 = arith.constant 0 : index
    %get3A_299 = vector.load %arg14[%get3A_296, %get3A_297, %get3A_298] : memref<1x128x128xf32, #tpu.memory_space<vmem>>, vector<1x128x128xf32>
    %get3A_300 = vector.shape_cast %get3A_299 : vector<1x128x128xf32> to vector<128x128xf32>
    %dot_general3A_301 = arith.constant dense<0.000000e+00> : vector<16x128xf32>
    %dot_general3A_302 = tpu.matmul %get3A_295, %get3A_300, %dot_general3A_301 {dimension_numbers = #tpu.dot_dimension_numbers<[1], [1], [0], [0], [0, 0, 1, 0], [], []>, transpose_lhs_hint = false} : vector<16x128xf32>, vector<128x128xf32>, vector<16x128xf32> -> vector<16x128xf32>
    %get3A_303 = arith.index_cast %get3A_289 : i32 to index
    %get3A_304 = arith.constant 0 : index
    %get3A_305 = vector.load %arg3[%get3A_303, %get3A_304] : memref<1000x128xf32, #tpu.memory_space<vmem>>, vector<1x128xf32>
    %add3A_306 = vector.broadcast %get3A_305 : vector<1x128xf32> to vector<16x128xf32>
    %add3A_307 = arith.addf %dot_general3A_302, %add3A_306 : vector<16x128xf32>
    %swap3A_308 = arith.constant 10 : index
    %swap3A_309 = arith.constant 0 : index
    %swap3A_310 = arith.constant 0 : index
    %swap3A_311 = arith.constant 0 : index
    %swap3A_312 = vector.load %arg68[%swap3A_308, %swap3A_309, %swap3A_310, %swap3A_311] : memref<64x1x16x128xf32, #tpu.memory_space<vmem>>, vector<1x1x16x128xf32>
    %swap3A_313 = vector.shape_cast %swap3A_312 : vector<1x1x16x128xf32> to vector<16x128xf32>
    %swap3A_314 = vector.shape_cast %add3A_307 : vector<16x128xf32> to vector<1x1x16x128xf32>
    tpu.vector_store %arg68[%swap3A_308, %swap3A_309, %swap3A_310, %swap3A_311], %swap3A_314 {strides = array<i32>} : memref<64x1x16x128xf32, #tpu.memory_space<vmem>>, vector<1x1x16x128xf32>,
    %add3A_315 = arith.constant 220 : i32
    %add3A_316 = arith.addi %add3A_315, %arg0 : i32
    %get3A_317 = arith.index_cast %add3A_316 : i32 to index
    %get3A_318 = memref.load %arg1[%get3A_317] : memref<1280xi32, #tpu.memory_space<smem>>
    %get3A_319 = arith.constant 11 : index
    %get3A_320 = arith.constant 0 : index
    %get3A_321 = arith.constant 0 : index
    %get3A_322 = arith.constant 0 : index
    %get3A_323 = vector.load %arg2[%get3A_319, %get3A_320, %get3A_321, %get3A_322] : memref<64x1x16x128xf32, #tpu.memory_space<vmem>>, vector<1x1x16x128xf32>
    %get3A_324 = vector.shape_cast %get3A_323 : vector<1x1x16x128xf32> to vector<16x128xf32>
    %get3A_325 = arith.constant 0 : index
    %get3A_326 = arith.constant 0 : index
    %get3A_327 = arith.constant 0 : index
    %get3A_328 = vector.load %arg15[%get3A_325, %get3A_326, %get3A_327] : memref<1x128x128xf32, #tpu.memory_space<vmem>>, vector<1x128x128xf32>
    %get3A_329 = vector.shape_cast %get3A_328 : vector<1x128x128xf32> to vector<128x128xf32>
    %dot_general3A_330 = arith.constant dense<0.000000e+00> : vector<16x128xf32>
    %dot_general3A_331 = tpu.matmul %get3A_324, %get3A_329, %dot_general3A_330 {dimension_numbers = #tpu.dot_dimension_numbers<[1], [1], [0], [0], [0, 0, 1, 0], [], []>, transpose_lhs_hint = false} : vector<16x128xf32>, vector<128x128xf32>, vector<16x128xf32> -> vector<16x128xf32>
    %get3A_332 = arith.index_cast %get3A_318 : i32 to index
    %get3A_333 = arith.constant 0 : index
    %get3A_334 = vector.load %arg3[%get3A_332, %get3A_333] : memref<1000x128xf32, #tpu.memory_space<vmem>>, vector<1x128xf32>
    %add3A_335 = vector.broadcast %get3A_334 : vector<1x128xf32> to vector<16x128xf32>
    %add3A_336 = arith.addf %dot_general3A_331, %add3A_335 : vector<16x128xf32>
    %swap3A_337 = arith.constant 11 : index
    %swap3A_338 = arith.constant 0 : index
    %swap3A_339 = arith.constant 0 : index
    %swap3A_340 = arith.constant 0 : index
    %swap3A_341 = vector.load %arg68[%swap3A_337, %swap3A_338, %swap3A_339, %swap3A_340] : memref<64x1x16x128xf32, #tpu.memory_space<vmem>>, vector<1x1x16x128xf32>
    %swap3A_342 = vector.shape_cast %swap3A_341 : vector<1x1x16x128xf32> to vector<16x128xf32>
    %swap3A_343 = vector.shape_cast %add3A_336 : vector<16x128xf32> to vector<1x1x16x128xf32>
    tpu.vector_store %arg68[%swap3A_337, %swap3A_338, %swap3A_339, %swap3A_340], %swap3A_343 {strides = array<i32>} : memref<64x1x16x128xf32, #tpu.memory_space<vmem>>, vector<1x1x16x128xf32>,
    %add3A_344 = arith.constant 240 : i32
    %add3A_345 = arith.addi %add3A_344, %arg0 : i32
    %get3A_346 = arith.index_cast %add3A_345 : i32 to index
    %get3A_347 = memref.load %arg1[%get3A_346] : memref<1280xi32, #tpu.memory_space<smem>>
    %get3A_348 = arith.constant 12 : index
    %get3A_349 = arith.constant 0 : index
    %get3A_350 = arith.constant 0 : index
    %get3A_351 = arith.constant 0 : index
    %get3A_352 = vector.load %arg2[%get3A_348, %get3A_349, %get3A_350, %get3A_351] : memref<64x1x16x128xf32, #tpu.memory_space<vmem>>, vector<1x1x16x128xf32>
    %get3A_353 = vector.shape_cast %get3A_352 : vector<1x1x16x128xf32> to vector<16x128xf32>
    %get3A_354 = arith.constant 0 : index
    %get3A_355 = arith.constant 0 : index
    %get3A_356 = arith.constant 0 : index
    %get3A_357 = vector.load %arg16[%get3A_354, %get3A_355, %get3A_356] : memref<1x128x128xf32, #tpu.memory_space<vmem>>, vector<1x128x128xf32>
    %get3A_358 = vector.shape_cast %get3A_357 : vector<1x128x128xf32> to vector<128x128xf32>
    %dot_general3A_359 = arith.constant dense<0.000000e+00> : vector<16x128xf32>
    %dot_general3A_360 = tpu.matmul %get3A_353, %get3A_358, %dot_general3A_359 {dimension_numbers = #tpu.dot_dimension_numbers<[1], [1], [0], [0], [0, 0, 1, 0], [], []>, transpose_lhs_hint = false} : vector<16x128xf32>, vector<128x128xf32>, vector<16x128xf32> -> vector<16x128xf32>
    %get3A_361 = arith.index_cast %get3A_347 : i32 to index
    %get3A_362 = arith.constant 0 : index
    %get3A_363 = vector.load %arg3[%get3A_361, %get3A_362] : memref<1000x128xf32, #tpu.memory_space<vmem>>, vector<1x128xf32>
    %add3A_364 = vector.broadcast %get3A_363 : vector<1x128xf32> to vector<16x128xf32>
    %add3A_365 = arith.addf %dot_general3A_360, %add3A_364 : vector<16x128xf32>
    %swap3A_366 = arith.constant 12 : index
    %swap3A_367 = arith.constant 0 : index
    %swap3A_368 = arith.constant 0 : index
    %swap3A_369 = arith.constant 0 : index
    %swap3A_370 = vector.load %arg68[%swap3A_366, %swap3A_367, %swap3A_368, %swap3A_369] : memref<64x1x16x128xf32, #tpu.memory_space<vmem>>, vector<1x1x16x128xf32>
    %swap3A_371 = vector.shape_cast %swap3A_370 : vector<1x1x16x128xf32> to vector<16x128xf32>
    %swap3A_372 = vector.shape_cast %add3A_365 : vector<16x128xf32> to vector<1x1x16x128xf32>
    tpu.vector_store %arg68[%swap3A_366, %swap3A_367, %swap3A_368, %swap3A_369], %swap3A_372 {strides = array<i32>} : memref<64x1x16x128xf32, #tpu.memory_space<vmem>>, vector<1x1x16x128xf32>,
    %add3A_373 = arith.constant 260 : i32
    %add3A_374 = arith.addi %add3A_373, %arg0 : i32
    %get3A_375 = arith.index_cast %add3A_374 : i32 to index
    %get3A_376 = memref.load %arg1[%get3A_375] : memref<1280xi32, #tpu.memory_space<smem>>
    %get3A_377 = arith.constant 13 : index
    %get3A_378 = arith.constant 0 : index
    %get3A_379 = arith.constant 0 : index
    %get3A_380 = arith.constant 0 : index
    %get3A_381 = vector.load %arg2[%get3A_377, %get3A_378, %get3A_379, %get3A_380] : memref<64x1x16x128xf32, #tpu.memory_space<vmem>>, vector<1x1x16x128xf32>
    %get3A_382 = vector.shape_cast %get3A_381 : vector<1x1x16x128xf32> to vector<16x128xf32>
    %get3A_383 = arith.constant 0 : index
    %get3A_384 = arith.constant 0 : index
    %get3A_385 = arith.constant 0 : index
    %get3A_386 = vector.load %arg17[%get3A_383, %get3A_384, %get3A_385] : memref<1x128x128xf32, #tpu.memory_space<vmem>>, vector<1x128x128xf32>
    %get3A_387 = vector.shape_cast %get3A_386 : vector<1x128x128xf32> to vector<128x128xf32>
    %dot_general3A_388 = arith.constant dense<0.000000e+00> : vector<16x128xf32>
    %dot_general3A_389 = tpu.matmul %get3A_382, %get3A_387, %dot_general3A_388 {dimension_numbers = #tpu.dot_dimension_numbers<[1], [1], [0], [0], [0, 0, 1, 0], [], []>, transpose_lhs_hint = false} : vector<16x128xf32>, vector<128x128xf32>, vector<16x128xf32> -> vector<16x128xf32>
    %get3A_390 = arith.index_cast %get3A_376 : i32 to index
    %get3A_391 = arith.constant 0 : index
    %get3A_392 = vector.load %arg3[%get3A_390, %get3A_391] : memref<1000x128xf32, #tpu.memory_space<vmem>>, vector<1x128xf32>
    %add3A_393 = vector.broadcast %get3A_392 : vector<1x128xf32> to vector<16x128xf32>
    %add3A_394 = arith.addf %dot_general3A_389, %add3A_393 : vector<16x128xf32>
    %swap3A_395 = arith.constant 13 : index
    %swap3A_396 = arith.constant 0 : index
    %swap3A_397 = arith.constant 0 : index
    %swap3A_398 = arith.constant 0 : index
    %swap3A_399 = vector.load %arg68[%swap3A_395, %swap3A_396, %swap3A_397, %swap3A_398] : memref<64x1x16x128xf32, #tpu.memory_space<vmem>>, vector<1x1x16x128xf32>
    %swap3A_400 = vector.shape_cast %swap3A_399 : vector<1x1x16x128xf32> to vector<16x128xf32>
    %swap3A_401 = vector.shape_cast %add3A_394 : vector<16x128xf32> to vector<1x1x16x128xf32>
    tpu.vector_store %arg68[%swap3A_395, %swap3A_396, %swap3A_397, %swap3A_398], %swap3A_401 {strides = array<i32>} : memref<64x1x16x128xf32, #tpu.memory_space<vmem>>, vector<1x1x16x128xf32>,
    %add3A_402 = arith.constant 280 : i32
    %add3A_403 = arith.addi %add3A_402, %arg0 : i32
    %get3A_404 = arith.index_cast %add3A_403 : i32 to index
    %get3A_405 = memref.load %arg1[%get3A_404] : memref<1280xi32, #tpu.memory_space<smem>>
    %get3A_406 = arith.constant 14 : index
    %get3A_407 = arith.constant 0 : index
    %get3A_408 = arith.constant 0 : index
    %get3A_409 = arith.constant 0 : index
    %get3A_410 = vector.load %arg2[%get3A_406, %get3A_407, %get3A_408, %get3A_409] : memref<64x1x16x128xf32, #tpu.memory_space<vmem>>, vector<1x1x16x128xf32>
    %get3A_411 = vector.shape_cast %get3A_410 : vector<1x1x16x128xf32> to vector<16x128xf32>
    %get3A_412 = arith.constant 0 : index
    %get3A_413 = arith.constant 0 : index
    %get3A_414 = arith.constant 0 : index
    %get3A_415 = vector.load %arg18[%get3A_412, %get3A_413, %get3A_414] : memref<1x128x128xf32, #tpu.memory_space<vmem>>, vector<1x128x128xf32>
    %get3A_416 = vector.shape_cast %get3A_415 : vector<1x128x128xf32> to vector<128x128xf32>
    %dot_general3A_417 = arith.constant dense<0.000000e+00> : vector<16x128xf32>
    %dot_general3A_418 = tpu.matmul %get3A_411, %get3A_416, %dot_general3A_417 {dimension_numbers = #tpu.dot_dimension_numbers<[1], [1], [0], [0], [0, 0, 1, 0], [], []>, transpose_lhs_hint = false} : vector<16x128xf32>, vector<128x128xf32>, vector<16x128xf32> -> vector<16x128xf32>
    %get3A_419 = arith.index_cast %get3A_405 : i32 to index
    %get3A_420 = arith.constant 0 : index
    %get3A_421 = vector.load %arg3[%get3A_419, %get3A_420] : memref<1000x128xf32, #tpu.memory_space<vmem>>, vector<1x128xf32>
    %add3A_422 = vector.broadcast %get3A_421 : vector<1x128xf32> to vector<16x128xf32>
    %add3A_423 = arith.addf %dot_general3A_418, %add3A_422 : vector<16x128xf32>
    %swap3A_424 = arith.constant 14 : index
    %swap3A_425 = arith.constant 0 : index
    %swap3A_426 = arith.constant 0 : index
    %swap3A_427 = arith.constant 0 : index
    %swap3A_428 = vector.load %arg68[%swap3A_424, %swap3A_425, %swap3A_426, %swap3A_427] : memref<64x1x16x128xf32, #tpu.memory_space<vmem>>, vector<1x1x16x128xf32>
    %swap3A_429 = vector.shape_cast %swap3A_428 : vector<1x1x16x128xf32> to vector<16x128xf32>
    %swap3A_430 = vector.shape_cast %add3A_423 : vector<16x128xf32> to vector<1x1x16x128xf32>
    tpu.vector_store %arg68[%swap3A_424, %swap3A_425, %swap3A_426, %swap3A_427], %swap3A_430 {strides = array<i32>} : memref<64x1x16x128xf32, #tpu.memory_space<vmem>>, vector<1x1x16x128xf32>,
    %add3A_431 = arith.constant 300 : i32
    %add3A_432 = arith.addi %add3A_431, %arg0 : i32
    %get3A_433 = arith.index_cast %add3A_432 : i32 to index
    %get3A_434 = memref.load %arg1[%get3A_433] : memref<1280xi32, #tpu.memory_space<smem>>
    %get3A_435 = arith.constant 15 : index
    %get3A_436 = arith.constant 0 : index
    %get3A_437 = arith.constant 0 : index
    %get3A_438 = arith.constant 0 : index
    %get3A_439 = vector.load %arg2[%get3A_435, %get3A_436, %get3A_437, %get3A_438] : memref<64x1x16x128xf32, #tpu.memory_space<vmem>>, vector<1x1x16x128xf32>
    %get3A_440 = vector.shape_cast %get3A_439 : vector<1x1x16x128xf32> to vector<16x128xf32>
    %get3A_441 = arith.constant 0 : index
    %get3A_442 = arith.constant 0 : index
    %get3A_443 = arith.constant 0 : index
    %get3A_444 = vector.load %arg19[%get3A_441, %get3A_442, %get3A_443] : memref<1x128x128xf32, #tpu.memory_space<vmem>>, vector<1x128x128xf32>
    %get3A_445 = vector.shape_cast %get3A_444 : vector<1x128x128xf32> to vector<128x128xf32>
    %dot_general3A_446 = arith.constant dense<0.000000e+00> : vector<16x128xf32>
    %dot_general3A_447 = tpu.matmul %get3A_440, %get3A_445, %dot_general3A_446 {dimension_numbers = #tpu.dot_dimension_numbers<[1], [1], [0], [0], [0, 0, 1, 0], [], []>, transpose_lhs_hint = false} : vector<16x128xf32>, vector<128x128xf32>, vector<16x128xf32> -> vector<16x128xf32>
    %get3A_448 = arith.index_cast %get3A_434 : i32 to index
    %get3A_449 = arith.constant 0 : index
    %get3A_450 = vector.load %arg3[%get3A_448, %get3A_449] : memref<1000x128xf32, #tpu.memory_space<vmem>>, vector<1x128xf32>
    %add3A_451 = vector.broadcast %get3A_450 : vector<1x128xf32> to vector<16x128xf32>
    %add3A_452 = arith.addf %dot_general3A_447, %add3A_451 : vector<16x128xf32>
    %swap3A_453 = arith.constant 15 : index
    %swap3A_454 = arith.constant 0 : index
    %swap3A_455 = arith.constant 0 : index
    %swap3A_456 = arith.constant 0 : index
    %swap3A_457 = vector.load %arg68[%swap3A_453, %swap3A_454, %swap3A_455, %swap3A_456] : memref<64x1x16x128xf32, #tpu.memory_space<vmem>>, vector<1x1x16x128xf32>
    %swap3A_458 = vector.shape_cast %swap3A_457 : vector<1x1x16x128xf32> to vector<16x128xf32>
    %swap3A_459 = vector.shape_cast %add3A_452 : vector<16x128xf32> to vector<1x1x16x128xf32>
    tpu.vector_store %arg68[%swap3A_453, %swap3A_454, %swap3A_455, %swap3A_456], %swap3A_459 {strides = array<i32>} : memref<64x1x16x128xf32, #tpu.memory_space<vmem>>, vector<1x1x16x128xf32>,
    %add3A_460 = arith.constant 320 : i32
    %add3A_461 = arith.addi %add3A_460, %arg0 : i32
    %get3A_462 = arith.index_cast %add3A_461 : i32 to index
    %get3A_463 = memref.load %arg1[%get3A_462] : memref<1280xi32, #tpu.memory_space<smem>>
    %get3A_464 = arith.constant 16 : index
    %get3A_465 = arith.constant 0 : index
    %get3A_466 = arith.constant 0 : index
    %get3A_467 = arith.constant 0 : index
    %get3A_468 = vector.load %arg2[%get3A_464, %get3A_465, %get3A_466, %get3A_467] : memref<64x1x16x128xf32, #tpu.memory_space<vmem>>, vector<1x1x16x128xf32>
    %get3A_469 = vector.shape_cast %get3A_468 : vector<1x1x16x128xf32> to vector<16x128xf32>
    %get3A_470 = arith.constant 0 : index
    %get3A_471 = arith.constant 0 : index
    %get3A_472 = arith.constant 0 : index
    %get3A_473 = vector.load %arg20[%get3A_470, %get3A_471, %get3A_472] : memref<1x128x128xf32, #tpu.memory_space<vmem>>, vector<1x128x128xf32>
    %get3A_474 = vector.shape_cast %get3A_473 : vector<1x128x128xf32> to vector<128x128xf32>
    %dot_general3A_475 = arith.constant dense<0.000000e+00> : vector<16x128xf32>
    %dot_general3A_476 = tpu.matmul %get3A_469, %get3A_474, %dot_general3A_475 {dimension_numbers = #tpu.dot_dimension_numbers<[1], [1], [0], [0], [0, 0, 1, 0], [], []>, transpose_lhs_hint = false} : vector<16x128xf32>, vector<128x128xf32>, vector<16x128xf32> -> vector<16x128xf32>
    %get3A_477 = arith.index_cast %get3A_463 : i32 to index
    %get3A_478 = arith.constant 0 : index
    %get3A_479 = vector.load %arg3[%get3A_477, %get3A_478] : memref<1000x128xf32, #tpu.memory_space<vmem>>, vector<1x128xf32>
    %add3A_480 = vector.broadcast %get3A_479 : vector<1x128xf32> to vector<16x128xf32>
    %add3A_481 = arith.addf %dot_general3A_476, %add3A_480 : vector<16x128xf32>
    %swap3A_482 = arith.constant 16 : index
    %swap3A_483 = arith.constant 0 : index
    %swap3A_484 = arith.constant 0 : index
    %swap3A_485 = arith.constant 0 : index
    %swap3A_486 = vector.load %arg68[%swap3A_482, %swap3A_483, %swap3A_484, %swap3A_485] : memref<64x1x16x128xf32, #tpu.memory_space<vmem>>, vector<1x1x16x128xf32>
    %swap3A_487 = vector.shape_cast %swap3A_486 : vector<1x1x16x128xf32> to vector<16x128xf32>
    %swap3A_488 = vector.shape_cast %add3A_481 : vector<16x128xf32> to vector<1x1x16x128xf32>
    tpu.vector_store %arg68[%swap3A_482, %swap3A_483, %swap3A_484, %swap3A_485], %swap3A_488 {strides = array<i32>} : memref<64x1x16x128xf32, #tpu.memory_space<vmem>>, vector<1x1x16x128xf32>,
    %add3A_489 = arith.constant 340 : i32
    %add3A_490 = arith.addi %add3A_489, %arg0 : i32
    %get3A_491 = arith.index_cast %add3A_490 : i32 to index
    %get3A_492 = memref.load %arg1[%get3A_491] : memref<1280xi32, #tpu.memory_space<smem>>
    %get3A_493 = arith.constant 17 : index
    %get3A_494 = arith.constant 0 : index
    %get3A_495 = arith.constant 0 : index
    %get3A_496 = arith.constant 0 : index
    %get3A_497 = vector.load %arg2[%get3A_493, %get3A_494, %get3A_495, %get3A_496] : memref<64x1x16x128xf32, #tpu.memory_space<vmem>>, vector<1x1x16x128xf32>
    %get3A_498 = vector.shape_cast %get3A_497 : vector<1x1x16x128xf32> to vector<16x128xf32>
    %get3A_499 = arith.constant 0 : index
    %get3A_500 = arith.constant 0 : index
    %get3A_501 = arith.constant 0 : index
    %get3A_502 = vector.load %arg21[%get3A_499, %get3A_500, %get3A_501] : memref<1x128x128xf32, #tpu.memory_space<vmem>>, vector<1x128x128xf32>
    %get3A_503 = vector.shape_cast %get3A_502 : vector<1x128x128xf32> to vector<128x128xf32>
    %dot_general3A_504 = arith.constant dense<0.000000e+00> : vector<16x128xf32>
    %dot_general3A_505 = tpu.matmul %get3A_498, %get3A_503, %dot_general3A_504 {dimension_numbers = #tpu.dot_dimension_numbers<[1], [1], [0], [0], [0, 0, 1, 0], [], []>, transpose_lhs_hint = false} : vector<16x128xf32>, vector<128x128xf32>, vector<16x128xf32> -> vector<16x128xf32>
    %get3A_506 = arith.index_cast %get3A_492 : i32 to index
    %get3A_507 = arith.constant 0 : index
    %get3A_508 = vector.load %arg3[%get3A_506, %get3A_507] : memref<1000x128xf32, #tpu.memory_space<vmem>>, vector<1x128xf32>
    %add3A_509 = vector.broadcast %get3A_508 : vector<1x128xf32> to vector<16x128xf32>
    %add3A_510 = arith.addf %dot_general3A_505, %add3A_509 : vector<16x128xf32>
    %swap3A_511 = arith.constant 17 : index
    %swap3A_512 = arith.constant 0 : index
    %swap3A_513 = arith.constant 0 : index
    %swap3A_514 = arith.constant 0 : index
    %swap3A_515 = vector.load %arg68[%swap3A_511, %swap3A_512, %swap3A_513, %swap3A_514] : memref<64x1x16x128xf32, #tpu.memory_space<vmem>>, vector<1x1x16x128xf32>
    %swap3A_516 = vector.shape_cast %swap3A_515 : vector<1x1x16x128xf32> to vector<16x128xf32>
    %swap3A_517 = vector.shape_cast %add3A_510 : vector<16x128xf32> to vector<1x1x16x128xf32>
    tpu.vector_store %arg68[%swap3A_511, %swap3A_512, %swap3A_513, %swap3A_514], %swap3A_517 {strides = array<i32>} : memref<64x1x16x128xf32, #tpu.memory_space<vmem>>, vector<1x1x16x128xf32>,
    %add3A_518 = arith.constant 360 : i32
    %add3A_519 = arith.addi %add3A_518, %arg0 : i32
    %get3A_520 = arith.index_cast %add3A_519 : i32 to index
    %get3A_521 = memref.load %arg1[%get3A_520] : memref<1280xi32, #tpu.memory_space<smem>>
    %get3A_522 = arith.constant 18 : index
    %get3A_523 = arith.constant 0 : index
    %get3A_524 = arith.constant 0 : index
    %get3A_525 = arith.constant 0 : index
    %get3A_526 = vector.load %arg2[%get3A_522, %get3A_523, %get3A_524, %get3A_525] : memref<64x1x16x128xf32, #tpu.memory_space<vmem>>, vector<1x1x16x128xf32>
    %get3A_527 = vector.shape_cast %get3A_526 : vector<1x1x16x128xf32> to vector<16x128xf32>
    %get3A_528 = arith.constant 0 : index
    %get3A_529 = arith.constant 0 : index
    %get3A_530 = arith.constant 0 : index
    %get3A_531 = vector.load %arg22[%get3A_528, %get3A_529, %get3A_530] : memref<1x128x128xf32, #tpu.memory_space<vmem>>, vector<1x128x128xf32>
    %get3A_532 = vector.shape_cast %get3A_531 : vector<1x128x128xf32> to vector<128x128xf32>
    %dot_general3A_533 = arith.constant dense<0.000000e+00> : vector<16x128xf32>
    %dot_general3A_534 = tpu.matmul %get3A_527, %get3A_532, %dot_general3A_533 {dimension_numbers = #tpu.dot_dimension_numbers<[1], [1], [0], [0], [0, 0, 1, 0], [], []>, transpose_lhs_hint = false} : vector<16x128xf32>, vector<128x128xf32>, vector<16x128xf32> -> vector<16x128xf32>
    %get3A_535 = arith.index_cast %get3A_521 : i32 to index
    %get3A_536 = arith.constant 0 : index
    %get3A_537 = vector.load %arg3[%get3A_535, %get3A_536] : memref<1000x128xf32, #tpu.memory_space<vmem>>, vector<1x128xf32>
    %add3A_538 = vector.broadcast %get3A_537 : vector<1x128xf32> to vector<16x128xf32>
    %add3A_539 = arith.addf %dot_general3A_534, %add3A_538 : vector<16x128xf32>
    %swap3A_540 = arith.constant 18 : index
    %swap3A_541 = arith.constant 0 : index
    %swap3A_542 = arith.constant 0 : index
    %swap3A_543 = arith.constant 0 : index
    %swap3A_544 = vector.load %arg68[%swap3A_540, %swap3A_541, %swap3A_542, %swap3A_543] : memref<64x1x16x128xf32, #tpu.memory_space<vmem>>, vector<1x1x16x128xf32>
    %swap3A_545 = vector.shape_cast %swap3A_544 : vector<1x1x16x128xf32> to vector<16x128xf32>
    %swap3A_546 = vector.shape_cast %add3A_539 : vector<16x128xf32> to vector<1x1x16x128xf32>
    tpu.vector_store %arg68[%swap3A_540, %swap3A_541, %swap3A_542, %swap3A_543], %swap3A_546 {strides = array<i32>} : memref<64x1x16x128xf32, #tpu.memory_space<vmem>>, vector<1x1x16x128xf32>,
    %add3A_547 = arith.constant 380 : i32
    %add3A_548 = arith.addi %add3A_547, %arg0 : i32
    %get3A_549 = arith.index_cast %add3A_548 : i32 to index
    %get3A_550 = memref.load %arg1[%get3A_549] : memref<1280xi32, #tpu.memory_space<smem>>
    %get3A_551 = arith.constant 19 : index
    %get3A_552 = arith.constant 0 : index
    %get3A_553 = arith.constant 0 : index
    %get3A_554 = arith.constant 0 : index
    %get3A_555 = vector.load %arg2[%get3A_551, %get3A_552, %get3A_553, %get3A_554] : memref<64x1x16x128xf32, #tpu.memory_space<vmem>>, vector<1x1x16x128xf32>
    %get3A_556 = vector.shape_cast %get3A_555 : vector<1x1x16x128xf32> to vector<16x128xf32>
    %get3A_557 = arith.constant 0 : index
    %get3A_558 = arith.constant 0 : index
    %get3A_559 = arith.constant 0 : index
    %get3A_560 = vector.load %arg23[%get3A_557, %get3A_558, %get3A_559] : memref<1x128x128xf32, #tpu.memory_space<vmem>>, vector<1x128x128xf32>
    %get3A_561 = vector.shape_cast %get3A_560 : vector<1x128x128xf32> to vector<128x128xf32>
    %dot_general3A_562 = arith.constant dense<0.000000e+00> : vector<16x128xf32>
    %dot_general3A_563 = tpu.matmul %get3A_556, %get3A_561, %dot_general3A_562 {dimension_numbers = #tpu.dot_dimension_numbers<[1], [1], [0], [0], [0, 0, 1, 0], [], []>, transpose_lhs_hint = false} : vector<16x128xf32>, vector<128x128xf32>, vector<16x128xf32> -> vector<16x128xf32>
    %get3A_564 = arith.index_cast %get3A_550 : i32 to index
    %get3A_565 = arith.constant 0 : index
    %get3A_566 = vector.load %arg3[%get3A_564, %get3A_565] : memref<1000x128xf32, #tpu.memory_space<vmem>>, vector<1x128xf32>
    %add3A_567 = vector.broadcast %get3A_566 : vector<1x128xf32> to vector<16x128xf32>
    %add3A_568 = arith.addf %dot_general3A_563, %add3A_567 : vector<16x128xf32>
    %swap3A_569 = arith.constant 19 : index
    %swap3A_570 = arith.constant 0 : index
    %swap3A_571 = arith.constant 0 : index
    %swap3A_572 = arith.constant 0 : index
    %swap3A_573 = vector.load %arg68[%swap3A_569, %swap3A_570, %swap3A_571, %swap3A_572] : memref<64x1x16x128xf32, #tpu.memory_space<vmem>>, vector<1x1x16x128xf32>
    %swap3A_574 = vector.shape_cast %swap3A_573 : vector<1x1x16x128xf32> to vector<16x128xf32>
    %swap3A_575 = vector.shape_cast %add3A_568 : vector<16x128xf32> to vector<1x1x16x128xf32>
    tpu.vector_store %arg68[%swap3A_569, %swap3A_570, %swap3A_571, %swap3A_572], %swap3A_575 {strides = array<i32>} : memref<64x1x16x128xf32, #tpu.memory_space<vmem>>, vector<1x1x16x128xf32>,
    %add3A_576 = arith.constant 400 : i32
    %add3A_577 = arith.addi %add3A_576, %arg0 : i32
    %get3A_578 = arith.index_cast %add3A_577 : i32 to index
    %get3A_579 = memref.load %arg1[%get3A_578] : memref<1280xi32, #tpu.memory_space<smem>>
    %get3A_580 = arith.constant 20 : index
    %get3A_581 = arith.constant 0 : index
    %get3A_582 = arith.constant 0 : index
    %get3A_583 = arith.constant 0 : index
    %get3A_584 = vector.load %arg2[%get3A_580, %get3A_581, %get3A_582, %get3A_583] : memref<64x1x16x128xf32, #tpu.memory_space<vmem>>, vector<1x1x16x128xf32>
    %get3A_585 = vector.shape_cast %get3A_584 : vector<1x1x16x128xf32> to vector<16x128xf32>
    %get3A_586 = arith.constant 0 : index
    %get3A_587 = arith.constant 0 : index
    %get3A_588 = arith.constant 0 : index
    %get3A_589 = vector.load %arg24[%get3A_586, %get3A_587, %get3A_588] : memref<1x128x128xf32, #tpu.memory_space<vmem>>, vector<1x128x128xf32>
    %get3A_590 = vector.shape_cast %get3A_589 : vector<1x128x128xf32> to vector<128x128xf32>
    %dot_general3A_591 = arith.constant dense<0.000000e+00> : vector<16x128xf32>
    %dot_general3A_592 = tpu.matmul %get3A_585, %get3A_590, %dot_general3A_591 {dimension_numbers = #tpu.dot_dimension_numbers<[1], [1], [0], [0], [0, 0, 1, 0], [], []>, transpose_lhs_hint = false} : vector<16x128xf32>, vector<128x128xf32>, vector<16x128xf32> -> vector<16x128xf32>
    %get3A_593 = arith.index_cast %get3A_579 : i32 to index
    %get3A_594 = arith.constant 0 : index
    %get3A_595 = vector.load %arg3[%get3A_593, %get3A_594] : memref<1000x128xf32, #tpu.memory_space<vmem>>, vector<1x128xf32>
    %add3A_596 = vector.broadcast %get3A_595 : vector<1x128xf32> to vector<16x128xf32>
    %add3A_597 = arith.addf %dot_general3A_592, %add3A_596 : vector<16x128xf32>
    %swap3A_598 = arith.constant 20 : index
    %swap3A_599 = arith.constant 0 : index
    %swap3A_600 = arith.constant 0 : index
    %swap3A_601 = arith.constant 0 : index
    %swap3A_602 = vector.load %arg68[%swap3A_598, %swap3A_599, %swap3A_600, %swap3A_601] : memref<64x1x16x128xf32, #tpu.memory_space<vmem>>, vector<1x1x16x128xf32>
    %swap3A_603 = vector.shape_cast %swap3A_602 : vector<1x1x16x128xf32> to vector<16x128xf32>
    %swap3A_604 = vector.shape_cast %add3A_597 : vector<16x128xf32> to vector<1x1x16x128xf32>
    tpu.vector_store %arg68[%swap3A_598, %swap3A_599, %swap3A_600, %swap3A_601], %swap3A_604 {strides = array<i32>} : memref<64x1x16x128xf32, #tpu.memory_space<vmem>>, vector<1x1x16x128xf32>,
    %add3A_605 = arith.constant 420 : i32
    %add3A_606 = arith.addi %add3A_605, %arg0 : i32
    %get3A_607 = arith.index_cast %add3A_606 : i32 to index
    %get3A_608 = memref.load %arg1[%get3A_607] : memref<1280xi32, #tpu.memory_space<smem>>
    %get3A_609 = arith.constant 21 : index
    %get3A_610 = arith.constant 0 : index
    %get3A_611 = arith.constant 0 : index
    %get3A_612 = arith.constant 0 : index
    %get3A_613 = vector.load %arg2[%get3A_609, %get3A_610, %get3A_611, %get3A_612] : memref<64x1x16x128xf32, #tpu.memory_space<vmem>>, vector<1x1x16x128xf32>
    %get3A_614 = vector.shape_cast %get3A_613 : vector<1x1x16x128xf32> to vector<16x128xf32>
    %get3A_615 = arith.constant 0 : index
    %get3A_616 = arith.constant 0 : index
    %get3A_617 = arith.constant 0 : index
    %get3A_618 = vector.load %arg25[%get3A_615, %get3A_616, %get3A_617] : memref<1x128x128xf32, #tpu.memory_space<vmem>>, vector<1x128x128xf32>
    %get3A_619 = vector.shape_cast %get3A_618 : vector<1x128x128xf32> to vector<128x128xf32>
    %dot_general3A_620 = arith.constant dense<0.000000e+00> : vector<16x128xf32>
    %dot_general3A_621 = tpu.matmul %get3A_614, %get3A_619, %dot_general3A_620 {dimension_numbers = #tpu.dot_dimension_numbers<[1], [1], [0], [0], [0, 0, 1, 0], [], []>, transpose_lhs_hint = false} : vector<16x128xf32>, vector<128x128xf32>, vector<16x128xf32> -> vector<16x128xf32>
    %get3A_622 = arith.index_cast %get3A_608 : i32 to index
    %get3A_623 = arith.constant 0 : index
    %get3A_624 = vector.load %arg3[%get3A_622, %get3A_623] : memref<1000x128xf32, #tpu.memory_space<vmem>>, vector<1x128xf32>
    %add3A_625 = vector.broadcast %get3A_624 : vector<1x128xf32> to vector<16x128xf32>
    %add3A_626 = arith.addf %dot_general3A_621, %add3A_625 : vector<16x128xf32>
    %swap3A_627 = arith.constant 21 : index
    %swap3A_628 = arith.constant 0 : index
    %swap3A_629 = arith.constant 0 : index
    %swap3A_630 = arith.constant 0 : index
    %swap3A_631 = vector.load %arg68[%swap3A_627, %swap3A_628, %swap3A_629, %swap3A_630] : memref<64x1x16x128xf32, #tpu.memory_space<vmem>>, vector<1x1x16x128xf32>
    %swap3A_632 = vector.shape_cast %swap3A_631 : vector<1x1x16x128xf32> to vector<16x128xf32>
    %swap3A_633 = vector.shape_cast %add3A_626 : vector<16x128xf32> to vector<1x1x16x128xf32>
    tpu.vector_store %arg68[%swap3A_627, %swap3A_628, %swap3A_629, %swap3A_630], %swap3A_633 {strides = array<i32>} : memref<64x1x16x128xf32, #tpu.memory_space<vmem>>, vector<1x1x16x128xf32>,
    %add3A_634 = arith.constant 440 : i32
    %add3A_635 = arith.addi %add3A_634, %arg0 : i32
    %get3A_636 = arith.index_cast %add3A_635 : i32 to index
    %get3A_637 = memref.load %arg1[%get3A_636] : memref<1280xi32, #tpu.memory_space<smem>>
    %get3A_638 = arith.constant 22 : index
    %get3A_639 = arith.constant 0 : index
    %get3A_640 = arith.constant 0 : index
    %get3A_641 = arith.constant 0 : index
    %get3A_642 = vector.load %arg2[%get3A_638, %get3A_639, %get3A_640, %get3A_641] : memref<64x1x16x128xf32, #tpu.memory_space<vmem>>, vector<1x1x16x128xf32>
    %get3A_643 = vector.shape_cast %get3A_642 : vector<1x1x16x128xf32> to vector<16x128xf32>
    %get3A_644 = arith.constant 0 : index
    %get3A_645 = arith.constant 0 : index
    %get3A_646 = arith.constant 0 : index
    %get3A_647 = vector.load %arg26[%get3A_644, %get3A_645, %get3A_646] : memref<1x128x128xf32, #tpu.memory_space<vmem>>, vector<1x128x128xf32>
    %get3A_648 = vector.shape_cast %get3A_647 : vector<1x128x128xf32> to vector<128x128xf32>
    %dot_general3A_649 = arith.constant dense<0.000000e+00> : vector<16x128xf32>
    %dot_general3A_650 = tpu.matmul %get3A_643, %get3A_648, %dot_general3A_649 {dimension_numbers = #tpu.dot_dimension_numbers<[1], [1], [0], [0], [0, 0, 1, 0], [], []>, transpose_lhs_hint = false} : vector<16x128xf32>, vector<128x128xf32>, vector<16x128xf32> -> vector<16x128xf32>
    %get3A_651 = arith.index_cast %get3A_637 : i32 to index
    %get3A_652 = arith.constant 0 : index
    %get3A_653 = vector.load %arg3[%get3A_651, %get3A_652] : memref<1000x128xf32, #tpu.memory_space<vmem>>, vector<1x128xf32>
    %add3A_654 = vector.broadcast %get3A_653 : vector<1x128xf32> to vector<16x128xf32>
    %add3A_655 = arith.addf %dot_general3A_650, %add3A_654 : vector<16x128xf32>
    %swap3A_656 = arith.constant 22 : index
    %swap3A_657 = arith.constant 0 : index
    %swap3A_658 = arith.constant 0 : index
    %swap3A_659 = arith.constant 0 : index
    %swap3A_660 = vector.load %arg68[%swap3A_656, %swap3A_657, %swap3A_658, %swap3A_659] : memref<64x1x16x128xf32, #tpu.memory_space<vmem>>, vector<1x1x16x128xf32>
    %swap3A_661 = vector.shape_cast %swap3A_660 : vector<1x1x16x128xf32> to vector<16x128xf32>
    %swap3A_662 = vector.shape_cast %add3A_655 : vector<16x128xf32> to vector<1x1x16x128xf32>
    tpu.vector_store %arg68[%swap3A_656, %swap3A_657, %swap3A_658, %swap3A_659], %swap3A_662 {strides = array<i32>} : memref<64x1x16x128xf32, #tpu.memory_space<vmem>>, vector<1x1x16x128xf32>,
    %add3A_663 = arith.constant 460 : i32
    %add3A_664 = arith.addi %add3A_663, %arg0 : i32
    %get3A_665 = arith.index_cast %add3A_664 : i32 to index
    %get3A_666 = memref.load %arg1[%get3A_665] : memref<1280xi32, #tpu.memory_space<smem>>
    %get3A_667 = arith.constant 23 : index
    %get3A_668 = arith.constant 0 : index
    %get3A_669 = arith.constant 0 : index
    %get3A_670 = arith.constant 0 : index
    %get3A_671 = vector.load %arg2[%get3A_667, %get3A_668, %get3A_669, %get3A_670] : memref<64x1x16x128xf32, #tpu.memory_space<vmem>>, vector<1x1x16x128xf32>
    %get3A_672 = vector.shape_cast %get3A_671 : vector<1x1x16x128xf32> to vector<16x128xf32>
    %get3A_673 = arith.constant 0 : index
    %get3A_674 = arith.constant 0 : index
    %get3A_675 = arith.constant 0 : index
    %get3A_676 = vector.load %arg27[%get3A_673, %get3A_674, %get3A_675] : memref<1x128x128xf32, #tpu.memory_space<vmem>>, vector<1x128x128xf32>
    %get3A_677 = vector.shape_cast %get3A_676 : vector<1x128x128xf32> to vector<128x128xf32>
    %dot_general3A_678 = arith.constant dense<0.000000e+00> : vector<16x128xf32>
    %dot_general3A_679 = tpu.matmul %get3A_672, %get3A_677, %dot_general3A_678 {dimension_numbers = #tpu.dot_dimension_numbers<[1], [1], [0], [0], [0, 0, 1, 0], [], []>, transpose_lhs_hint = false} : vector<16x128xf32>, vector<128x128xf32>, vector<16x128xf32> -> vector<16x128xf32>
    %get3A_680 = arith.index_cast %get3A_666 : i32 to index
    %get3A_681 = arith.constant 0 : index
    %get3A_682 = vector.load %arg3[%get3A_680, %get3A_681] : memref<1000x128xf32, #tpu.memory_space<vmem>>, vector<1x128xf32>
    %add3A_683 = vector.broadcast %get3A_682 : vector<1x128xf32> to vector<16x128xf32>
    %add3A_684 = arith.addf %dot_general3A_679, %add3A_683 : vector<16x128xf32>
    %swap3A_685 = arith.constant 23 : index
    %swap3A_686 = arith.constant 0 : index
    %swap3A_687 = arith.constant 0 : index
    %swap3A_688 = arith.constant 0 : index
    %swap3A_689 = vector.load %arg68[%swap3A_685, %swap3A_686, %swap3A_687, %swap3A_688] : memref<64x1x16x128xf32, #tpu.memory_space<vmem>>, vector<1x1x16x128xf32>
    %swap3A_690 = vector.shape_cast %swap3A_689 : vector<1x1x16x128xf32> to vector<16x128xf32>
    %swap3A_691 = vector.shape_cast %add3A_684 : vector<16x128xf32> to vector<1x1x16x128xf32>
    tpu.vector_store %arg68[%swap3A_685, %swap3A_686, %swap3A_687, %swap3A_688], %swap3A_691 {strides = array<i32>} : memref<64x1x16x128xf32, #tpu.memory_space<vmem>>, vector<1x1x16x128xf32>,
    %add3A_692 = arith.constant 480 : i32
    %add3A_693 = arith.addi %add3A_692, %arg0 : i32
    %get3A_694 = arith.index_cast %add3A_693 : i32 to index
    %get3A_695 = memref.load %arg1[%get3A_694] : memref<1280xi32, #tpu.memory_space<smem>>
    %get3A_696 = arith.constant 24 : index
    %get3A_697 = arith.constant 0 : index
    %get3A_698 = arith.constant 0 : index
    %get3A_699 = arith.constant 0 : index
    %get3A_700 = vector.load %arg2[%get3A_696, %get3A_697, %get3A_698, %get3A_699] : memref<64x1x16x128xf32, #tpu.memory_space<vmem>>, vector<1x1x16x128xf32>
    %get3A_701 = vector.shape_cast %get3A_700 : vector<1x1x16x128xf32> to vector<16x128xf32>
    %get3A_702 = arith.constant 0 : index
    %get3A_703 = arith.constant 0 : index
    %get3A_704 = arith.constant 0 : index
    %get3A_705 = vector.load %arg28[%get3A_702, %get3A_703, %get3A_704] : memref<1x128x128xf32, #tpu.memory_space<vmem>>, vector<1x128x128xf32>
    %get3A_706 = vector.shape_cast %get3A_705 : vector<1x128x128xf32> to vector<128x128xf32>
    %dot_general3A_707 = arith.constant dense<0.000000e+00> : vector<16x128xf32>
    %dot_general3A_708 = tpu.matmul %get3A_701, %get3A_706, %dot_general3A_707 {dimension_numbers = #tpu.dot_dimension_numbers<[1], [1], [0], [0], [0, 0, 1, 0], [], []>, transpose_lhs_hint = false} : vector<16x128xf32>, vector<128x128xf32>, vector<16x128xf32> -> vector<16x128xf32>
    %get3A_709 = arith.index_cast %get3A_695 : i32 to index
    %get3A_710 = arith.constant 0 : index
    %get3A_711 = vector.load %arg3[%get3A_709, %get3A_710] : memref<1000x128xf32, #tpu.memory_space<vmem>>, vector<1x128xf32>
    %add3A_712 = vector.broadcast %get3A_711 : vector<1x128xf32> to vector<16x128xf32>
    %add3A_713 = arith.addf %dot_general3A_708, %add3A_712 : vector<16x128xf32>
    %swap3A_714 = arith.constant 24 : index
    %swap3A_715 = arith.constant 0 : index
    %swap3A_716 = arith.constant 0 : index
    %swap3A_717 = arith.constant 0 : index
    %swap3A_718 = vector.load %arg68[%swap3A_714, %swap3A_715, %swap3A_716, %swap3A_717] : memref<64x1x16x128xf32, #tpu.memory_space<vmem>>, vector<1x1x16x128xf32>
    %swap3A_719 = vector.shape_cast %swap3A_718 : vector<1x1x16x128xf32> to vector<16x128xf32>
    %swap3A_720 = vector.shape_cast %add3A_713 : vector<16x128xf32> to vector<1x1x16x128xf32>
    tpu.vector_store %arg68[%swap3A_714, %swap3A_715, %swap3A_716, %swap3A_717], %swap3A_720 {strides = array<i32>} : memref<64x1x16x128xf32, #tpu.memory_space<vmem>>, vector<1x1x16x128xf32>,
    %add3A_721 = arith.constant 500 : i32
    %add3A_722 = arith.addi %add3A_721, %arg0 : i32
    %get3A_723 = arith.index_cast %add3A_722 : i32 to index
    %get3A_724 = memref.load %arg1[%get3A_723] : memref<1280xi32, #tpu.memory_space<smem>>
    %get3A_725 = arith.constant 25 : index
    %get3A_726 = arith.constant 0 : index
    %get3A_727 = arith.constant 0 : index
    %get3A_728 = arith.constant 0 : index
    %get3A_729 = vector.load %arg2[%get3A_725, %get3A_726, %get3A_727, %get3A_728] : memref<64x1x16x128xf32, #tpu.memory_space<vmem>>, vector<1x1x16x128xf32>
    %get3A_730 = vector.shape_cast %get3A_729 : vector<1x1x16x128xf32> to vector<16x128xf32>
    %get3A_731 = arith.constant 0 : index
    %get3A_732 = arith.constant 0 : index
    %get3A_733 = arith.constant 0 : index
    %get3A_734 = vector.load %arg29[%get3A_731, %get3A_732, %get3A_733] : memref<1x128x128xf32, #tpu.memory_space<vmem>>, vector<1x128x128xf32>
    %get3A_735 = vector.shape_cast %get3A_734 : vector<1x128x128xf32> to vector<128x128xf32>
    %dot_general3A_736 = arith.constant dense<0.000000e+00> : vector<16x128xf32>
    %dot_general3A_737 = tpu.matmul %get3A_730, %get3A_735, %dot_general3A_736 {dimension_numbers = #tpu.dot_dimension_numbers<[1], [1], [0], [0], [0, 0, 1, 0], [], []>, transpose_lhs_hint = false} : vector<16x128xf32>, vector<128x128xf32>, vector<16x128xf32> -> vector<16x128xf32>
    %get3A_738 = arith.index_cast %get3A_724 : i32 to index
    %get3A_739 = arith.constant 0 : index
    %get3A_740 = vector.load %arg3[%get3A_738, %get3A_739] : memref<1000x128xf32, #tpu.memory_space<vmem>>, vector<1x128xf32>
    %add3A_741 = vector.broadcast %get3A_740 : vector<1x128xf32> to vector<16x128xf32>
    %add3A_742 = arith.addf %dot_general3A_737, %add3A_741 : vector<16x128xf32>
    %swap3A_743 = arith.constant 25 : index
    %swap3A_744 = arith.constant 0 : index
    %swap3A_745 = arith.constant 0 : index
    %swap3A_746 = arith.constant 0 : index
    %swap3A_747 = vector.load %arg68[%swap3A_743, %swap3A_744, %swap3A_745, %swap3A_746] : memref<64x1x16x128xf32, #tpu.memory_space<vmem>>, vector<1x1x16x128xf32>
    %swap3A_748 = vector.shape_cast %swap3A_747 : vector<1x1x16x128xf32> to vector<16x128xf32>
    %swap3A_749 = vector.shape_cast %add3A_742 : vector<16x128xf32> to vector<1x1x16x128xf32>
    tpu.vector_store %arg68[%swap3A_743, %swap3A_744, %swap3A_745, %swap3A_746], %swap3A_749 {strides = array<i32>} : memref<64x1x16x128xf32, #tpu.memory_space<vmem>>, vector<1x1x16x128xf32>,
    %add3A_750 = arith.constant 520 : i32
    %add3A_751 = arith.addi %add3A_750, %arg0 : i32
    %get3A_752 = arith.index_cast %add3A_751 : i32 to index
    %get3A_753 = memref.load %arg1[%get3A_752] : memref<1280xi32, #tpu.memory_space<smem>>
    %get3A_754 = arith.constant 26 : index
    %get3A_755 = arith.constant 0 : index
    %get3A_756 = arith.constant 0 : index
    %get3A_757 = arith.constant 0 : index
    %get3A_758 = vector.load %arg2[%get3A_754, %get3A_755, %get3A_756, %get3A_757] : memref<64x1x16x128xf32, #tpu.memory_space<vmem>>, vector<1x1x16x128xf32>
    %get3A_759 = vector.shape_cast %get3A_758 : vector<1x1x16x128xf32> to vector<16x128xf32>
    %get3A_760 = arith.constant 0 : index
    %get3A_761 = arith.constant 0 : index
    %get3A_762 = arith.constant 0 : index
    %get3A_763 = vector.load %arg30[%get3A_760, %get3A_761, %get3A_762] : memref<1x128x128xf32, #tpu.memory_space<vmem>>, vector<1x128x128xf32>
    %get3A_764 = vector.shape_cast %get3A_763 : vector<1x128x128xf32> to vector<128x128xf32>
    %dot_general3A_765 = arith.constant dense<0.000000e+00> : vector<16x128xf32>
    %dot_general3A_766 = tpu.matmul %get3A_759, %get3A_764, %dot_general3A_765 {dimension_numbers = #tpu.dot_dimension_numbers<[1], [1], [0], [0], [0, 0, 1, 0], [], []>, transpose_lhs_hint = false} : vector<16x128xf32>, vector<128x128xf32>, vector<16x128xf32> -> vector<16x128xf32>
    %get3A_767 = arith.index_cast %get3A_753 : i32 to index
    %get3A_768 = arith.constant 0 : index
    %get3A_769 = vector.load %arg3[%get3A_767, %get3A_768] : memref<1000x128xf32, #tpu.memory_space<vmem>>, vector<1x128xf32>
    %add3A_770 = vector.broadcast %get3A_769 : vector<1x128xf32> to vector<16x128xf32>
    %add3A_771 = arith.addf %dot_general3A_766, %add3A_770 : vector<16x128xf32>
    %swap3A_772 = arith.constant 26 : index
    %swap3A_773 = arith.constant 0 : index
    %swap3A_774 = arith.constant 0 : index
    %swap3A_775 = arith.constant 0 : index
    %swap3A_776 = vector.load %arg68[%swap3A_772, %swap3A_773, %swap3A_774, %swap3A_775] : memref<64x1x16x128xf32, #tpu.memory_space<vmem>>, vector<1x1x16x128xf32>
    %swap3A_777 = vector.shape_cast %swap3A_776 : vector<1x1x16x128xf32> to vector<16x128xf32>
    %swap3A_778 = vector.shape_cast %add3A_771 : vector<16x128xf32> to vector<1x1x16x128xf32>
    tpu.vector_store %arg68[%swap3A_772, %swap3A_773, %swap3A_774, %swap3A_775], %swap3A_778 {strides = array<i32>} : memref<64x1x16x128xf32, #tpu.memory_space<vmem>>, vector<1x1x16x128xf32>,
    %add3A_779 = arith.constant 540 : i32
    %add3A_780 = arith.addi %add3A_779, %arg0 : i32
    %get3A_781 = arith.index_cast %add3A_780 : i32 to index
    %get3A_782 = memref.load %arg1[%get3A_781] : memref<1280xi32, #tpu.memory_space<smem>>
    %get3A_783 = arith.constant 27 : index
    %get3A_784 = arith.constant 0 : index
    %get3A_785 = arith.constant 0 : index
    %get3A_786 = arith.constant 0 : index
    %get3A_787 = vector.load %arg2[%get3A_783, %get3A_784, %get3A_785, %get3A_786] : memref<64x1x16x128xf32, #tpu.memory_space<vmem>>, vector<1x1x16x128xf32>
    %get3A_788 = vector.shape_cast %get3A_787 : vector<1x1x16x128xf32> to vector<16x128xf32>
    %get3A_789 = arith.constant 0 : index
    %get3A_790 = arith.constant 0 : index
    %get3A_791 = arith.constant 0 : index
    %get3A_792 = vector.load %arg31[%get3A_789, %get3A_790, %get3A_791] : memref<1x128x128xf32, #tpu.memory_space<vmem>>, vector<1x128x128xf32>
    %get3A_793 = vector.shape_cast %get3A_792 : vector<1x128x128xf32> to vector<128x128xf32>
    %dot_general3A_794 = arith.constant dense<0.000000e+00> : vector<16x128xf32>
    %dot_general3A_795 = tpu.matmul %get3A_788, %get3A_793, %dot_general3A_794 {dimension_numbers = #tpu.dot_dimension_numbers<[1], [1], [0], [0], [0, 0, 1, 0], [], []>, transpose_lhs_hint = false} : vector<16x128xf32>, vector<128x128xf32>, vector<16x128xf32> -> vector<16x128xf32>
    %get3A_796 = arith.index_cast %get3A_782 : i32 to index
    %get3A_797 = arith.constant 0 : index
    %get3A_798 = vector.load %arg3[%get3A_796, %get3A_797] : memref<1000x128xf32, #tpu.memory_space<vmem>>, vector<1x128xf32>
    %add3A_799 = vector.broadcast %get3A_798 : vector<1x128xf32> to vector<16x128xf32>
    %add3A_800 = arith.addf %dot_general3A_795, %add3A_799 : vector<16x128xf32>
    %swap3A_801 = arith.constant 27 : index
    %swap3A_802 = arith.constant 0 : index
    %swap3A_803 = arith.constant 0 : index
    %swap3A_804 = arith.constant 0 : index
    %swap3A_805 = vector.load %arg68[%swap3A_801, %swap3A_802, %swap3A_803, %swap3A_804] : memref<64x1x16x128xf32, #tpu.memory_space<vmem>>, vector<1x1x16x128xf32>
    %swap3A_806 = vector.shape_cast %swap3A_805 : vector<1x1x16x128xf32> to vector<16x128xf32>
    %swap3A_807 = vector.shape_cast %add3A_800 : vector<16x128xf32> to vector<1x1x16x128xf32>
    tpu.vector_store %arg68[%swap3A_801, %swap3A_802, %swap3A_803, %swap3A_804], %swap3A_807 {strides = array<i32>} : memref<64x1x16x128xf32, #tpu.memory_space<vmem>>, vector<1x1x16x128xf32>,
    %add3A_808 = arith.constant 560 : i32
    %add3A_809 = arith.addi %add3A_808, %arg0 : i32
    %get3A_810 = arith.index_cast %add3A_809 : i32 to index
    %get3A_811 = memref.load %arg1[%get3A_810] : memref<1280xi32, #tpu.memory_space<smem>>
    %get3A_812 = arith.constant 28 : index
    %get3A_813 = arith.constant 0 : index
    %get3A_814 = arith.constant 0 : index
    %get3A_815 = arith.constant 0 : index
    %get3A_816 = vector.load %arg2[%get3A_812, %get3A_813, %get3A_814, %get3A_815] : memref<64x1x16x128xf32, #tpu.memory_space<vmem>>, vector<1x1x16x128xf32>
    %get3A_817 = vector.shape_cast %get3A_816 : vector<1x1x16x128xf32> to vector<16x128xf32>
    %get3A_818 = arith.constant 0 : index
    %get3A_819 = arith.constant 0 : index
    %get3A_820 = arith.constant 0 : index
    %get3A_821 = vector.load %arg32[%get3A_818, %get3A_819, %get3A_820] : memref<1x128x128xf32, #tpu.memory_space<vmem>>, vector<1x128x128xf32>
    %get3A_822 = vector.shape_cast %get3A_821 : vector<1x128x128xf32> to vector<128x128xf32>
    %dot_general3A_823 = arith.constant dense<0.000000e+00> : vector<16x128xf32>
    %dot_general3A_824 = tpu.matmul %get3A_817, %get3A_822, %dot_general3A_823 {dimension_numbers = #tpu.dot_dimension_numbers<[1], [1], [0], [0], [0, 0, 1, 0], [], []>, transpose_lhs_hint = false} : vector<16x128xf32>, vector<128x128xf32>, vector<16x128xf32> -> vector<16x128xf32>
    %get3A_825 = arith.index_cast %get3A_811 : i32 to index
    %get3A_826 = arith.constant 0 : index
    %get3A_827 = vector.load %arg3[%get3A_825, %get3A_826] : memref<1000x128xf32, #tpu.memory_space<vmem>>, vector<1x128xf32>
    %add3A_828 = vector.broadcast %get3A_827 : vector<1x128xf32> to vector<16x128xf32>
    %add3A_829 = arith.addf %dot_general3A_824, %add3A_828 : vector<16x128xf32>
    %swap3A_830 = arith.constant 28 : index
    %swap3A_831 = arith.constant 0 : index
    %swap3A_832 = arith.constant 0 : index
    %swap3A_833 = arith.constant 0 : index
    %swap3A_834 = vector.load %arg68[%swap3A_830, %swap3A_831, %swap3A_832, %swap3A_833] : memref<64x1x16x128xf32, #tpu.memory_space<vmem>>, vector<1x1x16x128xf32>
    %swap3A_835 = vector.shape_cast %swap3A_834 : vector<1x1x16x128xf32> to vector<16x128xf32>
    %swap3A_836 = vector.shape_cast %add3A_829 : vector<16x128xf32> to vector<1x1x16x128xf32>
    tpu.vector_store %arg68[%swap3A_830, %swap3A_831, %swap3A_832, %swap3A_833], %swap3A_836 {strides = array<i32>} : memref<64x1x16x128xf32, #tpu.memory_space<vmem>>, vector<1x1x16x128xf32>,
    %add3A_837 = arith.constant 580 : i32
    %add3A_838 = arith.addi %add3A_837, %arg0 : i32
    %get3A_839 = arith.index_cast %add3A_838 : i32 to index
    %get3A_840 = memref.load %arg1[%get3A_839] : memref<1280xi32, #tpu.memory_space<smem>>
    %get3A_841 = arith.constant 29 : index
    %get3A_842 = arith.constant 0 : index
    %get3A_843 = arith.constant 0 : index
    %get3A_844 = arith.constant 0 : index
    %get3A_845 = vector.load %arg2[%get3A_841, %get3A_842, %get3A_843, %get3A_844] : memref<64x1x16x128xf32, #tpu.memory_space<vmem>>, vector<1x1x16x128xf32>
    %get3A_846 = vector.shape_cast %get3A_845 : vector<1x1x16x128xf32> to vector<16x128xf32>
    %get3A_847 = arith.constant 0 : index
    %get3A_848 = arith.constant 0 : index
    %get3A_849 = arith.constant 0 : index
    %get3A_850 = vector.load %arg33[%get3A_847, %get3A_848, %get3A_849] : memref<1x128x128xf32, #tpu.memory_space<vmem>>, vector<1x128x128xf32>
    %get3A_851 = vector.shape_cast %get3A_850 : vector<1x128x128xf32> to vector<128x128xf32>
    %dot_general3A_852 = arith.constant dense<0.000000e+00> : vector<16x128xf32>
    %dot_general3A_853 = tpu.matmul %get3A_846, %get3A_851, %dot_general3A_852 {dimension_numbers = #tpu.dot_dimension_numbers<[1], [1], [0], [0], [0, 0, 1, 0], [], []>, transpose_lhs_hint = false} : vector<16x128xf32>, vector<128x128xf32>, vector<16x128xf32> -> vector<16x128xf32>
    %get3A_854 = arith.index_cast %get3A_840 : i32 to index
    %get3A_855 = arith.constant 0 : index
    %get3A_856 = vector.load %arg3[%get3A_854, %get3A_855] : memref<1000x128xf32, #tpu.memory_space<vmem>>, vector<1x128xf32>
    %add3A_857 = vector.broadcast %get3A_856 : vector<1x128xf32> to vector<16x128xf32>
    %add3A_858 = arith.addf %dot_general3A_853, %add3A_857 : vector<16x128xf32>
    %swap3A_859 = arith.constant 29 : index
    %swap3A_860 = arith.constant 0 : index
    %swap3A_861 = arith.constant 0 : index
    %swap3A_862 = arith.constant 0 : index
    %swap3A_863 = vector.load %arg68[%swap3A_859, %swap3A_860, %swap3A_861, %swap3A_862] : memref<64x1x16x128xf32, #tpu.memory_space<vmem>>, vector<1x1x16x128xf32>
    %swap3A_864 = vector.shape_cast %swap3A_863 : vector<1x1x16x128xf32> to vector<16x128xf32>
    %swap3A_865 = vector.shape_cast %add3A_858 : vector<16x128xf32> to vector<1x1x16x128xf32>
    tpu.vector_store %arg68[%swap3A_859, %swap3A_860, %swap3A_861, %swap3A_862], %swap3A_865 {strides = array<i32>} : memref<64x1x16x128xf32, #tpu.memory_space<vmem>>, vector<1x1x16x128xf32>,
    %add3A_866 = arith.constant 600 : i32
    %add3A_867 = arith.addi %add3A_866, %arg0 : i32
    %get3A_868 = arith.index_cast %add3A_867 : i32 to index
    %get3A_869 = memref.load %arg1[%get3A_868] : memref<1280xi32, #tpu.memory_space<smem>>
    %get3A_870 = arith.constant 30 : index
    %get3A_871 = arith.constant 0 : index
    %get3A_872 = arith.constant 0 : index
    %get3A_873 = arith.constant 0 : index
    %get3A_874 = vector.load %arg2[%get3A_870, %get3A_871, %get3A_872, %get3A_873] : memref<64x1x16x128xf32, #tpu.memory_space<vmem>>, vector<1x1x16x128xf32>
    %get3A_875 = vector.shape_cast %get3A_874 : vector<1x1x16x128xf32> to vector<16x128xf32>
    %get3A_876 = arith.constant 0 : index
    %get3A_877 = arith.constant 0 : index
    %get3A_878 = arith.constant 0 : index
    %get3A_879 = vector.load %arg34[%get3A_876, %get3A_877, %get3A_878] : memref<1x128x128xf32, #tpu.memory_space<vmem>>, vector<1x128x128xf32>
    %get3A_880 = vector.shape_cast %get3A_879 : vector<1x128x128xf32> to vector<128x128xf32>
    %dot_general3A_881 = arith.constant dense<0.000000e+00> : vector<16x128xf32>
    %dot_general3A_882 = tpu.matmul %get3A_875, %get3A_880, %dot_general3A_881 {dimension_numbers = #tpu.dot_dimension_numbers<[1], [1], [0], [0], [0, 0, 1, 0], [], []>, transpose_lhs_hint = false} : vector<16x128xf32>, vector<128x128xf32>, vector<16x128xf32> -> vector<16x128xf32>
    %get3A_883 = arith.index_cast %get3A_869 : i32 to index
    %get3A_884 = arith.constant 0 : index
    %get3A_885 = vector.load %arg3[%get3A_883, %get3A_884] : memref<1000x128xf32, #tpu.memory_space<vmem>>, vector<1x128xf32>
    %add3A_886 = vector.broadcast %get3A_885 : vector<1x128xf32> to vector<16x128xf32>
    %add3A_887 = arith.addf %dot_general3A_882, %add3A_886 : vector<16x128xf32>
    %swap3A_888 = arith.constant 30 : index
    %swap3A_889 = arith.constant 0 : index
    %swap3A_890 = arith.constant 0 : index
    %swap3A_891 = arith.constant 0 : index
    %swap3A_892 = vector.load %arg68[%swap3A_888, %swap3A_889, %swap3A_890, %swap3A_891] : memref<64x1x16x128xf32, #tpu.memory_space<vmem>>, vector<1x1x16x128xf32>
    %swap3A_893 = vector.shape_cast %swap3A_892 : vector<1x1x16x128xf32> to vector<16x128xf32>
    %swap3A_894 = vector.shape_cast %add3A_887 : vector<16x128xf32> to vector<1x1x16x128xf32>
    tpu.vector_store %arg68[%swap3A_888, %swap3A_889, %swap3A_890, %swap3A_891], %swap3A_894 {strides = array<i32>} : memref<64x1x16x128xf32, #tpu.memory_space<vmem>>, vector<1x1x16x128xf32>,
    %add3A_895 = arith.constant 620 : i32
    %add3A_896 = arith.addi %add3A_895, %arg0 : i32
    %get3A_897 = arith.index_cast %add3A_896 : i32 to index
    %get3A_898 = memref.load %arg1[%get3A_897] : memref<1280xi32, #tpu.memory_space<smem>>
    %get3A_899 = arith.constant 31 : index
    %get3A_900 = arith.constant 0 : index
    %get3A_901 = arith.constant 0 : index
    %get3A_902 = arith.constant 0 : index
    %get3A_903 = vector.load %arg2[%get3A_899, %get3A_900, %get3A_901, %get3A_902] : memref<64x1x16x128xf32, #tpu.memory_space<vmem>>, vector<1x1x16x128xf32>
    %get3A_904 = vector.shape_cast %get3A_903 : vector<1x1x16x128xf32> to vector<16x128xf32>
    %get3A_905 = arith.constant 0 : index
    %get3A_906 = arith.constant 0 : index
    %get3A_907 = arith.constant 0 : index
    %get3A_908 = vector.load %arg35[%get3A_905, %get3A_906, %get3A_907] : memref<1x128x128xf32, #tpu.memory_space<vmem>>, vector<1x128x128xf32>
    %get3A_909 = vector.shape_cast %get3A_908 : vector<1x128x128xf32> to vector<128x128xf32>
    %dot_general3A_910 = arith.constant dense<0.000000e+00> : vector<16x128xf32>
    %dot_general3A_911 = tpu.matmul %get3A_904, %get3A_909, %dot_general3A_910 {dimension_numbers = #tpu.dot_dimension_numbers<[1], [1], [0], [0], [0, 0, 1, 0], [], []>, transpose_lhs_hint = false} : vector<16x128xf32>, vector<128x128xf32>, vector<16x128xf32> -> vector<16x128xf32>
    %get3A_912 = arith.index_cast %get3A_898 : i32 to index
    %get3A_913 = arith.constant 0 : index
    %get3A_914 = vector.load %arg3[%get3A_912, %get3A_913] : memref<1000x128xf32, #tpu.memory_space<vmem>>, vector<1x128xf32>
    %add3A_915 = vector.broadcast %get3A_914 : vector<1x128xf32> to vector<16x128xf32>
    %add3A_916 = arith.addf %dot_general3A_911, %add3A_915 : vector<16x128xf32>
    %swap3A_917 = arith.constant 31 : index
    %swap3A_918 = arith.constant 0 : index
    %swap3A_919 = arith.constant 0 : index
    %swap3A_920 = arith.constant 0 : index
    %swap3A_921 = vector.load %arg68[%swap3A_917, %swap3A_918, %swap3A_919, %swap3A_920] : memref<64x1x16x128xf32, #tpu.memory_space<vmem>>, vector<1x1x16x128xf32>
    %swap3A_922 = vector.shape_cast %swap3A_921 : vector<1x1x16x128xf32> to vector<16x128xf32>
    %swap3A_923 = vector.shape_cast %add3A_916 : vector<16x128xf32> to vector<1x1x16x128xf32>
    tpu.vector_store %arg68[%swap3A_917, %swap3A_918, %swap3A_919, %swap3A_920], %swap3A_923 {strides = array<i32>} : memref<64x1x16x128xf32, #tpu.memory_space<vmem>>, vector<1x1x16x128xf32>,
    %add3A_924 = arith.constant 640 : i32
    %add3A_925 = arith.addi %add3A_924, %arg0 : i32
    %get3A_926 = arith.index_cast %add3A_925 : i32 to index
    %get3A_927 = memref.load %arg1[%get3A_926] : memref<1280xi32, #tpu.memory_space<smem>>
    %get3A_928 = arith.constant 32 : index
    %get3A_929 = arith.constant 0 : index
    %get3A_930 = arith.constant 0 : index
    %get3A_931 = arith.constant 0 : index
    %get3A_932 = vector.load %arg2[%get3A_928, %get3A_929, %get3A_930, %get3A_931] : memref<64x1x16x128xf32, #tpu.memory_space<vmem>>, vector<1x1x16x128xf32>
    %get3A_933 = vector.shape_cast %get3A_932 : vector<1x1x16x128xf32> to vector<16x128xf32>
    %get3A_934 = arith.constant 0 : index
    %get3A_935 = arith.constant 0 : index
    %get3A_936 = arith.constant 0 : index
    %get3A_937 = vector.load %arg36[%get3A_934, %get3A_935, %get3A_936] : memref<1x128x128xf32, #tpu.memory_space<vmem>>, vector<1x128x128xf32>
    %get3A_938 = vector.shape_cast %get3A_937 : vector<1x128x128xf32> to vector<128x128xf32>
    %dot_general3A_939 = arith.constant dense<0.000000e+00> : vector<16x128xf32>
    %dot_general3A_940 = tpu.matmul %get3A_933, %get3A_938, %dot_general3A_939 {dimension_numbers = #tpu.dot_dimension_numbers<[1], [1], [0], [0], [0, 0, 1, 0], [], []>, transpose_lhs_hint = false} : vector<16x128xf32>, vector<128x128xf32>, vector<16x128xf32> -> vector<16x128xf32>
    %get3A_941 = arith.index_cast %get3A_927 : i32 to index
    %get3A_942 = arith.constant 0 : index
    %get3A_943 = vector.load %arg3[%get3A_941, %get3A_942] : memref<1000x128xf32, #tpu.memory_space<vmem>>, vector<1x128xf32>
    %add3A_944 = vector.broadcast %get3A_943 : vector<1x128xf32> to vector<16x128xf32>
    %add3A_945 = arith.addf %dot_general3A_940, %add3A_944 : vector<16x128xf32>
    %swap3A_946 = arith.constant 32 : index
    %swap3A_947 = arith.constant 0 : index
    %swap3A_948 = arith.constant 0 : index
    %swap3A_949 = arith.constant 0 : index
    %swap3A_950 = vector.load %arg68[%swap3A_946, %swap3A_947, %swap3A_948, %swap3A_949] : memref<64x1x16x128xf32, #tpu.memory_space<vmem>>, vector<1x1x16x128xf32>
    %swap3A_951 = vector.shape_cast %swap3A_950 : vector<1x1x16x128xf32> to vector<16x128xf32>
    %swap3A_952 = vector.shape_cast %add3A_945 : vector<16x128xf32> to vector<1x1x16x128xf32>
    tpu.vector_store %arg68[%swap3A_946, %swap3A_947, %swap3A_948, %swap3A_949], %swap3A_952 {strides = array<i32>} : memref<64x1x16x128xf32, #tpu.memory_space<vmem>>, vector<1x1x16x128xf32>,
    %add3A_953 = arith.constant 660 : i32
    %add3A_954 = arith.addi %add3A_953, %arg0 : i32
    %get3A_955 = arith.index_cast %add3A_954 : i32 to index
    %get3A_956 = memref.load %arg1[%get3A_955] : memref<1280xi32, #tpu.memory_space<smem>>
    %get3A_957 = arith.constant 33 : index
    %get3A_958 = arith.constant 0 : index
    %get3A_959 = arith.constant 0 : index
    %get3A_960 = arith.constant 0 : index
    %get3A_961 = vector.load %arg2[%get3A_957, %get3A_958, %get3A_959, %get3A_960] : memref<64x1x16x128xf32, #tpu.memory_space<vmem>>, vector<1x1x16x128xf32>
    %get3A_962 = vector.shape_cast %get3A_961 : vector<1x1x16x128xf32> to vector<16x128xf32>
    %get3A_963 = arith.constant 0 : index
    %get3A_964 = arith.constant 0 : index
    %get3A_965 = arith.constant 0 : index
    %get3A_966 = vector.load %arg37[%get3A_963, %get3A_964, %get3A_965] : memref<1x128x128xf32, #tpu.memory_space<vmem>>, vector<1x128x128xf32>
    %get3A_967 = vector.shape_cast %get3A_966 : vector<1x128x128xf32> to vector<128x128xf32>
    %dot_general3A_968 = arith.constant dense<0.000000e+00> : vector<16x128xf32>
    %dot_general3A_969 = tpu.matmul %get3A_962, %get3A_967, %dot_general3A_968 {dimension_numbers = #tpu.dot_dimension_numbers<[1], [1], [0], [0], [0, 0, 1, 0], [], []>, transpose_lhs_hint = false} : vector<16x128xf32>, vector<128x128xf32>, vector<16x128xf32> -> vector<16x128xf32>
    %get3A_970 = arith.index_cast %get3A_956 : i32 to index
    %get3A_971 = arith.constant 0 : index
    %get3A_972 = vector.load %arg3[%get3A_970, %get3A_971] : memref<1000x128xf32, #tpu.memory_space<vmem>>, vector<1x128xf32>
    %add3A_973 = vector.broadcast %get3A_972 : vector<1x128xf32> to vector<16x128xf32>
    %add3A_974 = arith.addf %dot_general3A_969, %add3A_973 : vector<16x128xf32>
    %swap3A_975 = arith.constant 33 : index
    %swap3A_976 = arith.constant 0 : index
    %swap3A_977 = arith.constant 0 : index
    %swap3A_978 = arith.constant 0 : index
    %swap3A_979 = vector.load %arg68[%swap3A_975, %swap3A_976, %swap3A_977, %swap3A_978] : memref<64x1x16x128xf32, #tpu.memory_space<vmem>>, vector<1x1x16x128xf32>
    %swap3A_980 = vector.shape_cast %swap3A_979 : vector<1x1x16x128xf32> to vector<16x128xf32>
    %swap3A_981 = vector.shape_cast %add3A_974 : vector<16x128xf32> to vector<1x1x16x128xf32>
    tpu.vector_store %arg68[%swap3A_975, %swap3A_976, %swap3A_977, %swap3A_978], %swap3A_981 {strides = array<i32>} : memref<64x1x16x128xf32, #tpu.memory_space<vmem>>, vector<1x1x16x128xf32>,
    %add3A_982 = arith.constant 680 : i32
    %add3A_983 = arith.addi %add3A_982, %arg0 : i32
    %get3A_984 = arith.index_cast %add3A_983 : i32 to index
    %get3A_985 = memref.load %arg1[%get3A_984] : memref<1280xi32, #tpu.memory_space<smem>>
    %get3A_986 = arith.constant 34 : index
    %get3A_987 = arith.constant 0 : index
    %get3A_988 = arith.constant 0 : index
    %get3A_989 = arith.constant 0 : index
    %get3A_990 = vector.load %arg2[%get3A_986, %get3A_987, %get3A_988, %get3A_989] : memref<64x1x16x128xf32, #tpu.memory_space<vmem>>, vector<1x1x16x128xf32>
    %get3A_991 = vector.shape_cast %get3A_990 : vector<1x1x16x128xf32> to vector<16x128xf32>
    %get3A_992 = arith.constant 0 : index
    %get3A_993 = arith.constant 0 : index
    %get3A_994 = arith.constant 0 : index
    %get3A_995 = vector.load %arg38[%get3A_992, %get3A_993, %get3A_994] : memref<1x128x128xf32, #tpu.memory_space<vmem>>, vector<1x128x128xf32>
    %get3A_996 = vector.shape_cast %get3A_995 : vector<1x128x128xf32> to vector<128x128xf32>
    %dot_general3A_997 = arith.constant dense<0.000000e+00> : vector<16x128xf32>
    %dot_general3A_998 = tpu.matmul %get3A_991, %get3A_996, %dot_general3A_997 {dimension_numbers = #tpu.dot_dimension_numbers<[1], [1], [0], [0], [0, 0, 1, 0], [], []>, transpose_lhs_hint = false} : vector<16x128xf32>, vector<128x128xf32>, vector<16x128xf32> -> vector<16x128xf32>
    %get3A_999 = arith.index_cast %get3A_985 : i32 to index
    %get3A_1000 = arith.constant 0 : index
    %get3A_1001 = vector.load %arg3[%get3A_999, %get3A_1000] : memref<1000x128xf32, #tpu.memory_space<vmem>>, vector<1x128xf32>
    %add3A_1002 = vector.broadcast %get3A_1001 : vector<1x128xf32> to vector<16x128xf32>
    %add3A_1003 = arith.addf %dot_general3A_998, %add3A_1002 : vector<16x128xf32>
    %swap3A_1004 = arith.constant 34 : index
    %swap3A_1005 = arith.constant 0 : index
    %swap3A_1006 = arith.constant 0 : index
    %swap3A_1007 = arith.constant 0 : index
    %swap3A_1008 = vector.load %arg68[%swap3A_1004, %swap3A_1005, %swap3A_1006, %swap3A_1007] : memref<64x1x16x128xf32, #tpu.memory_space<vmem>>, vector<1x1x16x128xf32>
    %swap3A_1009 = vector.shape_cast %swap3A_1008 : vector<1x1x16x128xf32> to vector<16x128xf32>
    %swap3A_1010 = vector.shape_cast %add3A_1003 : vector<16x128xf32> to vector<1x1x16x128xf32>
    tpu.vector_store %arg68[%swap3A_1004, %swap3A_1005, %swap3A_1006, %swap3A_1007], %swap3A_1010 {strides = array<i32>} : memref<64x1x16x128xf32, #tpu.memory_space<vmem>>, vector<1x1x16x128xf32>,
    %add3A_1011 = arith.constant 700 : i32
    %add3A_1012 = arith.addi %add3A_1011, %arg0 : i32
    %get3A_1013 = arith.index_cast %add3A_1012 : i32 to index
    %get3A_1014 = memref.load %arg1[%get3A_1013] : memref<1280xi32, #tpu.memory_space<smem>>
    %get3A_1015 = arith.constant 35 : index
    %get3A_1016 = arith.constant 0 : index
    %get3A_1017 = arith.constant 0 : index
    %get3A_1018 = arith.constant 0 : index
    %get3A_1019 = vector.load %arg2[%get3A_1015, %get3A_1016, %get3A_1017, %get3A_1018] : memref<64x1x16x128xf32, #tpu.memory_space<vmem>>, vector<1x1x16x128xf32>
    %get3A_1020 = vector.shape_cast %get3A_1019 : vector<1x1x16x128xf32> to vector<16x128xf32>
    %get3A_1021 = arith.constant 0 : index
    %get3A_1022 = arith.constant 0 : index
    %get3A_1023 = arith.constant 0 : index
    %get3A_1024 = vector.load %arg39[%get3A_1021, %get3A_1022, %get3A_1023] : memref<1x128x128xf32, #tpu.memory_space<vmem>>, vector<1x128x128xf32>
    %get3A_1025 = vector.shape_cast %get3A_1024 : vector<1x128x128xf32> to vector<128x128xf32>
    %dot_general3A_1026 = arith.constant dense<0.000000e+00> : vector<16x128xf32>
    %dot_general3A_1027 = tpu.matmul %get3A_1020, %get3A_1025, %dot_general3A_1026 {dimension_numbers = #tpu.dot_dimension_numbers<[1], [1], [0], [0], [0, 0, 1, 0], [], []>, transpose_lhs_hint = false} : vector<16x128xf32>, vector<128x128xf32>, vector<16x128xf32> -> vector<16x128xf32>
    %get3A_1028 = arith.index_cast %get3A_1014 : i32 to index
    %get3A_1029 = arith.constant 0 : index
    %get3A_1030 = vector.load %arg3[%get3A_1028, %get3A_1029] : memref<1000x128xf32, #tpu.memory_space<vmem>>, vector<1x128xf32>
    %add3A_1031 = vector.broadcast %get3A_1030 : vector<1x128xf32> to vector<16x128xf32>
    %add3A_1032 = arith.addf %dot_general3A_1027, %add3A_1031 : vector<16x128xf32>
    %swap3A_1033 = arith.constant 35 : index
    %swap3A_1034 = arith.constant 0 : index
    %swap3A_1035 = arith.constant 0 : index
    %swap3A_1036 = arith.constant 0 : index
    %swap3A_1037 = vector.load %arg68[%swap3A_1033, %swap3A_1034, %swap3A_1035, %swap3A_1036] : memref<64x1x16x128xf32, #tpu.memory_space<vmem>>, vector<1x1x16x128xf32>
    %swap3A_1038 = vector.shape_cast %swap3A_1037 : vector<1x1x16x128xf32> to vector<16x128xf32>
    %swap3A_1039 = vector.shape_cast %add3A_1032 : vector<16x128xf32> to vector<1x1x16x128xf32>
    tpu.vector_store %arg68[%swap3A_1033, %swap3A_1034, %swap3A_1035, %swap3A_1036], %swap3A_1039 {strides = array<i32>} : memref<64x1x16x128xf32, #tpu.memory_space<vmem>>, vector<1x1x16x128xf32>,
    %add3A_1040 = arith.constant 720 : i32
    %add3A_1041 = arith.addi %add3A_1040, %arg0 : i32
    %get3A_1042 = arith.index_cast %add3A_1041 : i32 to index
    %get3A_1043 = memref.load %arg1[%get3A_1042] : memref<1280xi32, #tpu.memory_space<smem>>
    %get3A_1044 = arith.constant 36 : index
    %get3A_1045 = arith.constant 0 : index
    %get3A_1046 = arith.constant 0 : index
    %get3A_1047 = arith.constant 0 : index
    %get3A_1048 = vector.load %arg2[%get3A_1044, %get3A_1045, %get3A_1046, %get3A_1047] : memref<64x1x16x128xf32, #tpu.memory_space<vmem>>, vector<1x1x16x128xf32>
    %get3A_1049 = vector.shape_cast %get3A_1048 : vector<1x1x16x128xf32> to vector<16x128xf32>
    %get3A_1050 = arith.constant 0 : index
    %get3A_1051 = arith.constant 0 : index
    %get3A_1052 = arith.constant 0 : index
    %get3A_1053 = vector.load %arg40[%get3A_1050, %get3A_1051, %get3A_1052] : memref<1x128x128xf32, #tpu.memory_space<vmem>>, vector<1x128x128xf32>
    %get3A_1054 = vector.shape_cast %get3A_1053 : vector<1x128x128xf32> to vector<128x128xf32>
    %dot_general3A_1055 = arith.constant dense<0.000000e+00> : vector<16x128xf32>
    %dot_general3A_1056 = tpu.matmul %get3A_1049, %get3A_1054, %dot_general3A_1055 {dimension_numbers = #tpu.dot_dimension_numbers<[1], [1], [0], [0], [0, 0, 1, 0], [], []>, transpose_lhs_hint = false} : vector<16x128xf32>, vector<128x128xf32>, vector<16x128xf32> -> vector<16x128xf32>
    %get3A_1057 = arith.index_cast %get3A_1043 : i32 to index
    %get3A_1058 = arith.constant 0 : index
    %get3A_1059 = vector.load %arg3[%get3A_1057, %get3A_1058] : memref<1000x128xf32, #tpu.memory_space<vmem>>, vector<1x128xf32>
    %add3A_1060 = vector.broadcast %get3A_1059 : vector<1x128xf32> to vector<16x128xf32>
    %add3A_1061 = arith.addf %dot_general3A_1056, %add3A_1060 : vector<16x128xf32>
    %swap3A_1062 = arith.constant 36 : index
    %swap3A_1063 = arith.constant 0 : index
    %swap3A_1064 = arith.constant 0 : index
    %swap3A_1065 = arith.constant 0 : index
    %swap3A_1066 = vector.load %arg68[%swap3A_1062, %swap3A_1063, %swap3A_1064, %swap3A_1065] : memref<64x1x16x128xf32, #tpu.memory_space<vmem>>, vector<1x1x16x128xf32>
    %swap3A_1067 = vector.shape_cast %swap3A_1066 : vector<1x1x16x128xf32> to vector<16x128xf32>
    %swap3A_1068 = vector.shape_cast %add3A_1061 : vector<16x128xf32> to vector<1x1x16x128xf32>
    tpu.vector_store %arg68[%swap3A_1062, %swap3A_1063, %swap3A_1064, %swap3A_1065], %swap3A_1068 {strides = array<i32>} : memref<64x1x16x128xf32, #tpu.memory_space<vmem>>, vector<1x1x16x128xf32>,
    %add3A_1069 = arith.constant 740 : i32
    %add3A_1070 = arith.addi %add3A_1069, %arg0 : i32
    %get3A_1071 = arith.index_cast %add3A_1070 : i32 to index
    %get3A_1072 = memref.load %arg1[%get3A_1071] : memref<1280xi32, #tpu.memory_space<smem>>
    %get3A_1073 = arith.constant 37 : index
    %get3A_1074 = arith.constant 0 : index
    %get3A_1075 = arith.constant 0 : index
    %get3A_1076 = arith.constant 0 : index
    %get3A_1077 = vector.load %arg2[%get3A_1073, %get3A_1074, %get3A_1075, %get3A_1076] : memref<64x1x16x128xf32, #tpu.memory_space<vmem>>, vector<1x1x16x128xf32>
    %get3A_1078 = vector.shape_cast %get3A_1077 : vector<1x1x16x128xf32> to vector<16x128xf32>
    %get3A_1079 = arith.constant 0 : index
    %get3A_1080 = arith.constant 0 : index
    %get3A_1081 = arith.constant 0 : index
    %get3A_1082 = vector.load %arg41[%get3A_1079, %get3A_1080, %get3A_1081] : memref<1x128x128xf32, #tpu.memory_space<vmem>>, vector<1x128x128xf32>
    %get3A_1083 = vector.shape_cast %get3A_1082 : vector<1x128x128xf32> to vector<128x128xf32>
    %dot_general3A_1084 = arith.constant dense<0.000000e+00> : vector<16x128xf32>
    %dot_general3A_1085 = tpu.matmul %get3A_1078, %get3A_1083, %dot_general3A_1084 {dimension_numbers = #tpu.dot_dimension_numbers<[1], [1], [0], [0], [0, 0, 1, 0], [], []>, transpose_lhs_hint = false} : vector<16x128xf32>, vector<128x128xf32>, vector<16x128xf32> -> vector<16x128xf32>
    %get3A_1086 = arith.index_cast %get3A_1072 : i32 to index
    %get3A_1087 = arith.constant 0 : index
    %get3A_1088 = vector.load %arg3[%get3A_1086, %get3A_1087] : memref<1000x128xf32, #tpu.memory_space<vmem>>, vector<1x128xf32>
    %add3A_1089 = vector.broadcast %get3A_1088 : vector<1x128xf32> to vector<16x128xf32>
    %add3A_1090 = arith.addf %dot_general3A_1085, %add3A_1089 : vector<16x128xf32>
    %swap3A_1091 = arith.constant 37 : index
    %swap3A_1092 = arith.constant 0 : index
    %swap3A_1093 = arith.constant 0 : index
    %swap3A_1094 = arith.constant 0 : index
    %swap3A_1095 = vector.load %arg68[%swap3A_1091, %swap3A_1092, %swap3A_1093, %swap3A_1094] : memref<64x1x16x128xf32, #tpu.memory_space<vmem>>, vector<1x1x16x128xf32>
    %swap3A_1096 = vector.shape_cast %swap3A_1095 : vector<1x1x16x128xf32> to vector<16x128xf32>
    %swap3A_1097 = vector.shape_cast %add3A_1090 : vector<16x128xf32> to vector<1x1x16x128xf32>
    tpu.vector_store %arg68[%swap3A_1091, %swap3A_1092, %swap3A_1093, %swap3A_1094], %swap3A_1097 {strides = array<i32>} : memref<64x1x16x128xf32, #tpu.memory_space<vmem>>, vector<1x1x16x128xf32>,
    %add3A_1098 = arith.constant 760 : i32
    %add3A_1099 = arith.addi %add3A_1098, %arg0 : i32
    %get3A_1100 = arith.index_cast %add3A_1099 : i32 to index
    %get3A_1101 = memref.load %arg1[%get3A_1100] : memref<1280xi32, #tpu.memory_space<smem>>
    %get3A_1102 = arith.constant 38 : index
    %get3A_1103 = arith.constant 0 : index
    %get3A_1104 = arith.constant 0 : index
    %get3A_1105 = arith.constant 0 : index
    %get3A_1106 = vector.load %arg2[%get3A_1102, %get3A_1103, %get3A_1104, %get3A_1105] : memref<64x1x16x128xf32, #tpu.memory_space<vmem>>, vector<1x1x16x128xf32>
    %get3A_1107 = vector.shape_cast %get3A_1106 : vector<1x1x16x128xf32> to vector<16x128xf32>
    %get3A_1108 = arith.constant 0 : index
    %get3A_1109 = arith.constant 0 : index
    %get3A_1110 = arith.constant 0 : index
    %get3A_1111 = vector.load %arg42[%get3A_1108, %get3A_1109, %get3A_1110] : memref<1x128x128xf32, #tpu.memory_space<vmem>>, vector<1x128x128xf32>
    %get3A_1112 = vector.shape_cast %get3A_1111 : vector<1x128x128xf32> to vector<128x128xf32>
    %dot_general3A_1113 = arith.constant dense<0.000000e+00> : vector<16x128xf32>
    %dot_general3A_1114 = tpu.matmul %get3A_1107, %get3A_1112, %dot_general3A_1113 {dimension_numbers = #tpu.dot_dimension_numbers<[1], [1], [0], [0], [0, 0, 1, 0], [], []>, transpose_lhs_hint = false} : vector<16x128xf32>, vector<128x128xf32>, vector<16x128xf32> -> vector<16x128xf32>
    %get3A_1115 = arith.index_cast %get3A_1101 : i32 to index
    %get3A_1116 = arith.constant 0 : index
    %get3A_1117 = vector.load %arg3[%get3A_1115, %get3A_1116] : memref<1000x128xf32, #tpu.memory_space<vmem>>, vector<1x128xf32>
    %add3A_1118 = vector.broadcast %get3A_1117 : vector<1x128xf32> to vector<16x128xf32>
    %add3A_1119 = arith.addf %dot_general3A_1114, %add3A_1118 : vector<16x128xf32>
    %swap3A_1120 = arith.constant 38 : index
    %swap3A_1121 = arith.constant 0 : index
    %swap3A_1122 = arith.constant 0 : index
    %swap3A_1123 = arith.constant 0 : index
    %swap3A_1124 = vector.load %arg68[%swap3A_1120, %swap3A_1121, %swap3A_1122, %swap3A_1123] : memref<64x1x16x128xf32, #tpu.memory_space<vmem>>, vector<1x1x16x128xf32>
    %swap3A_1125 = vector.shape_cast %swap3A_1124 : vector<1x1x16x128xf32> to vector<16x128xf32>
    %swap3A_1126 = vector.shape_cast %add3A_1119 : vector<16x128xf32> to vector<1x1x16x128xf32>
    tpu.vector_store %arg68[%swap3A_1120, %swap3A_1121, %swap3A_1122, %swap3A_1123], %swap3A_1126 {strides = array<i32>} : memref<64x1x16x128xf32, #tpu.memory_space<vmem>>, vector<1x1x16x128xf32>,
    %add3A_1127 = arith.constant 780 : i32
    %add3A_1128 = arith.addi %add3A_1127, %arg0 : i32
    %get3A_1129 = arith.index_cast %add3A_1128 : i32 to index
    %get3A_1130 = memref.load %arg1[%get3A_1129] : memref<1280xi32, #tpu.memory_space<smem>>
    %get3A_1131 = arith.constant 39 : index
    %get3A_1132 = arith.constant 0 : index
    %get3A_1133 = arith.constant 0 : index
    %get3A_1134 = arith.constant 0 : index
    %get3A_1135 = vector.load %arg2[%get3A_1131, %get3A_1132, %get3A_1133, %get3A_1134] : memref<64x1x16x128xf32, #tpu.memory_space<vmem>>, vector<1x1x16x128xf32>
    %get3A_1136 = vector.shape_cast %get3A_1135 : vector<1x1x16x128xf32> to vector<16x128xf32>
    %get3A_1137 = arith.constant 0 : index
    %get3A_1138 = arith.constant 0 : index
    %get3A_1139 = arith.constant 0 : index
    %get3A_1140 = vector.load %arg43[%get3A_1137, %get3A_1138, %get3A_1139] : memref<1x128x128xf32, #tpu.memory_space<vmem>>, vector<1x128x128xf32>
    %get3A_1141 = vector.shape_cast %get3A_1140 : vector<1x128x128xf32> to vector<128x128xf32>
    %dot_general3A_1142 = arith.constant dense<0.000000e+00> : vector<16x128xf32>
    %dot_general3A_1143 = tpu.matmul %get3A_1136, %get3A_1141, %dot_general3A_1142 {dimension_numbers = #tpu.dot_dimension_numbers<[1], [1], [0], [0], [0, 0, 1, 0], [], []>, transpose_lhs_hint = false} : vector<16x128xf32>, vector<128x128xf32>, vector<16x128xf32> -> vector<16x128xf32>
    %get3A_1144 = arith.index_cast %get3A_1130 : i32 to index
    %get3A_1145 = arith.constant 0 : index
    %get3A_1146 = vector.load %arg3[%get3A_1144, %get3A_1145] : memref<1000x128xf32, #tpu.memory_space<vmem>>, vector<1x128xf32>
    %add3A_1147 = vector.broadcast %get3A_1146 : vector<1x128xf32> to vector<16x128xf32>
    %add3A_1148 = arith.addf %dot_general3A_1143, %add3A_1147 : vector<16x128xf32>
    %swap3A_1149 = arith.constant 39 : index
    %swap3A_1150 = arith.constant 0 : index
    %swap3A_1151 = arith.constant 0 : index
    %swap3A_1152 = arith.constant 0 : index
    %swap3A_1153 = vector.load %arg68[%swap3A_1149, %swap3A_1150, %swap3A_1151, %swap3A_1152] : memref<64x1x16x128xf32, #tpu.memory_space<vmem>>, vector<1x1x16x128xf32>
    %swap3A_1154 = vector.shape_cast %swap3A_1153 : vector<1x1x16x128xf32> to vector<16x128xf32>
    %swap3A_1155 = vector.shape_cast %add3A_1148 : vector<16x128xf32> to vector<1x1x16x128xf32>
    tpu.vector_store %arg68[%swap3A_1149, %swap3A_1150, %swap3A_1151, %swap3A_1152], %swap3A_1155 {strides = array<i32>} : memref<64x1x16x128xf32, #tpu.memory_space<vmem>>, vector<1x1x16x128xf32>,
    %add3A_1156 = arith.constant 800 : i32
    %add3A_1157 = arith.addi %add3A_1156, %arg0 : i32
    %get3A_1158 = arith.index_cast %add3A_1157 : i32 to index
    %get3A_1159 = memref.load %arg1[%get3A_1158] : memref<1280xi32, #tpu.memory_space<smem>>
    %get3A_1160 = arith.constant 40 : index
    %get3A_1161 = arith.constant 0 : index
    %get3A_1162 = arith.constant 0 : index
    %get3A_1163 = arith.constant 0 : index
    %get3A_1164 = vector.load %arg2[%get3A_1160, %get3A_1161, %get3A_1162, %get3A_1163] : memref<64x1x16x128xf32, #tpu.memory_space<vmem>>, vector<1x1x16x128xf32>
    %get3A_1165 = vector.shape_cast %get3A_1164 : vector<1x1x16x128xf32> to vector<16x128xf32>
    %get3A_1166 = arith.constant 0 : index
    %get3A_1167 = arith.constant 0 : index
    %get3A_1168 = arith.constant 0 : index
    %get3A_1169 = vector.load %arg44[%get3A_1166, %get3A_1167, %get3A_1168] : memref<1x128x128xf32, #tpu.memory_space<vmem>>, vector<1x128x128xf32>
    %get3A_1170 = vector.shape_cast %get3A_1169 : vector<1x128x128xf32> to vector<128x128xf32>
    %dot_general3A_1171 = arith.constant dense<0.000000e+00> : vector<16x128xf32>
    %dot_general3A_1172 = tpu.matmul %get3A_1165, %get3A_1170, %dot_general3A_1171 {dimension_numbers = #tpu.dot_dimension_numbers<[1], [1], [0], [0], [0, 0, 1, 0], [], []>, transpose_lhs_hint = false} : vector<16x128xf32>, vector<128x128xf32>, vector<16x128xf32> -> vector<16x128xf32>
    %get3A_1173 = arith.index_cast %get3A_1159 : i32 to index
    %get3A_1174 = arith.constant 0 : index
    %get3A_1175 = vector.load %arg3[%get3A_1173, %get3A_1174] : memref<1000x128xf32, #tpu.memory_space<vmem>>, vector<1x128xf32>
    %add3A_1176 = vector.broadcast %get3A_1175 : vector<1x128xf32> to vector<16x128xf32>
    %add3A_1177 = arith.addf %dot_general3A_1172, %add3A_1176 : vector<16x128xf32>
    %swap3A_1178 = arith.constant 40 : index
    %swap3A_1179 = arith.constant 0 : index
    %swap3A_1180 = arith.constant 0 : index
    %swap3A_1181 = arith.constant 0 : index
    %swap3A_1182 = vector.load %arg68[%swap3A_1178, %swap3A_1179, %swap3A_1180, %swap3A_1181] : memref<64x1x16x128xf32, #tpu.memory_space<vmem>>, vector<1x1x16x128xf32>
    %swap3A_1183 = vector.shape_cast %swap3A_1182 : vector<1x1x16x128xf32> to vector<16x128xf32>
    %swap3A_1184 = vector.shape_cast %add3A_1177 : vector<16x128xf32> to vector<1x1x16x128xf32>
    tpu.vector_store %arg68[%swap3A_1178, %swap3A_1179, %swap3A_1180, %swap3A_1181], %swap3A_1184 {strides = array<i32>} : memref<64x1x16x128xf32, #tpu.memory_space<vmem>>, vector<1x1x16x128xf32>,
    %add3A_1185 = arith.constant 820 : i32
    %add3A_1186 = arith.addi %add3A_1185, %arg0 : i32
    %get3A_1187 = arith.index_cast %add3A_1186 : i32 to index
    %get3A_1188 = memref.load %arg1[%get3A_1187] : memref<1280xi32, #tpu.memory_space<smem>>
    %get3A_1189 = arith.constant 41 : index
    %get3A_1190 = arith.constant 0 : index
    %get3A_1191 = arith.constant 0 : index
    %get3A_1192 = arith.constant 0 : index
    %get3A_1193 = vector.load %arg2[%get3A_1189, %get3A_1190, %get3A_1191, %get3A_1192] : memref<64x1x16x128xf32, #tpu.memory_space<vmem>>, vector<1x1x16x128xf32>
    %get3A_1194 = vector.shape_cast %get3A_1193 : vector<1x1x16x128xf32> to vector<16x128xf32>
    %get3A_1195 = arith.constant 0 : index
    %get3A_1196 = arith.constant 0 : index
    %get3A_1197 = arith.constant 0 : index
    %get3A_1198 = vector.load %arg45[%get3A_1195, %get3A_1196, %get3A_1197] : memref<1x128x128xf32, #tpu.memory_space<vmem>>, vector<1x128x128xf32>
    %get3A_1199 = vector.shape_cast %get3A_1198 : vector<1x128x128xf32> to vector<128x128xf32>
    %dot_general3A_1200 = arith.constant dense<0.000000e+00> : vector<16x128xf32>
    %dot_general3A_1201 = tpu.matmul %get3A_1194, %get3A_1199, %dot_general3A_1200 {dimension_numbers = #tpu.dot_dimension_numbers<[1], [1], [0], [0], [0, 0, 1, 0], [], []>, transpose_lhs_hint = false} : vector<16x128xf32>, vector<128x128xf32>, vector<16x128xf32> -> vector<16x128xf32>
    %get3A_1202 = arith.index_cast %get3A_1188 : i32 to index
    %get3A_1203 = arith.constant 0 : index
    %get3A_1204 = vector.load %arg3[%get3A_1202, %get3A_1203] : memref<1000x128xf32, #tpu.memory_space<vmem>>, vector<1x128xf32>
    %add3A_1205 = vector.broadcast %get3A_1204 : vector<1x128xf32> to vector<16x128xf32>
    %add3A_1206 = arith.addf %dot_general3A_1201, %add3A_1205 : vector<16x128xf32>
    %swap3A_1207 = arith.constant 41 : index
    %swap3A_1208 = arith.constant 0 : index
    %swap3A_1209 = arith.constant 0 : index
    %swap3A_1210 = arith.constant 0 : index
    %swap3A_1211 = vector.load %arg68[%swap3A_1207, %swap3A_1208, %swap3A_1209, %swap3A_1210] : memref<64x1x16x128xf32, #tpu.memory_space<vmem>>, vector<1x1x16x128xf32>
    %swap3A_1212 = vector.shape_cast %swap3A_1211 : vector<1x1x16x128xf32> to vector<16x128xf32>
    %swap3A_1213 = vector.shape_cast %add3A_1206 : vector<16x128xf32> to vector<1x1x16x128xf32>
    tpu.vector_store %arg68[%swap3A_1207, %swap3A_1208, %swap3A_1209, %swap3A_1210], %swap3A_1213 {strides = array<i32>} : memref<64x1x16x128xf32, #tpu.memory_space<vmem>>, vector<1x1x16x128xf32>,
    %add3A_1214 = arith.constant 840 : i32
    %add3A_1215 = arith.addi %add3A_1214, %arg0 : i32
    %get3A_1216 = arith.index_cast %add3A_1215 : i32 to index
    %get3A_1217 = memref.load %arg1[%get3A_1216] : memref<1280xi32, #tpu.memory_space<smem>>
    %get3A_1218 = arith.constant 42 : index
    %get3A_1219 = arith.constant 0 : index
    %get3A_1220 = arith.constant 0 : index
    %get3A_1221 = arith.constant 0 : index
    %get3A_1222 = vector.load %arg2[%get3A_1218, %get3A_1219, %get3A_1220, %get3A_1221] : memref<64x1x16x128xf32, #tpu.memory_space<vmem>>, vector<1x1x16x128xf32>
    %get3A_1223 = vector.shape_cast %get3A_1222 : vector<1x1x16x128xf32> to vector<16x128xf32>
    %get3A_1224 = arith.constant 0 : index
    %get3A_1225 = arith.constant 0 : index
    %get3A_1226 = arith.constant 0 : index
    %get3A_1227 = vector.load %arg46[%get3A_1224, %get3A_1225, %get3A_1226] : memref<1x128x128xf32, #tpu.memory_space<vmem>>, vector<1x128x128xf32>
    %get3A_1228 = vector.shape_cast %get3A_1227 : vector<1x128x128xf32> to vector<128x128xf32>
    %dot_general3A_1229 = arith.constant dense<0.000000e+00> : vector<16x128xf32>
    %dot_general3A_1230 = tpu.matmul %get3A_1223, %get3A_1228, %dot_general3A_1229 {dimension_numbers = #tpu.dot_dimension_numbers<[1], [1], [0], [0], [0, 0, 1, 0], [], []>, transpose_lhs_hint = false} : vector<16x128xf32>, vector<128x128xf32>, vector<16x128xf32> -> vector<16x128xf32>
    %get3A_1231 = arith.index_cast %get3A_1217 : i32 to index
    %get3A_1232 = arith.constant 0 : index
    %get3A_1233 = vector.load %arg3[%get3A_1231, %get3A_1232] : memref<1000x128xf32, #tpu.memory_space<vmem>>, vector<1x128xf32>
    %add3A_1234 = vector.broadcast %get3A_1233 : vector<1x128xf32> to vector<16x128xf32>
    %add3A_1235 = arith.addf %dot_general3A_1230, %add3A_1234 : vector<16x128xf32>
    %swap3A_1236 = arith.constant 42 : index
    %swap3A_1237 = arith.constant 0 : index
    %swap3A_1238 = arith.constant 0 : index
    %swap3A_1239 = arith.constant 0 : index
    %swap3A_1240 = vector.load %arg68[%swap3A_1236, %swap3A_1237, %swap3A_1238, %swap3A_1239] : memref<64x1x16x128xf32, #tpu.memory_space<vmem>>, vector<1x1x16x128xf32>
    %swap3A_1241 = vector.shape_cast %swap3A_1240 : vector<1x1x16x128xf32> to vector<16x128xf32>
    %swap3A_1242 = vector.shape_cast %add3A_1235 : vector<16x128xf32> to vector<1x1x16x128xf32>
    tpu.vector_store %arg68[%swap3A_1236, %swap3A_1237, %swap3A_1238, %swap3A_1239], %swap3A_1242 {strides = array<i32>} : memref<64x1x16x128xf32, #tpu.memory_space<vmem>>, vector<1x1x16x128xf32>,
    %add3A_1243 = arith.constant 860 : i32
    %add3A_1244 = arith.addi %add3A_1243, %arg0 : i32
    %get3A_1245 = arith.index_cast %add3A_1244 : i32 to index
    %get3A_1246 = memref.load %arg1[%get3A_1245] : memref<1280xi32, #tpu.memory_space<smem>>
    %get3A_1247 = arith.constant 43 : index
    %get3A_1248 = arith.constant 0 : index
    %get3A_1249 = arith.constant 0 : index
    %get3A_1250 = arith.constant 0 : index
    %get3A_1251 = vector.load %arg2[%get3A_1247, %get3A_1248, %get3A_1249, %get3A_1250] : memref<64x1x16x128xf32, #tpu.memory_space<vmem>>, vector<1x1x16x128xf32>
    %get3A_1252 = vector.shape_cast %get3A_1251 : vector<1x1x16x128xf32> to vector<16x128xf32>
    %get3A_1253 = arith.constant 0 : index
    %get3A_1254 = arith.constant 0 : index
    %get3A_1255 = arith.constant 0 : index
    %get3A_1256 = vector.load %arg47[%get3A_1253, %get3A_1254, %get3A_1255] : memref<1x128x128xf32, #tpu.memory_space<vmem>>, vector<1x128x128xf32>
    %get3A_1257 = vector.shape_cast %get3A_1256 : vector<1x128x128xf32> to vector<128x128xf32>
    %dot_general3A_1258 = arith.constant dense<0.000000e+00> : vector<16x128xf32>
    %dot_general3A_1259 = tpu.matmul %get3A_1252, %get3A_1257, %dot_general3A_1258 {dimension_numbers = #tpu.dot_dimension_numbers<[1], [1], [0], [0], [0, 0, 1, 0], [], []>, transpose_lhs_hint = false} : vector<16x128xf32>, vector<128x128xf32>, vector<16x128xf32> -> vector<16x128xf32>
    %get3A_1260 = arith.index_cast %get3A_1246 : i32 to index
    %get3A_1261 = arith.constant 0 : index
    %get3A_1262 = vector.load %arg3[%get3A_1260, %get3A_1261] : memref<1000x128xf32, #tpu.memory_space<vmem>>, vector<1x128xf32>
    %add3A_1263 = vector.broadcast %get3A_1262 : vector<1x128xf32> to vector<16x128xf32>
    %add3A_1264 = arith.addf %dot_general3A_1259, %add3A_1263 : vector<16x128xf32>
    %swap3A_1265 = arith.constant 43 : index
    %swap3A_1266 = arith.constant 0 : index
    %swap3A_1267 = arith.constant 0 : index
    %swap3A_1268 = arith.constant 0 : index
    %swap3A_1269 = vector.load %arg68[%swap3A_1265, %swap3A_1266, %swap3A_1267, %swap3A_1268] : memref<64x1x16x128xf32, #tpu.memory_space<vmem>>, vector<1x1x16x128xf32>
    %swap3A_1270 = vector.shape_cast %swap3A_1269 : vector<1x1x16x128xf32> to vector<16x128xf32>
    %swap3A_1271 = vector.shape_cast %add3A_1264 : vector<16x128xf32> to vector<1x1x16x128xf32>
    tpu.vector_store %arg68[%swap3A_1265, %swap3A_1266, %swap3A_1267, %swap3A_1268], %swap3A_1271 {strides = array<i32>} : memref<64x1x16x128xf32, #tpu.memory_space<vmem>>, vector<1x1x16x128xf32>,
    %add3A_1272 = arith.constant 880 : i32
    %add3A_1273 = arith.addi %add3A_1272, %arg0 : i32
    %get3A_1274 = arith.index_cast %add3A_1273 : i32 to index
    %get3A_1275 = memref.load %arg1[%get3A_1274] : memref<1280xi32, #tpu.memory_space<smem>>
    %get3A_1276 = arith.constant 44 : index
    %get3A_1277 = arith.constant 0 : index
    %get3A_1278 = arith.constant 0 : index
    %get3A_1279 = arith.constant 0 : index
    %get3A_1280 = vector.load %arg2[%get3A_1276, %get3A_1277, %get3A_1278, %get3A_1279] : memref<64x1x16x128xf32, #tpu.memory_space<vmem>>, vector<1x1x16x128xf32>
    %get3A_1281 = vector.shape_cast %get3A_1280 : vector<1x1x16x128xf32> to vector<16x128xf32>
    %get3A_1282 = arith.constant 0 : index
    %get3A_1283 = arith.constant 0 : index
    %get3A_1284 = arith.constant 0 : index
    %get3A_1285 = vector.load %arg48[%get3A_1282, %get3A_1283, %get3A_1284] : memref<1x128x128xf32, #tpu.memory_space<vmem>>, vector<1x128x128xf32>
    %get3A_1286 = vector.shape_cast %get3A_1285 : vector<1x128x128xf32> to vector<128x128xf32>
    %dot_general3A_1287 = arith.constant dense<0.000000e+00> : vector<16x128xf32>
    %dot_general3A_1288 = tpu.matmul %get3A_1281, %get3A_1286, %dot_general3A_1287 {dimension_numbers = #tpu.dot_dimension_numbers<[1], [1], [0], [0], [0, 0, 1, 0], [], []>, transpose_lhs_hint = false} : vector<16x128xf32>, vector<128x128xf32>, vector<16x128xf32> -> vector<16x128xf32>
    %get3A_1289 = arith.index_cast %get3A_1275 : i32 to index
    %get3A_1290 = arith.constant 0 : index
    %get3A_1291 = vector.load %arg3[%get3A_1289, %get3A_1290] : memref<1000x128xf32, #tpu.memory_space<vmem>>, vector<1x128xf32>
    %add3A_1292 = vector.broadcast %get3A_1291 : vector<1x128xf32> to vector<16x128xf32>
    %add3A_1293 = arith.addf %dot_general3A_1288, %add3A_1292 : vector<16x128xf32>
    %swap3A_1294 = arith.constant 44 : index
    %swap3A_1295 = arith.constant 0 : index
    %swap3A_1296 = arith.constant 0 : index
    %swap3A_1297 = arith.constant 0 : index
    %swap3A_1298 = vector.load %arg68[%swap3A_1294, %swap3A_1295, %swap3A_1296, %swap3A_1297] : memref<64x1x16x128xf32, #tpu.memory_space<vmem>>, vector<1x1x16x128xf32>
    %swap3A_1299 = vector.shape_cast %swap3A_1298 : vector<1x1x16x128xf32> to vector<16x128xf32>
    %swap3A_1300 = vector.shape_cast %add3A_1293 : vector<16x128xf32> to vector<1x1x16x128xf32>
    tpu.vector_store %arg68[%swap3A_1294, %swap3A_1295, %swap3A_1296, %swap3A_1297], %swap3A_1300 {strides = array<i32>} : memref<64x1x16x128xf32, #tpu.memory_space<vmem>>, vector<1x1x16x128xf32>,
    %add3A_1301 = arith.constant 900 : i32
    %add3A_1302 = arith.addi %add3A_1301, %arg0 : i32
    %get3A_1303 = arith.index_cast %add3A_1302 : i32 to index
    %get3A_1304 = memref.load %arg1[%get3A_1303] : memref<1280xi32, #tpu.memory_space<smem>>
    %get3A_1305 = arith.constant 45 : index
    %get3A_1306 = arith.constant 0 : index
    %get3A_1307 = arith.constant 0 : index
    %get3A_1308 = arith.constant 0 : index
    %get3A_1309 = vector.load %arg2[%get3A_1305, %get3A_1306, %get3A_1307, %get3A_1308] : memref<64x1x16x128xf32, #tpu.memory_space<vmem>>, vector<1x1x16x128xf32>
    %get3A_1310 = vector.shape_cast %get3A_1309 : vector<1x1x16x128xf32> to vector<16x128xf32>
    %get3A_1311 = arith.constant 0 : index
    %get3A_1312 = arith.constant 0 : index
    %get3A_1313 = arith.constant 0 : index
    %get3A_1314 = vector.load %arg49[%get3A_1311, %get3A_1312, %get3A_1313] : memref<1x128x128xf32, #tpu.memory_space<vmem>>, vector<1x128x128xf32>
    %get3A_1315 = vector.shape_cast %get3A_1314 : vector<1x128x128xf32> to vector<128x128xf32>
    %dot_general3A_1316 = arith.constant dense<0.000000e+00> : vector<16x128xf32>
    %dot_general3A_1317 = tpu.matmul %get3A_1310, %get3A_1315, %dot_general3A_1316 {dimension_numbers = #tpu.dot_dimension_numbers<[1], [1], [0], [0], [0, 0, 1, 0], [], []>, transpose_lhs_hint = false} : vector<16x128xf32>, vector<128x128xf32>, vector<16x128xf32> -> vector<16x128xf32>
    %get3A_1318 = arith.index_cast %get3A_1304 : i32 to index
    %get3A_1319 = arith.constant 0 : index
    %get3A_1320 = vector.load %arg3[%get3A_1318, %get3A_1319] : memref<1000x128xf32, #tpu.memory_space<vmem>>, vector<1x128xf32>
    %add3A_1321 = vector.broadcast %get3A_1320 : vector<1x128xf32> to vector<16x128xf32>
    %add3A_1322 = arith.addf %dot_general3A_1317, %add3A_1321 : vector<16x128xf32>
    %swap3A_1323 = arith.constant 45 : index
    %swap3A_1324 = arith.constant 0 : index
    %swap3A_1325 = arith.constant 0 : index
    %swap3A_1326 = arith.constant 0 : index
    %swap3A_1327 = vector.load %arg68[%swap3A_1323, %swap3A_1324, %swap3A_1325, %swap3A_1326] : memref<64x1x16x128xf32, #tpu.memory_space<vmem>>, vector<1x1x16x128xf32>
    %swap3A_1328 = vector.shape_cast %swap3A_1327 : vector<1x1x16x128xf32> to vector<16x128xf32>
    %swap3A_1329 = vector.shape_cast %add3A_1322 : vector<16x128xf32> to vector<1x1x16x128xf32>
    tpu.vector_store %arg68[%swap3A_1323, %swap3A_1324, %swap3A_1325, %swap3A_1326], %swap3A_1329 {strides = array<i32>} : memref<64x1x16x128xf32, #tpu.memory_space<vmem>>, vector<1x1x16x128xf32>,
    %add3A_1330 = arith.constant 920 : i32
    %add3A_1331 = arith.addi %add3A_1330, %arg0 : i32
    %get3A_1332 = arith.index_cast %add3A_1331 : i32 to index
    %get3A_1333 = memref.load %arg1[%get3A_1332] : memref<1280xi32, #tpu.memory_space<smem>>
    %get3A_1334 = arith.constant 46 : index
    %get3A_1335 = arith.constant 0 : index
    %get3A_1336 = arith.constant 0 : index
    %get3A_1337 = arith.constant 0 : index
    %get3A_1338 = vector.load %arg2[%get3A_1334, %get3A_1335, %get3A_1336, %get3A_1337] : memref<64x1x16x128xf32, #tpu.memory_space<vmem>>, vector<1x1x16x128xf32>
    %get3A_1339 = vector.shape_cast %get3A_1338 : vector<1x1x16x128xf32> to vector<16x128xf32>
    %get3A_1340 = arith.constant 0 : index
    %get3A_1341 = arith.constant 0 : index
    %get3A_1342 = arith.constant 0 : index
    %get3A_1343 = vector.load %arg50[%get3A_1340, %get3A_1341, %get3A_1342] : memref<1x128x128xf32, #tpu.memory_space<vmem>>, vector<1x128x128xf32>
    %get3A_1344 = vector.shape_cast %get3A_1343 : vector<1x128x128xf32> to vector<128x128xf32>
    %dot_general3A_1345 = arith.constant dense<0.000000e+00> : vector<16x128xf32>
    %dot_general3A_1346 = tpu.matmul %get3A_1339, %get3A_1344, %dot_general3A_1345 {dimension_numbers = #tpu.dot_dimension_numbers<[1], [1], [0], [0], [0, 0, 1, 0], [], []>, transpose_lhs_hint = false} : vector<16x128xf32>, vector<128x128xf32>, vector<16x128xf32> -> vector<16x128xf32>
    %get3A_1347 = arith.index_cast %get3A_1333 : i32 to index
    %get3A_1348 = arith.constant 0 : index
    %get3A_1349 = vector.load %arg3[%get3A_1347, %get3A_1348] : memref<1000x128xf32, #tpu.memory_space<vmem>>, vector<1x128xf32>
    %add3A_1350 = vector.broadcast %get3A_1349 : vector<1x128xf32> to vector<16x128xf32>
    %add3A_1351 = arith.addf %dot_general3A_1346, %add3A_1350 : vector<16x128xf32>
    %swap3A_1352 = arith.constant 46 : index
    %swap3A_1353 = arith.constant 0 : index
    %swap3A_1354 = arith.constant 0 : index
    %swap3A_1355 = arith.constant 0 : index
    %swap3A_1356 = vector.load %arg68[%swap3A_1352, %swap3A_1353, %swap3A_1354, %swap3A_1355] : memref<64x1x16x128xf32, #tpu.memory_space<vmem>>, vector<1x1x16x128xf32>
    %swap3A_1357 = vector.shape_cast %swap3A_1356 : vector<1x1x16x128xf32> to vector<16x128xf32>
    %swap3A_1358 = vector.shape_cast %add3A_1351 : vector<16x128xf32> to vector<1x1x16x128xf32>
    tpu.vector_store %arg68[%swap3A_1352, %swap3A_1353, %swap3A_1354, %swap3A_1355], %swap3A_1358 {strides = array<i32>} : memref<64x1x16x128xf32, #tpu.memory_space<vmem>>, vector<1x1x16x128xf32>,
    %add3A_1359 = arith.constant 940 : i32
    %add3A_1360 = arith.addi %add3A_1359, %arg0 : i32
    %get3A_1361 = arith.index_cast %add3A_1360 : i32 to index
    %get3A_1362 = memref.load %arg1[%get3A_1361] : memref<1280xi32, #tpu.memory_space<smem>>
    %get3A_1363 = arith.constant 47 : index
    %get3A_1364 = arith.constant 0 : index
    %get3A_1365 = arith.constant 0 : index
    %get3A_1366 = arith.constant 0 : index
    %get3A_1367 = vector.load %arg2[%get3A_1363, %get3A_1364, %get3A_1365, %get3A_1366] : memref<64x1x16x128xf32, #tpu.memory_space<vmem>>, vector<1x1x16x128xf32>
    %get3A_1368 = vector.shape_cast %get3A_1367 : vector<1x1x16x128xf32> to vector<16x128xf32>
    %get3A_1369 = arith.constant 0 : index
    %get3A_1370 = arith.constant 0 : index
    %get3A_1371 = arith.constant 0 : index
    %get3A_1372 = vector.load %arg51[%get3A_1369, %get3A_1370, %get3A_1371] : memref<1x128x128xf32, #tpu.memory_space<vmem>>, vector<1x128x128xf32>
    %get3A_1373 = vector.shape_cast %get3A_1372 : vector<1x128x128xf32> to vector<128x128xf32>
    %dot_general3A_1374 = arith.constant dense<0.000000e+00> : vector<16x128xf32>
    %dot_general3A_1375 = tpu.matmul %get3A_1368, %get3A_1373, %dot_general3A_1374 {dimension_numbers = #tpu.dot_dimension_numbers<[1], [1], [0], [0], [0, 0, 1, 0], [], []>, transpose_lhs_hint = false} : vector<16x128xf32>, vector<128x128xf32>, vector<16x128xf32> -> vector<16x128xf32>
    %get3A_1376 = arith.index_cast %get3A_1362 : i32 to index
    %get3A_1377 = arith.constant 0 : index
    %get3A_1378 = vector.load %arg3[%get3A_1376, %get3A_1377] : memref<1000x128xf32, #tpu.memory_space<vmem>>, vector<1x128xf32>
    %add3A_1379 = vector.broadcast %get3A_1378 : vector<1x128xf32> to vector<16x128xf32>
    %add3A_1380 = arith.addf %dot_general3A_1375, %add3A_1379 : vector<16x128xf32>
    %swap3A_1381 = arith.constant 47 : index
    %swap3A_1382 = arith.constant 0 : index
    %swap3A_1383 = arith.constant 0 : index
    %swap3A_1384 = arith.constant 0 : index
    %swap3A_1385 = vector.load %arg68[%swap3A_1381, %swap3A_1382, %swap3A_1383, %swap3A_1384] : memref<64x1x16x128xf32, #tpu.memory_space<vmem>>, vector<1x1x16x128xf32>
    %swap3A_1386 = vector.shape_cast %swap3A_1385 : vector<1x1x16x128xf32> to vector<16x128xf32>
    %swap3A_1387 = vector.shape_cast %add3A_1380 : vector<16x128xf32> to vector<1x1x16x128xf32>
    tpu.vector_store %arg68[%swap3A_1381, %swap3A_1382, %swap3A_1383, %swap3A_1384], %swap3A_1387 {strides = array<i32>} : memref<64x1x16x128xf32, #tpu.memory_space<vmem>>, vector<1x1x16x128xf32>,
    %add3A_1388 = arith.constant 960 : i32
    %add3A_1389 = arith.addi %add3A_1388, %arg0 : i32
    %get3A_1390 = arith.index_cast %add3A_1389 : i32 to index
    %get3A_1391 = memref.load %arg1[%get3A_1390] : memref<1280xi32, #tpu.memory_space<smem>>
    %get3A_1392 = arith.constant 48 : index
    %get3A_1393 = arith.constant 0 : index
    %get3A_1394 = arith.constant 0 : index
    %get3A_1395 = arith.constant 0 : index
    %get3A_1396 = vector.load %arg2[%get3A_1392, %get3A_1393, %get3A_1394, %get3A_1395] : memref<64x1x16x128xf32, #tpu.memory_space<vmem>>, vector<1x1x16x128xf32>
    %get3A_1397 = vector.shape_cast %get3A_1396 : vector<1x1x16x128xf32> to vector<16x128xf32>
    %get3A_1398 = arith.constant 0 : index
    %get3A_1399 = arith.constant 0 : index
    %get3A_1400 = arith.constant 0 : index
    %get3A_1401 = vector.load %arg52[%get3A_1398, %get3A_1399, %get3A_1400] : memref<1x128x128xf32, #tpu.memory_space<vmem>>, vector<1x128x128xf32>
    %get3A_1402 = vector.shape_cast %get3A_1401 : vector<1x128x128xf32> to vector<128x128xf32>
    %dot_general3A_1403 = arith.constant dense<0.000000e+00> : vector<16x128xf32>
    %dot_general3A_1404 = tpu.matmul %get3A_1397, %get3A_1402, %dot_general3A_1403 {dimension_numbers = #tpu.dot_dimension_numbers<[1], [1], [0], [0], [0, 0, 1, 0], [], []>, transpose_lhs_hint = false} : vector<16x128xf32>, vector<128x128xf32>, vector<16x128xf32> -> vector<16x128xf32>
    %get3A_1405 = arith.index_cast %get3A_1391 : i32 to index
    %get3A_1406 = arith.constant 0 : index
    %get3A_1407 = vector.load %arg3[%get3A_1405, %get3A_1406] : memref<1000x128xf32, #tpu.memory_space<vmem>>, vector<1x128xf32>
    %add3A_1408 = vector.broadcast %get3A_1407 : vector<1x128xf32> to vector<16x128xf32>
    %add3A_1409 = arith.addf %dot_general3A_1404, %add3A_1408 : vector<16x128xf32>
    %swap3A_1410 = arith.constant 48 : index
    %swap3A_1411 = arith.constant 0 : index
    %swap3A_1412 = arith.constant 0 : index
    %swap3A_1413 = arith.constant 0 : index
    %swap3A_1414 = vector.load %arg68[%swap3A_1410, %swap3A_1411, %swap3A_1412, %swap3A_1413] : memref<64x1x16x128xf32, #tpu.memory_space<vmem>>, vector<1x1x16x128xf32>
    %swap3A_1415 = vector.shape_cast %swap3A_1414 : vector<1x1x16x128xf32> to vector<16x128xf32>
    %swap3A_1416 = vector.shape_cast %add3A_1409 : vector<16x128xf32> to vector<1x1x16x128xf32>
    tpu.vector_store %arg68[%swap3A_1410, %swap3A_1411, %swap3A_1412, %swap3A_1413], %swap3A_1416 {strides = array<i32>} : memref<64x1x16x128xf32, #tpu.memory_space<vmem>>, vector<1x1x16x128xf32>,
    %add3A_1417 = arith.constant 980 : i32
    %add3A_1418 = arith.addi %add3A_1417, %arg0 : i32
    %get3A_1419 = arith.index_cast %add3A_1418 : i32 to index
    %get3A_1420 = memref.load %arg1[%get3A_1419] : memref<1280xi32, #tpu.memory_space<smem>>
    %get3A_1421 = arith.constant 49 : index
    %get3A_1422 = arith.constant 0 : index
    %get3A_1423 = arith.constant 0 : index
    %get3A_1424 = arith.constant 0 : index
    %get3A_1425 = vector.load %arg2[%get3A_1421, %get3A_1422, %get3A_1423, %get3A_1424] : memref<64x1x16x128xf32, #tpu.memory_space<vmem>>, vector<1x1x16x128xf32>
    %get3A_1426 = vector.shape_cast %get3A_1425 : vector<1x1x16x128xf32> to vector<16x128xf32>
    %get3A_1427 = arith.constant 0 : index
    %get3A_1428 = arith.constant 0 : index
    %get3A_1429 = arith.constant 0 : index
    %get3A_1430 = vector.load %arg53[%get3A_1427, %get3A_1428, %get3A_1429] : memref<1x128x128xf32, #tpu.memory_space<vmem>>, vector<1x128x128xf32>
    %get3A_1431 = vector.shape_cast %get3A_1430 : vector<1x128x128xf32> to vector<128x128xf32>
    %dot_general3A_1432 = arith.constant dense<0.000000e+00> : vector<16x128xf32>
    %dot_general3A_1433 = tpu.matmul %get3A_1426, %get3A_1431, %dot_general3A_1432 {dimension_numbers = #tpu.dot_dimension_numbers<[1], [1], [0], [0], [0, 0, 1, 0], [], []>, transpose_lhs_hint = false} : vector<16x128xf32>, vector<128x128xf32>, vector<16x128xf32> -> vector<16x128xf32>
    %get3A_1434 = arith.index_cast %get3A_1420 : i32 to index
    %get3A_1435 = arith.constant 0 : index
    %get3A_1436 = vector.load %arg3[%get3A_1434, %get3A_1435] : memref<1000x128xf32, #tpu.memory_space<vmem>>, vector<1x128xf32>
    %add3A_1437 = vector.broadcast %get3A_1436 : vector<1x128xf32> to vector<16x128xf32>
    %add3A_1438 = arith.addf %dot_general3A_1433, %add3A_1437 : vector<16x128xf32>
    %swap3A_1439 = arith.constant 49 : index
    %swap3A_1440 = arith.constant 0 : index
    %swap3A_1441 = arith.constant 0 : index
    %swap3A_1442 = arith.constant 0 : index
    %swap3A_1443 = vector.load %arg68[%swap3A_1439, %swap3A_1440, %swap3A_1441, %swap3A_1442] : memref<64x1x16x128xf32, #tpu.memory_space<vmem>>, vector<1x1x16x128xf32>
    %swap3A_1444 = vector.shape_cast %swap3A_1443 : vector<1x1x16x128xf32> to vector<16x128xf32>
    %swap3A_1445 = vector.shape_cast %add3A_1438 : vector<16x128xf32> to vector<1x1x16x128xf32>
    tpu.vector_store %arg68[%swap3A_1439, %swap3A_1440, %swap3A_1441, %swap3A_1442], %swap3A_1445 {strides = array<i32>} : memref<64x1x16x128xf32, #tpu.memory_space<vmem>>, vector<1x1x16x128xf32>,
    %add3A_1446 = arith.constant 1000 : i32
    %add3A_1447 = arith.addi %add3A_1446, %arg0 : i32
    %get3A_1448 = arith.index_cast %add3A_1447 : i32 to index
    %get3A_1449 = memref.load %arg1[%get3A_1448] : memref<1280xi32, #tpu.memory_space<smem>>
    %get3A_1450 = arith.constant 50 : index
    %get3A_1451 = arith.constant 0 : index
    %get3A_1452 = arith.constant 0 : index
    %get3A_1453 = arith.constant 0 : index
    %get3A_1454 = vector.load %arg2[%get3A_1450, %get3A_1451, %get3A_1452, %get3A_1453] : memref<64x1x16x128xf32, #tpu.memory_space<vmem>>, vector<1x1x16x128xf32>
    %get3A_1455 = vector.shape_cast %get3A_1454 : vector<1x1x16x128xf32> to vector<16x128xf32>
    %get3A_1456 = arith.constant 0 : index
    %get3A_1457 = arith.constant 0 : index
    %get3A_1458 = arith.constant 0 : index
    %get3A_1459 = vector.load %arg54[%get3A_1456, %get3A_1457, %get3A_1458] : memref<1x128x128xf32, #tpu.memory_space<vmem>>, vector<1x128x128xf32>
    %get3A_1460 = vector.shape_cast %get3A_1459 : vector<1x128x128xf32> to vector<128x128xf32>
    %dot_general3A_1461 = arith.constant dense<0.000000e+00> : vector<16x128xf32>
    %dot_general3A_1462 = tpu.matmul %get3A_1455, %get3A_1460, %dot_general3A_1461 {dimension_numbers = #tpu.dot_dimension_numbers<[1], [1], [0], [0], [0, 0, 1, 0], [], []>, transpose_lhs_hint = false} : vector<16x128xf32>, vector<128x128xf32>, vector<16x128xf32> -> vector<16x128xf32>
    %get3A_1463 = arith.index_cast %get3A_1449 : i32 to index
    %get3A_1464 = arith.constant 0 : index
    %get3A_1465 = vector.load %arg3[%get3A_1463, %get3A_1464] : memref<1000x128xf32, #tpu.memory_space<vmem>>, vector<1x128xf32>
    %add3A_1466 = vector.broadcast %get3A_1465 : vector<1x128xf32> to vector<16x128xf32>
    %add3A_1467 = arith.addf %dot_general3A_1462, %add3A_1466 : vector<16x128xf32>
    %swap3A_1468 = arith.constant 50 : index
    %swap3A_1469 = arith.constant 0 : index
    %swap3A_1470 = arith.constant 0 : index
    %swap3A_1471 = arith.constant 0 : index
    %swap3A_1472 = vector.load %arg68[%swap3A_1468, %swap3A_1469, %swap3A_1470, %swap3A_1471] : memref<64x1x16x128xf32, #tpu.memory_space<vmem>>, vector<1x1x16x128xf32>
    %swap3A_1473 = vector.shape_cast %swap3A_1472 : vector<1x1x16x128xf32> to vector<16x128xf32>
    %swap3A_1474 = vector.shape_cast %add3A_1467 : vector<16x128xf32> to vector<1x1x16x128xf32>
    tpu.vector_store %arg68[%swap3A_1468, %swap3A_1469, %swap3A_1470, %swap3A_1471], %swap3A_1474 {strides = array<i32>} : memref<64x1x16x128xf32, #tpu.memory_space<vmem>>, vector<1x1x16x128xf32>,
    %add3A_1475 = arith.constant 1020 : i32
    %add3A_1476 = arith.addi %add3A_1475, %arg0 : i32
    %get3A_1477 = arith.index_cast %add3A_1476 : i32 to index
    %get3A_1478 = memref.load %arg1[%get3A_1477] : memref<1280xi32, #tpu.memory_space<smem>>
    %get3A_1479 = arith.constant 51 : index
    %get3A_1480 = arith.constant 0 : index
    %get3A_1481 = arith.constant 0 : index
    %get3A_1482 = arith.constant 0 : index
    %get3A_1483 = vector.load %arg2[%get3A_1479, %get3A_1480, %get3A_1481, %get3A_1482] : memref<64x1x16x128xf32, #tpu.memory_space<vmem>>, vector<1x1x16x128xf32>
    %get3A_1484 = vector.shape_cast %get3A_1483 : vector<1x1x16x128xf32> to vector<16x128xf32>
    %get3A_1485 = arith.constant 0 : index
    %get3A_1486 = arith.constant 0 : index
    %get3A_1487 = arith.constant 0 : index
    %get3A_1488 = vector.load %arg55[%get3A_1485, %get3A_1486, %get3A_1487] : memref<1x128x128xf32, #tpu.memory_space<vmem>>, vector<1x128x128xf32>
    %get3A_1489 = vector.shape_cast %get3A_1488 : vector<1x128x128xf32> to vector<128x128xf32>
    %dot_general3A_1490 = arith.constant dense<0.000000e+00> : vector<16x128xf32>
    %dot_general3A_1491 = tpu.matmul %get3A_1484, %get3A_1489, %dot_general3A_1490 {dimension_numbers = #tpu.dot_dimension_numbers<[1], [1], [0], [0], [0, 0, 1, 0], [], []>, transpose_lhs_hint = false} : vector<16x128xf32>, vector<128x128xf32>, vector<16x128xf32> -> vector<16x128xf32>
    %get3A_1492 = arith.index_cast %get3A_1478 : i32 to index
    %get3A_1493 = arith.constant 0 : index
    %get3A_1494 = vector.load %arg3[%get3A_1492, %get3A_1493] : memref<1000x128xf32, #tpu.memory_space<vmem>>, vector<1x128xf32>
    %add3A_1495 = vector.broadcast %get3A_1494 : vector<1x128xf32> to vector<16x128xf32>
    %add3A_1496 = arith.addf %dot_general3A_1491, %add3A_1495 : vector<16x128xf32>
    %swap3A_1497 = arith.constant 51 : index
    %swap3A_1498 = arith.constant 0 : index
    %swap3A_1499 = arith.constant 0 : index
    %swap3A_1500 = arith.constant 0 : index
    %swap3A_1501 = vector.load %arg68[%swap3A_1497, %swap3A_1498, %swap3A_1499, %swap3A_1500] : memref<64x1x16x128xf32, #tpu.memory_space<vmem>>, vector<1x1x16x128xf32>
    %swap3A_1502 = vector.shape_cast %swap3A_1501 : vector<1x1x16x128xf32> to vector<16x128xf32>
    %swap3A_1503 = vector.shape_cast %add3A_1496 : vector<16x128xf32> to vector<1x1x16x128xf32>
    tpu.vector_store %arg68[%swap3A_1497, %swap3A_1498, %swap3A_1499, %swap3A_1500], %swap3A_1503 {strides = array<i32>} : memref<64x1x16x128xf32, #tpu.memory_space<vmem>>, vector<1x1x16x128xf32>,
    %add3A_1504 = arith.constant 1040 : i32
    %add3A_1505 = arith.addi %add3A_1504, %arg0 : i32
    %get3A_1506 = arith.index_cast %add3A_1505 : i32 to index
    %get3A_1507 = memref.load %arg1[%get3A_1506] : memref<1280xi32, #tpu.memory_space<smem>>
    %get3A_1508 = arith.constant 52 : index
    %get3A_1509 = arith.constant 0 : index
    %get3A_1510 = arith.constant 0 : index
    %get3A_1511 = arith.constant 0 : index
    %get3A_1512 = vector.load %arg2[%get3A_1508, %get3A_1509, %get3A_1510, %get3A_1511] : memref<64x1x16x128xf32, #tpu.memory_space<vmem>>, vector<1x1x16x128xf32>
    %get3A_1513 = vector.shape_cast %get3A_1512 : vector<1x1x16x128xf32> to vector<16x128xf32>
    %get3A_1514 = arith.constant 0 : index
    %get3A_1515 = arith.constant 0 : index
    %get3A_1516 = arith.constant 0 : index
    %get3A_1517 = vector.load %arg56[%get3A_1514, %get3A_1515, %get3A_1516] : memref<1x128x128xf32, #tpu.memory_space<vmem>>, vector<1x128x128xf32>
    %get3A_1518 = vector.shape_cast %get3A_1517 : vector<1x128x128xf32> to vector<128x128xf32>
    %dot_general3A_1519 = arith.constant dense<0.000000e+00> : vector<16x128xf32>
    %dot_general3A_1520 = tpu.matmul %get3A_1513, %get3A_1518, %dot_general3A_1519 {dimension_numbers = #tpu.dot_dimension_numbers<[1], [1], [0], [0], [0, 0, 1, 0], [], []>, transpose_lhs_hint = false} : vector<16x128xf32>, vector<128x128xf32>, vector<16x128xf32> -> vector<16x128xf32>
    %get3A_1521 = arith.index_cast %get3A_1507 : i32 to index
    %get3A_1522 = arith.constant 0 : index
    %get3A_1523 = vector.load %arg3[%get3A_1521, %get3A_1522] : memref<1000x128xf32, #tpu.memory_space<vmem>>, vector<1x128xf32>
    %add3A_1524 = vector.broadcast %get3A_1523 : vector<1x128xf32> to vector<16x128xf32>
    %add3A_1525 = arith.addf %dot_general3A_1520, %add3A_1524 : vector<16x128xf32>
    %swap3A_1526 = arith.constant 52 : index
    %swap3A_1527 = arith.constant 0 : index
    %swap3A_1528 = arith.constant 0 : index
    %swap3A_1529 = arith.constant 0 : index
    %swap3A_1530 = vector.load %arg68[%swap3A_1526, %swap3A_1527, %swap3A_1528, %swap3A_1529] : memref<64x1x16x128xf32, #tpu.memory_space<vmem>>, vector<1x1x16x128xf32>
    %swap3A_1531 = vector.shape_cast %swap3A_1530 : vector<1x1x16x128xf32> to vector<16x128xf32>
    %swap3A_1532 = vector.shape_cast %add3A_1525 : vector<16x128xf32> to vector<1x1x16x128xf32>
    tpu.vector_store %arg68[%swap3A_1526, %swap3A_1527, %swap3A_1528, %swap3A_1529], %swap3A_1532 {strides = array<i32>} : memref<64x1x16x128xf32, #tpu.memory_space<vmem>>, vector<1x1x16x128xf32>,
    %add3A_1533 = arith.constant 1060 : i32
    %add3A_1534 = arith.addi %add3A_1533, %arg0 : i32
    %get3A_1535 = arith.index_cast %add3A_1534 : i32 to index
    %get3A_1536 = memref.load %arg1[%get3A_1535] : memref<1280xi32, #tpu.memory_space<smem>>
    %get3A_1537 = arith.constant 53 : index
    %get3A_1538 = arith.constant 0 : index
    %get3A_1539 = arith.constant 0 : index
    %get3A_1540 = arith.constant 0 : index
    %get3A_1541 = vector.load %arg2[%get3A_1537, %get3A_1538, %get3A_1539, %get3A_1540] : memref<64x1x16x128xf32, #tpu.memory_space<vmem>>, vector<1x1x16x128xf32>
    %get3A_1542 = vector.shape_cast %get3A_1541 : vector<1x1x16x128xf32> to vector<16x128xf32>
    %get3A_1543 = arith.constant 0 : index
    %get3A_1544 = arith.constant 0 : index
    %get3A_1545 = arith.constant 0 : index
    %get3A_1546 = vector.load %arg57[%get3A_1543, %get3A_1544, %get3A_1545] : memref<1x128x128xf32, #tpu.memory_space<vmem>>, vector<1x128x128xf32>
    %get3A_1547 = vector.shape_cast %get3A_1546 : vector<1x128x128xf32> to vector<128x128xf32>
    %dot_general3A_1548 = arith.constant dense<0.000000e+00> : vector<16x128xf32>
    %dot_general3A_1549 = tpu.matmul %get3A_1542, %get3A_1547, %dot_general3A_1548 {dimension_numbers = #tpu.dot_dimension_numbers<[1], [1], [0], [0], [0, 0, 1, 0], [], []>, transpose_lhs_hint = false} : vector<16x128xf32>, vector<128x128xf32>, vector<16x128xf32> -> vector<16x128xf32>
    %get3A_1550 = arith.index_cast %get3A_1536 : i32 to index
    %get3A_1551 = arith.constant 0 : index
    %get3A_1552 = vector.load %arg3[%get3A_1550, %get3A_1551] : memref<1000x128xf32, #tpu.memory_space<vmem>>, vector<1x128xf32>
    %add3A_1553 = vector.broadcast %get3A_1552 : vector<1x128xf32> to vector<16x128xf32>
    %add3A_1554 = arith.addf %dot_general3A_1549, %add3A_1553 : vector<16x128xf32>
    %swap3A_1555 = arith.constant 53 : index
    %swap3A_1556 = arith.constant 0 : index
    %swap3A_1557 = arith.constant 0 : index
    %swap3A_1558 = arith.constant 0 : index
    %swap3A_1559 = vector.load %arg68[%swap3A_1555, %swap3A_1556, %swap3A_1557, %swap3A_1558] : memref<64x1x16x128xf32, #tpu.memory_space<vmem>>, vector<1x1x16x128xf32>
    %swap3A_1560 = vector.shape_cast %swap3A_1559 : vector<1x1x16x128xf32> to vector<16x128xf32>
    %swap3A_1561 = vector.shape_cast %add3A_1554 : vector<16x128xf32> to vector<1x1x16x128xf32>
    tpu.vector_store %arg68[%swap3A_1555, %swap3A_1556, %swap3A_1557, %swap3A_1558], %swap3A_1561 {strides = array<i32>} : memref<64x1x16x128xf32, #tpu.memory_space<vmem>>, vector<1x1x16x128xf32>,
    %add3A_1562 = arith.constant 1080 : i32
    %add3A_1563 = arith.addi %add3A_1562, %arg0 : i32
    %get3A_1564 = arith.index_cast %add3A_1563 : i32 to index
    %get3A_1565 = memref.load %arg1[%get3A_1564] : memref<1280xi32, #tpu.memory_space<smem>>
    %get3A_1566 = arith.constant 54 : index
    %get3A_1567 = arith.constant 0 : index
    %get3A_1568 = arith.constant 0 : index
    %get3A_1569 = arith.constant 0 : index
    %get3A_1570 = vector.load %arg2[%get3A_1566, %get3A_1567, %get3A_1568, %get3A_1569] : memref<64x1x16x128xf32, #tpu.memory_space<vmem>>, vector<1x1x16x128xf32>
    %get3A_1571 = vector.shape_cast %get3A_1570 : vector<1x1x16x128xf32> to vector<16x128xf32>
    %get3A_1572 = arith.constant 0 : index
    %get3A_1573 = arith.constant 0 : index
    %get3A_1574 = arith.constant 0 : index
    %get3A_1575 = vector.load %arg58[%get3A_1572, %get3A_1573, %get3A_1574] : memref<1x128x128xf32, #tpu.memory_space<vmem>>, vector<1x128x128xf32>
    %get3A_1576 = vector.shape_cast %get3A_1575 : vector<1x128x128xf32> to vector<128x128xf32>
    %dot_general3A_1577 = arith.constant dense<0.000000e+00> : vector<16x128xf32>
    %dot_general3A_1578 = tpu.matmul %get3A_1571, %get3A_1576, %dot_general3A_1577 {dimension_numbers = #tpu.dot_dimension_numbers<[1], [1], [0], [0], [0, 0, 1, 0], [], []>, transpose_lhs_hint = false} : vector<16x128xf32>, vector<128x128xf32>, vector<16x128xf32> -> vector<16x128xf32>
    %get3A_1579 = arith.index_cast %get3A_1565 : i32 to index
    %get3A_1580 = arith.constant 0 : index
    %get3A_1581 = vector.load %arg3[%get3A_1579, %get3A_1580] : memref<1000x128xf32, #tpu.memory_space<vmem>>, vector<1x128xf32>
    %add3A_1582 = vector.broadcast %get3A_1581 : vector<1x128xf32> to vector<16x128xf32>
    %add3A_1583 = arith.addf %dot_general3A_1578, %add3A_1582 : vector<16x128xf32>
    %swap3A_1584 = arith.constant 54 : index
    %swap3A_1585 = arith.constant 0 : index
    %swap3A_1586 = arith.constant 0 : index
    %swap3A_1587 = arith.constant 0 : index
    %swap3A_1588 = vector.load %arg68[%swap3A_1584, %swap3A_1585, %swap3A_1586, %swap3A_1587] : memref<64x1x16x128xf32, #tpu.memory_space<vmem>>, vector<1x1x16x128xf32>
    %swap3A_1589 = vector.shape_cast %swap3A_1588 : vector<1x1x16x128xf32> to vector<16x128xf32>
    %swap3A_1590 = vector.shape_cast %add3A_1583 : vector<16x128xf32> to vector<1x1x16x128xf32>
    tpu.vector_store %arg68[%swap3A_1584, %swap3A_1585, %swap3A_1586, %swap3A_1587], %swap3A_1590 {strides = array<i32>} : memref<64x1x16x128xf32, #tpu.memory_space<vmem>>, vector<1x1x16x128xf32>,
    %add3A_1591 = arith.constant 1100 : i32
    %add3A_1592 = arith.addi %add3A_1591, %arg0 : i32
    %get3A_1593 = arith.index_cast %add3A_1592 : i32 to index
    %get3A_1594 = memref.load %arg1[%get3A_1593] : memref<1280xi32, #tpu.memory_space<smem>>
    %get3A_1595 = arith.constant 55 : index
    %get3A_1596 = arith.constant 0 : index
    %get3A_1597 = arith.constant 0 : index
    %get3A_1598 = arith.constant 0 : index
    %get3A_1599 = vector.load %arg2[%get3A_1595, %get3A_1596, %get3A_1597, %get3A_1598] : memref<64x1x16x128xf32, #tpu.memory_space<vmem>>, vector<1x1x16x128xf32>
    %get3A_1600 = vector.shape_cast %get3A_1599 : vector<1x1x16x128xf32> to vector<16x128xf32>
    %get3A_1601 = arith.constant 0 : index
    %get3A_1602 = arith.constant 0 : index
    %get3A_1603 = arith.constant 0 : index
    %get3A_1604 = vector.load %arg59[%get3A_1601, %get3A_1602, %get3A_1603] : memref<1x128x128xf32, #tpu.memory_space<vmem>>, vector<1x128x128xf32>
    %get3A_1605 = vector.shape_cast %get3A_1604 : vector<1x128x128xf32> to vector<128x128xf32>
    %dot_general3A_1606 = arith.constant dense<0.000000e+00> : vector<16x128xf32>
    %dot_general3A_1607 = tpu.matmul %get3A_1600, %get3A_1605, %dot_general3A_1606 {dimension_numbers = #tpu.dot_dimension_numbers<[1], [1], [0], [0], [0, 0, 1, 0], [], []>, transpose_lhs_hint = false} : vector<16x128xf32>, vector<128x128xf32>, vector<16x128xf32> -> vector<16x128xf32>
    %get3A_1608 = arith.index_cast %get3A_1594 : i32 to index
    %get3A_1609 = arith.constant 0 : index
    %get3A_1610 = vector.load %arg3[%get3A_1608, %get3A_1609] : memref<1000x128xf32, #tpu.memory_space<vmem>>, vector<1x128xf32>
    %add3A_1611 = vector.broadcast %get3A_1610 : vector<1x128xf32> to vector<16x128xf32>
    %add3A_1612 = arith.addf %dot_general3A_1607, %add3A_1611 : vector<16x128xf32>
    %swap3A_1613 = arith.constant 55 : index
    %swap3A_1614 = arith.constant 0 : index
    %swap3A_1615 = arith.constant 0 : index
    %swap3A_1616 = arith.constant 0 : index
    %swap3A_1617 = vector.load %arg68[%swap3A_1613, %swap3A_1614, %swap3A_1615, %swap3A_1616] : memref<64x1x16x128xf32, #tpu.memory_space<vmem>>, vector<1x1x16x128xf32>
    %swap3A_1618 = vector.shape_cast %swap3A_1617 : vector<1x1x16x128xf32> to vector<16x128xf32>
    %swap3A_1619 = vector.shape_cast %add3A_1612 : vector<16x128xf32> to vector<1x1x16x128xf32>
    tpu.vector_store %arg68[%swap3A_1613, %swap3A_1614, %swap3A_1615, %swap3A_1616], %swap3A_1619 {strides = array<i32>} : memref<64x1x16x128xf32, #tpu.memory_space<vmem>>, vector<1x1x16x128xf32>,
    %add3A_1620 = arith.constant 1120 : i32
    %add3A_1621 = arith.addi %add3A_1620, %arg0 : i32
    %get3A_1622 = arith.index_cast %add3A_1621 : i32 to index
    %get3A_1623 = memref.load %arg1[%get3A_1622] : memref<1280xi32, #tpu.memory_space<smem>>
    %get3A_1624 = arith.constant 56 : index
    %get3A_1625 = arith.constant 0 : index
    %get3A_1626 = arith.constant 0 : index
    %get3A_1627 = arith.constant 0 : index
    %get3A_1628 = vector.load %arg2[%get3A_1624, %get3A_1625, %get3A_1626, %get3A_1627] : memref<64x1x16x128xf32, #tpu.memory_space<vmem>>, vector<1x1x16x128xf32>
    %get3A_1629 = vector.shape_cast %get3A_1628 : vector<1x1x16x128xf32> to vector<16x128xf32>
    %get3A_1630 = arith.constant 0 : index
    %get3A_1631 = arith.constant 0 : index
    %get3A_1632 = arith.constant 0 : index
    %get3A_1633 = vector.load %arg60[%get3A_1630, %get3A_1631, %get3A_1632] : memref<1x128x128xf32, #tpu.memory_space<vmem>>, vector<1x128x128xf32>
    %get3A_1634 = vector.shape_cast %get3A_1633 : vector<1x128x128xf32> to vector<128x128xf32>
    %dot_general3A_1635 = arith.constant dense<0.000000e+00> : vector<16x128xf32>
    %dot_general3A_1636 = tpu.matmul %get3A_1629, %get3A_1634, %dot_general3A_1635 {dimension_numbers = #tpu.dot_dimension_numbers<[1], [1], [0], [0], [0, 0, 1, 0], [], []>, transpose_lhs_hint = false} : vector<16x128xf32>, vector<128x128xf32>, vector<16x128xf32> -> vector<16x128xf32>
    %get3A_1637 = arith.index_cast %get3A_1623 : i32 to index
    %get3A_1638 = arith.constant 0 : index
    %get3A_1639 = vector.load %arg3[%get3A_1637, %get3A_1638] : memref<1000x128xf32, #tpu.memory_space<vmem>>, vector<1x128xf32>
    %add3A_1640 = vector.broadcast %get3A_1639 : vector<1x128xf32> to vector<16x128xf32>
    %add3A_1641 = arith.addf %dot_general3A_1636, %add3A_1640 : vector<16x128xf32>
    %swap3A_1642 = arith.constant 56 : index
    %swap3A_1643 = arith.constant 0 : index
    %swap3A_1644 = arith.constant 0 : index
    %swap3A_1645 = arith.constant 0 : index
    %swap3A_1646 = vector.load %arg68[%swap3A_1642, %swap3A_1643, %swap3A_1644, %swap3A_1645] : memref<64x1x16x128xf32, #tpu.memory_space<vmem>>, vector<1x1x16x128xf32>
    %swap3A_1647 = vector.shape_cast %swap3A_1646 : vector<1x1x16x128xf32> to vector<16x128xf32>
    %swap3A_1648 = vector.shape_cast %add3A_1641 : vector<16x128xf32> to vector<1x1x16x128xf32>
    tpu.vector_store %arg68[%swap3A_1642, %swap3A_1643, %swap3A_1644, %swap3A_1645], %swap3A_1648 {strides = array<i32>} : memref<64x1x16x128xf32, #tpu.memory_space<vmem>>, vector<1x1x16x128xf32>,
    %add3A_1649 = arith.constant 1140 : i32
    %add3A_1650 = arith.addi %add3A_1649, %arg0 : i32
    %get3A_1651 = arith.index_cast %add3A_1650 : i32 to index
    %get3A_1652 = memref.load %arg1[%get3A_1651] : memref<1280xi32, #tpu.memory_space<smem>>
    %get3A_1653 = arith.constant 57 : index
    %get3A_1654 = arith.constant 0 : index
    %get3A_1655 = arith.constant 0 : index
    %get3A_1656 = arith.constant 0 : index
    %get3A_1657 = vector.load %arg2[%get3A_1653, %get3A_1654, %get3A_1655, %get3A_1656] : memref<64x1x16x128xf32, #tpu.memory_space<vmem>>, vector<1x1x16x128xf32>
    %get3A_1658 = vector.shape_cast %get3A_1657 : vector<1x1x16x128xf32> to vector<16x128xf32>
    %get3A_1659 = arith.constant 0 : index
    %get3A_1660 = arith.constant 0 : index
    %get3A_1661 = arith.constant 0 : index
    %get3A_1662 = vector.load %arg61[%get3A_1659, %get3A_1660, %get3A_1661] : memref<1x128x128xf32, #tpu.memory_space<vmem>>, vector<1x128x128xf32>
    %get3A_1663 = vector.shape_cast %get3A_1662 : vector<1x128x128xf32> to vector<128x128xf32>
    %dot_general3A_1664 = arith.constant dense<0.000000e+00> : vector<16x128xf32>
    %dot_general3A_1665 = tpu.matmul %get3A_1658, %get3A_1663, %dot_general3A_1664 {dimension_numbers = #tpu.dot_dimension_numbers<[1], [1], [0], [0], [0, 0, 1, 0], [], []>, transpose_lhs_hint = false} : vector<16x128xf32>, vector<128x128xf32>, vector<16x128xf32> -> vector<16x128xf32>
    %get3A_1666 = arith.index_cast %get3A_1652 : i32 to index
    %get3A_1667 = arith.constant 0 : index
    %get3A_1668 = vector.load %arg3[%get3A_1666, %get3A_1667] : memref<1000x128xf32, #tpu.memory_space<vmem>>, vector<1x128xf32>
    %add3A_1669 = vector.broadcast %get3A_1668 : vector<1x128xf32> to vector<16x128xf32>
    %add3A_1670 = arith.addf %dot_general3A_1665, %add3A_1669 : vector<16x128xf32>
    %swap3A_1671 = arith.constant 57 : index
    %swap3A_1672 = arith.constant 0 : index
    %swap3A_1673 = arith.constant 0 : index
    %swap3A_1674 = arith.constant 0 : index
    %swap3A_1675 = vector.load %arg68[%swap3A_1671, %swap3A_1672, %swap3A_1673, %swap3A_1674] : memref<64x1x16x128xf32, #tpu.memory_space<vmem>>, vector<1x1x16x128xf32>
    %swap3A_1676 = vector.shape_cast %swap3A_1675 : vector<1x1x16x128xf32> to vector<16x128xf32>
    %swap3A_1677 = vector.shape_cast %add3A_1670 : vector<16x128xf32> to vector<1x1x16x128xf32>
    tpu.vector_store %arg68[%swap3A_1671, %swap3A_1672, %swap3A_1673, %swap3A_1674], %swap3A_1677 {strides = array<i32>} : memref<64x1x16x128xf32, #tpu.memory_space<vmem>>, vector<1x1x16x128xf32>,
    %add3A_1678 = arith.constant 1160 : i32
    %add3A_1679 = arith.addi %add3A_1678, %arg0 : i32
    %get3A_1680 = arith.index_cast %add3A_1679 : i32 to index
    %get3A_1681 = memref.load %arg1[%get3A_1680] : memref<1280xi32, #tpu.memory_space<smem>>
    %get3A_1682 = arith.constant 58 : index
    %get3A_1683 = arith.constant 0 : index
    %get3A_1684 = arith.constant 0 : index
    %get3A_1685 = arith.constant 0 : index
    %get3A_1686 = vector.load %arg2[%get3A_1682, %get3A_1683, %get3A_1684, %get3A_1685] : memref<64x1x16x128xf32, #tpu.memory_space<vmem>>, vector<1x1x16x128xf32>
    %get3A_1687 = vector.shape_cast %get3A_1686 : vector<1x1x16x128xf32> to vector<16x128xf32>
    %get3A_1688 = arith.constant 0 : index
    %get3A_1689 = arith.constant 0 : index
    %get3A_1690 = arith.constant 0 : index
    %get3A_1691 = vector.load %arg62[%get3A_1688, %get3A_1689, %get3A_1690] : memref<1x128x128xf32, #tpu.memory_space<vmem>>, vector<1x128x128xf32>
    %get3A_1692 = vector.shape_cast %get3A_1691 : vector<1x128x128xf32> to vector<128x128xf32>
    %dot_general3A_1693 = arith.constant dense<0.000000e+00> : vector<16x128xf32>
    %dot_general3A_1694 = tpu.matmul %get3A_1687, %get3A_1692, %dot_general3A_1693 {dimension_numbers = #tpu.dot_dimension_numbers<[1], [1], [0], [0], [0, 0, 1, 0], [], []>, transpose_lhs_hint = false} : vector<16x128xf32>, vector<128x128xf32>, vector<16x128xf32> -> vector<16x128xf32>
    %get3A_1695 = arith.index_cast %get3A_1681 : i32 to index
    %get3A_1696 = arith.constant 0 : index
    %get3A_1697 = vector.load %arg3[%get3A_1695, %get3A_1696] : memref<1000x128xf32, #tpu.memory_space<vmem>>, vector<1x128xf32>
    %add3A_1698 = vector.broadcast %get3A_1697 : vector<1x128xf32> to vector<16x128xf32>
    %add3A_1699 = arith.addf %dot_general3A_1694, %add3A_1698 : vector<16x128xf32>
    %swap3A_1700 = arith.constant 58 : index
    %swap3A_1701 = arith.constant 0 : index
    %swap3A_1702 = arith.constant 0 : index
    %swap3A_1703 = arith.constant 0 : index
    %swap3A_1704 = vector.load %arg68[%swap3A_1700, %swap3A_1701, %swap3A_1702, %swap3A_1703] : memref<64x1x16x128xf32, #tpu.memory_space<vmem>>, vector<1x1x16x128xf32>
    %swap3A_1705 = vector.shape_cast %swap3A_1704 : vector<1x1x16x128xf32> to vector<16x128xf32>
    %swap3A_1706 = vector.shape_cast %add3A_1699 : vector<16x128xf32> to vector<1x1x16x128xf32>
    tpu.vector_store %arg68[%swap3A_1700, %swap3A_1701, %swap3A_1702, %swap3A_1703], %swap3A_1706 {strides = array<i32>} : memref<64x1x16x128xf32, #tpu.memory_space<vmem>>, vector<1x1x16x128xf32>,
    %add3A_1707 = arith.constant 1180 : i32
    %add3A_1708 = arith.addi %add3A_1707, %arg0 : i32
    %get3A_1709 = arith.index_cast %add3A_1708 : i32 to index
    %get3A_1710 = memref.load %arg1[%get3A_1709] : memref<1280xi32, #tpu.memory_space<smem>>
    %get3A_1711 = arith.constant 59 : index
    %get3A_1712 = arith.constant 0 : index
    %get3A_1713 = arith.constant 0 : index
    %get3A_1714 = arith.constant 0 : index
    %get3A_1715 = vector.load %arg2[%get3A_1711, %get3A_1712, %get3A_1713, %get3A_1714] : memref<64x1x16x128xf32, #tpu.memory_space<vmem>>, vector<1x1x16x128xf32>
    %get3A_1716 = vector.shape_cast %get3A_1715 : vector<1x1x16x128xf32> to vector<16x128xf32>
    %get3A_1717 = arith.constant 0 : index
    %get3A_1718 = arith.constant 0 : index
    %get3A_1719 = arith.constant 0 : index
    %get3A_1720 = vector.load %arg63[%get3A_1717, %get3A_1718, %get3A_1719] : memref<1x128x128xf32, #tpu.memory_space<vmem>>, vector<1x128x128xf32>
    %get3A_1721 = vector.shape_cast %get3A_1720 : vector<1x128x128xf32> to vector<128x128xf32>
    %dot_general3A_1722 = arith.constant dense<0.000000e+00> : vector<16x128xf32>
    %dot_general3A_1723 = tpu.matmul %get3A_1716, %get3A_1721, %dot_general3A_1722 {dimension_numbers = #tpu.dot_dimension_numbers<[1], [1], [0], [0], [0, 0, 1, 0], [], []>, transpose_lhs_hint = false} : vector<16x128xf32>, vector<128x128xf32>, vector<16x128xf32> -> vector<16x128xf32>
    %get3A_1724 = arith.index_cast %get3A_1710 : i32 to index
    %get3A_1725 = arith.constant 0 : index
    %get3A_1726 = vector.load %arg3[%get3A_1724, %get3A_1725] : memref<1000x128xf32, #tpu.memory_space<vmem>>, vector<1x128xf32>
    %add3A_1727 = vector.broadcast %get3A_1726 : vector<1x128xf32> to vector<16x128xf32>
    %add3A_1728 = arith.addf %dot_general3A_1723, %add3A_1727 : vector<16x128xf32>
    %swap3A_1729 = arith.constant 59 : index
    %swap3A_1730 = arith.constant 0 : index
    %swap3A_1731 = arith.constant 0 : index
    %swap3A_1732 = arith.constant 0 : index
    %swap3A_1733 = vector.load %arg68[%swap3A_1729, %swap3A_1730, %swap3A_1731, %swap3A_1732] : memref<64x1x16x128xf32, #tpu.memory_space<vmem>>, vector<1x1x16x128xf32>
    %swap3A_1734 = vector.shape_cast %swap3A_1733 : vector<1x1x16x128xf32> to vector<16x128xf32>
    %swap3A_1735 = vector.shape_cast %add3A_1728 : vector<16x128xf32> to vector<1x1x16x128xf32>
    tpu.vector_store %arg68[%swap3A_1729, %swap3A_1730, %swap3A_1731, %swap3A_1732], %swap3A_1735 {strides = array<i32>} : memref<64x1x16x128xf32, #tpu.memory_space<vmem>>, vector<1x1x16x128xf32>,
    %add3A_1736 = arith.constant 1200 : i32
    %add3A_1737 = arith.addi %add3A_1736, %arg0 : i32
    %get3A_1738 = arith.index_cast %add3A_1737 : i32 to index
    %get3A_1739 = memref.load %arg1[%get3A_1738] : memref<1280xi32, #tpu.memory_space<smem>>
    %get3A_1740 = arith.constant 60 : index
    %get3A_1741 = arith.constant 0 : index
    %get3A_1742 = arith.constant 0 : index
    %get3A_1743 = arith.constant 0 : index
    %get3A_1744 = vector.load %arg2[%get3A_1740, %get3A_1741, %get3A_1742, %get3A_1743] : memref<64x1x16x128xf32, #tpu.memory_space<vmem>>, vector<1x1x16x128xf32>
    %get3A_1745 = vector.shape_cast %get3A_1744 : vector<1x1x16x128xf32> to vector<16x128xf32>
    %get3A_1746 = arith.constant 0 : index
    %get3A_1747 = arith.constant 0 : index
    %get3A_1748 = arith.constant 0 : index
    %get3A_1749 = vector.load %arg64[%get3A_1746, %get3A_1747, %get3A_1748] : memref<1x128x128xf32, #tpu.memory_space<vmem>>, vector<1x128x128xf32>
    %get3A_1750 = vector.shape_cast %get3A_1749 : vector<1x128x128xf32> to vector<128x128xf32>
    %dot_general3A_1751 = arith.constant dense<0.000000e+00> : vector<16x128xf32>
    %dot_general3A_1752 = tpu.matmul %get3A_1745, %get3A_1750, %dot_general3A_1751 {dimension_numbers = #tpu.dot_dimension_numbers<[1], [1], [0], [0], [0, 0, 1, 0], [], []>, transpose_lhs_hint = false} : vector<16x128xf32>, vector<128x128xf32>, vector<16x128xf32> -> vector<16x128xf32>
    %get3A_1753 = arith.index_cast %get3A_1739 : i32 to index
    %get3A_1754 = arith.constant 0 : index
    %get3A_1755 = vector.load %arg3[%get3A_1753, %get3A_1754] : memref<1000x128xf32, #tpu.memory_space<vmem>>, vector<1x128xf32>
    %add3A_1756 = vector.broadcast %get3A_1755 : vector<1x128xf32> to vector<16x128xf32>
    %add3A_1757 = arith.addf %dot_general3A_1752, %add3A_1756 : vector<16x128xf32>
    %swap3A_1758 = arith.constant 60 : index
    %swap3A_1759 = arith.constant 0 : index
    %swap3A_1760 = arith.constant 0 : index
    %swap3A_1761 = arith.constant 0 : index
    %swap3A_1762 = vector.load %arg68[%swap3A_1758, %swap3A_1759, %swap3A_1760, %swap3A_1761] : memref<64x1x16x128xf32, #tpu.memory_space<vmem>>, vector<1x1x16x128xf32>
    %swap3A_1763 = vector.shape_cast %swap3A_1762 : vector<1x1x16x128xf32> to vector<16x128xf32>
    %swap3A_1764 = vector.shape_cast %add3A_1757 : vector<16x128xf32> to vector<1x1x16x128xf32>
    tpu.vector_store %arg68[%swap3A_1758, %swap3A_1759, %swap3A_1760, %swap3A_1761], %swap3A_1764 {strides = array<i32>} : memref<64x1x16x128xf32, #tpu.memory_space<vmem>>, vector<1x1x16x128xf32>,
    %add3A_1765 = arith.constant 1220 : i32
    %add3A_1766 = arith.addi %add3A_1765, %arg0 : i32
    %get3A_1767 = arith.index_cast %add3A_1766 : i32 to index
    %get3A_1768 = memref.load %arg1[%get3A_1767] : memref<1280xi32, #tpu.memory_space<smem>>
    %get3A_1769 = arith.constant 61 : index
    %get3A_1770 = arith.constant 0 : index
    %get3A_1771 = arith.constant 0 : index
    %get3A_1772 = arith.constant 0 : index
    %get3A_1773 = vector.load %arg2[%get3A_1769, %get3A_1770, %get3A_1771, %get3A_1772] : memref<64x1x16x128xf32, #tpu.memory_space<vmem>>, vector<1x1x16x128xf32>
    %get3A_1774 = vector.shape_cast %get3A_1773 : vector<1x1x16x128xf32> to vector<16x128xf32>
    %get3A_1775 = arith.constant 0 : index
    %get3A_1776 = arith.constant 0 : index
    %get3A_1777 = arith.constant 0 : index
    %get3A_1778 = vector.load %arg65[%get3A_1775, %get3A_1776, %get3A_1777] : memref<1x128x128xf32, #tpu.memory_space<vmem>>, vector<1x128x128xf32>
    %get3A_1779 = vector.shape_cast %get3A_1778 : vector<1x128x128xf32> to vector<128x128xf32>
    %dot_general3A_1780 = arith.constant dense<0.000000e+00> : vector<16x128xf32>
    %dot_general3A_1781 = tpu.matmul %get3A_1774, %get3A_1779, %dot_general3A_1780 {dimension_numbers = #tpu.dot_dimension_numbers<[1], [1], [0], [0], [0, 0, 1, 0], [], []>, transpose_lhs_hint = false} : vector<16x128xf32>, vector<128x128xf32>, vector<16x128xf32> -> vector<16x128xf32>
    %get3A_1782 = arith.index_cast %get3A_1768 : i32 to index
    %get3A_1783 = arith.constant 0 : index
    %get3A_1784 = vector.load %arg3[%get3A_1782, %get3A_1783] : memref<1000x128xf32, #tpu.memory_space<vmem>>, vector<1x128xf32>
    %add3A_1785 = vector.broadcast %get3A_1784 : vector<1x128xf32> to vector<16x128xf32>
    %add3A_1786 = arith.addf %dot_general3A_1781, %add3A_1785 : vector<16x128xf32>
    %swap3A_1787 = arith.constant 61 : index
    %swap3A_1788 = arith.constant 0 : index
    %swap3A_1789 = arith.constant 0 : index
    %swap3A_1790 = arith.constant 0 : index
    %swap3A_1791 = vector.load %arg68[%swap3A_1787, %swap3A_1788, %swap3A_1789, %swap3A_1790] : memref<64x1x16x128xf32, #tpu.memory_space<vmem>>, vector<1x1x16x128xf32>
    %swap3A_1792 = vector.shape_cast %swap3A_1791 : vector<1x1x16x128xf32> to vector<16x128xf32>
    %swap3A_1793 = vector.shape_cast %add3A_1786 : vector<16x128xf32> to vector<1x1x16x128xf32>
    tpu.vector_store %arg68[%swap3A_1787, %swap3A_1788, %swap3A_1789, %swap3A_1790], %swap3A_1793 {strides = array<i32>} : memref<64x1x16x128xf32, #tpu.memory_space<vmem>>, vector<1x1x16x128xf32>,
    %add3A_1794 = arith.constant 1240 : i32
    %add3A_1795 = arith.addi %add3A_1794, %arg0 : i32
    %get3A_1796 = arith.index_cast %add3A_1795 : i32 to index
    %get3A_1797 = memref.load %arg1[%get3A_1796] : memref<1280xi32, #tpu.memory_space<smem>>
    %get3A_1798 = arith.constant 62 : index
    %get3A_1799 = arith.constant 0 : index
    %get3A_1800 = arith.constant 0 : index
    %get3A_1801 = arith.constant 0 : index
    %get3A_1802 = vector.load %arg2[%get3A_1798, %get3A_1799, %get3A_1800, %get3A_1801] : memref<64x1x16x128xf32, #tpu.memory_space<vmem>>, vector<1x1x16x128xf32>
    %get3A_1803 = vector.shape_cast %get3A_1802 : vector<1x1x16x128xf32> to vector<16x128xf32>
    %get3A_1804 = arith.constant 0 : index
    %get3A_1805 = arith.constant 0 : index
    %get3A_1806 = arith.constant 0 : index
    %get3A_1807 = vector.load %arg66[%get3A_1804, %get3A_1805, %get3A_1806] : memref<1x128x128xf32, #tpu.memory_space<vmem>>, vector<1x128x128xf32>
    %get3A_1808 = vector.shape_cast %get3A_1807 : vector<1x128x128xf32> to vector<128x128xf32>
    %dot_general3A_1809 = arith.constant dense<0.000000e+00> : vector<16x128xf32>
    %dot_general3A_1810 = tpu.matmul %get3A_1803, %get3A_1808, %dot_general3A_1809 {dimension_numbers = #tpu.dot_dimension_numbers<[1], [1], [0], [0], [0, 0, 1, 0], [], []>, transpose_lhs_hint = false} : vector<16x128xf32>, vector<128x128xf32>, vector<16x128xf32> -> vector<16x128xf32>
    %get3A_1811 = arith.index_cast %get3A_1797 : i32 to index
    %get3A_1812 = arith.constant 0 : index
    %get3A_1813 = vector.load %arg3[%get3A_1811, %get3A_1812] : memref<1000x128xf32, #tpu.memory_space<vmem>>, vector<1x128xf32>
    %add3A_1814 = vector.broadcast %get3A_1813 : vector<1x128xf32> to vector<16x128xf32>
    %add3A_1815 = arith.addf %dot_general3A_1810, %add3A_1814 : vector<16x128xf32>
    %swap3A_1816 = arith.constant 62 : index
    %swap3A_1817 = arith.constant 0 : index
    %swap3A_1818 = arith.constant 0 : index
    %swap3A_1819 = arith.constant 0 : index
    %swap3A_1820 = vector.load %arg68[%swap3A_1816, %swap3A_1817, %swap3A_1818, %swap3A_1819] : memref<64x1x16x128xf32, #tpu.memory_space<vmem>>, vector<1x1x16x128xf32>
    %swap3A_1821 = vector.shape_cast %swap3A_1820 : vector<1x1x16x128xf32> to vector<16x128xf32>
    %swap3A_1822 = vector.shape_cast %add3A_1815 : vector<16x128xf32> to vector<1x1x16x128xf32>
    tpu.vector_store %arg68[%swap3A_1816, %swap3A_1817, %swap3A_1818, %swap3A_1819], %swap3A_1822 {strides = array<i32>} : memref<64x1x16x128xf32, #tpu.memory_space<vmem>>, vector<1x1x16x128xf32>,
    %add3A_1823 = arith.constant 1260 : i32
    %add3A_1824 = arith.addi %add3A_1823, %arg0 : i32
    %get3A_1825 = arith.index_cast %add3A_1824 : i32 to index
    %get3A_1826 = memref.load %arg1[%get3A_1825] : memref<1280xi32, #tpu.memory_space<smem>>
    %get3A_1827 = arith.constant 63 : index
    %get3A_1828 = arith.constant 0 : index
    %get3A_1829 = arith.constant 0 : index
    %get3A_1830 = arith.constant 0 : index
    %get3A_1831 = vector.load %arg2[%get3A_1827, %get3A_1828, %get3A_1829, %get3A_1830] : memref<64x1x16x128xf32, #tpu.memory_space<vmem>>, vector<1x1x16x128xf32>
    %get3A_1832 = vector.shape_cast %get3A_1831 : vector<1x1x16x128xf32> to vector<16x128xf32>
    %get3A_1833 = arith.constant 0 : index
    %get3A_1834 = arith.constant 0 : index
    %get3A_1835 = arith.constant 0 : index
    %get3A_1836 = vector.load %arg67[%get3A_1833, %get3A_1834, %get3A_1835] : memref<1x128x128xf32, #tpu.memory_space<vmem>>, vector<1x128x128xf32>
    %get3A_1837 = vector.shape_cast %get3A_1836 : vector<1x128x128xf32> to vector<128x128xf32>
    %dot_general3A_1838 = arith.constant dense<0.000000e+00> : vector<16x128xf32>
    %dot_general3A_1839 = tpu.matmul %get3A_1832, %get3A_1837, %dot_general3A_1838 {dimension_numbers = #tpu.dot_dimension_numbers<[1], [1], [0], [0], [0, 0, 1, 0], [], []>, transpose_lhs_hint = false} : vector<16x128xf32>, vector<128x128xf32>, vector<16x128xf32> -> vector<16x128xf32>
    %get3A_1840 = arith.index_cast %get3A_1826 : i32 to index
    %get3A_1841 = arith.constant 0 : index
    %get3A_1842 = vector.load %arg3[%get3A_1840, %get3A_1841] : memref<1000x128xf32, #tpu.memory_space<vmem>>, vector<1x128xf32>
    %add3A_1843 = vector.broadcast %get3A_1842 : vector<1x128xf32> to vector<16x128xf32>
    %add3A_1844 = arith.addf %dot_general3A_1839, %add3A_1843 : vector<16x128xf32>
    %swap3A_1845 = arith.constant 63 : index
    %swap3A_1846 = arith.constant 0 : index
    %swap3A_1847 = arith.constant 0 : index
    %swap3A_1848 = arith.constant 0 : index
    %swap3A_1849 = vector.load %arg68[%swap3A_1845, %swap3A_1846, %swap3A_1847, %swap3A_1848] : memref<64x1x16x128xf32, #tpu.memory_space<vmem>>, vector<1x1x16x128xf32>
    %swap3A_1850 = vector.shape_cast %swap3A_1849 : vector<1x1x16x128xf32> to vector<16x128xf32>
    %swap3A_1851 = vector.shape_cast %add3A_1844 : vector<16x128xf32> to vector<1x1x16x128xf32>
    tpu.vector_store %arg68[%swap3A_1845, %swap3A_1846, %swap3A_1847, %swap3A_1848], %swap3A_1851 {strides = array<i32>} : memref<64x1x16x128xf32, #tpu.memory_space<vmem>>, vector<1x1x16x128xf32>,
    return
  }
  func.func @transform_0(%arg0: i32, %arg1: memref<1280xi32, #tpu.memory_space<smem>>) -> (i32, i32, i32, i32) {
    %c0_i32 = arith.constant 0 : i32
    %c0_i32_0 = arith.constant 0 : i32
    %c0_i32_1 = arith.constant 0 : i32
    %c0_i32_2 = arith.constant 0 : i32
    return %c0_i32, %arg0, %c0_i32_0, %c0_i32_1 : i32, i32, i32, i32
  }
  func.func @transform_1(%arg0: i32, %arg1: memref<1280xi32, #tpu.memory_space<smem>>) -> (i32, i32) {
    %c0_i32 = arith.constant 0 : i32
    %c0_i32_0 = arith.constant 0 : i32
    %c0_i32_1 = arith.constant 0 : i32
    return %c0_i32, %c0_i32_0 : i32, i32
  }
  func.func @transform_2(%arg0: i32, %arg1: memref<1280xi32, #tpu.memory_space<smem>>) -> (i32, i32, i32) {
    %add3A = arith.constant 0 : i32
    %add3A_0 = arith.addi %add3A, %arg0 : i32
    %get3A = arith.index_cast %add3A_0 : i32 to index
    %get3A_1 = memref.load %arg1[%get3A] : memref<1280xi32, #tpu.memory_space<smem>>
    %c0_i32 = arith.constant 0 : i32
    %c0_i32_2 = arith.constant 0 : i32
    %c0_i32_3 = arith.constant 0 : i32
    return %get3A_1, %c0_i32, %c0_i32_2 : i32, i32, i32
  }
  func.func @transform_3(%arg0: i32, %arg1: memref<1280xi32, #tpu.memory_space<smem>>) -> (i32, i32, i32) {
    %add3A = arith.constant 20 : i32
    %add3A_0 = arith.addi %add3A, %arg0 : i32
    %get3A = arith.index_cast %add3A_0 : i32 to index
    %get3A_1 = memref.load %arg1[%get3A] : memref<1280xi32, #tpu.memory_space<smem>>
    %c0_i32 = arith.constant 0 : i32
    %c0_i32_2 = arith.constant 0 : i32
    %c0_i32_3 = arith.constant 0 : i32
    return %get3A_1, %c0_i32, %c0_i32_2 : i32, i32, i32
  }
  func.func @transform_4(%arg0: i32, %arg1: memref<1280xi32, #tpu.memory_space<smem>>) -> (i32, i32, i32) {
    %add3A = arith.constant 40 : i32
    %add3A_0 = arith.addi %add3A, %arg0 : i32
    %get3A = arith.index_cast %add3A_0 : i32 to index
    %get3A_1 = memref.load %arg1[%get3A] : memref<1280xi32, #tpu.memory_space<smem>>
    %c0_i32 = arith.constant 0 : i32
    %c0_i32_2 = arith.constant 0 : i32
    %c0_i32_3 = arith.constant 0 : i32
    return %get3A_1, %c0_i32, %c0_i32_2 : i32, i32, i32
  }
  func.func @transform_5(%arg0: i32, %arg1: memref<1280xi32, #tpu.memory_space<smem>>) -> (i32, i32, i32) {
    %add3A = arith.constant 60 : i32
    %add3A_0 = arith.addi %add3A, %arg0 : i32
    %get3A = arith.index_cast %add3A_0 : i32 to index
    %get3A_1 = memref.load %arg1[%get3A] : memref<1280xi32, #tpu.memory_space<smem>>
    %c0_i32 = arith.constant 0 : i32
    %c0_i32_2 = arith.constant 0 : i32
    %c0_i32_3 = arith.constant 0 : i32
    return %get3A_1, %c0_i32, %c0_i32_2 : i32, i32, i32
  }
  func.func @transform_6(%arg0: i32, %arg1: memref<1280xi32, #tpu.memory_space<smem>>) -> (i32, i32, i32) {
    %add3A = arith.constant 80 : i32
    %add3A_0 = arith.addi %add3A, %arg0 : i32
    %get3A = arith.index_cast %add3A_0 : i32 to index
    %get3A_1 = memref.load %arg1[%get3A] : memref<1280xi32, #tpu.memory_space<smem>>
    %c0_i32 = arith.constant 0 : i32
    %c0_i32_2 = arith.constant 0 : i32
    %c0_i32_3 = arith.constant 0 : i32
    return %get3A_1, %c0_i32, %c0_i32_2 : i32, i32, i32
  }
  func.func @transform_7(%arg0: i32, %arg1: memref<1280xi32, #tpu.memory_space<smem>>) -> (i32, i32, i32) {
    %add3A = arith.constant 100 : i32
    %add3A_0 = arith.addi %add3A, %arg0 : i32
    %get3A = arith.index_cast %add3A_0 : i32 to index
    %get3A_1 = memref.load %arg1[%get3A] : memref<1280xi32, #tpu.memory_space<smem>>
    %c0_i32 = arith.constant 0 : i32
    %c0_i32_2 = arith.constant 0 : i32
    %c0_i32_3 = arith.constant 0 : i32
    return %get3A_1, %c0_i32, %c0_i32_2 : i32, i32, i32
  }
  func.func @transform_8(%arg0: i32, %arg1: memref<1280xi32, #tpu.memory_space<smem>>) -> (i32, i32, i32) {
    %add3A = arith.constant 120 : i32
    %add3A_0 = arith.addi %add3A, %arg0 : i32
    %get3A = arith.index_cast %add3A_0 : i32 to index
    %get3A_1 = memref.load %arg1[%get3A] : memref<1280xi32, #tpu.memory_space<smem>>
    %c0_i32 = arith.constant 0 : i32
    %c0_i32_2 = arith.constant 0 : i32
    %c0_i32_3 = arith.constant 0 : i32
    return %get3A_1, %c0_i32, %c0_i32_2 : i32, i32, i32
  }
  func.func @transform_9(%arg0: i32, %arg1: memref<1280xi32, #tpu.memory_space<smem>>) -> (i32, i32, i32) {
    %add3A = arith.constant 140 : i32
    %add3A_0 = arith.addi %add3A, %arg0 : i32
    %get3A = arith.index_cast %add3A_0 : i32 to index
    %get3A_1 = memref.load %arg1[%get3A] : memref<1280xi32, #tpu.memory_space<smem>>
    %c0_i32 = arith.constant 0 : i32
    %c0_i32_2 = arith.constant 0 : i32
    %c0_i32_3 = arith.constant 0 : i32
    return %get3A_1, %c0_i32, %c0_i32_2 : i32, i32, i32
  }
  func.func @transform_10(%arg0: i32, %arg1: memref<1280xi32, #tpu.memory_space<smem>>) -> (i32, i32, i32) {
    %add3A = arith.constant 160 : i32
    %add3A_0 = arith.addi %add3A, %arg0 : i32
    %get3A = arith.index_cast %add3A_0 : i32 to index
    %get3A_1 = memref.load %arg1[%get3A] : memref<1280xi32, #tpu.memory_space<smem>>
    %c0_i32 = arith.constant 0 : i32
    %c0_i32_2 = arith.constant 0 : i32
    %c0_i32_3 = arith.constant 0 : i32
    return %get3A_1, %c0_i32, %c0_i32_2 : i32, i32, i32
  }
  func.func @transform_11(%arg0: i32, %arg1: memref<1280xi32, #tpu.memory_space<smem>>) -> (i32, i32, i32) {
    %add3A = arith.constant 180 : i32
    %add3A_0 = arith.addi %add3A, %arg0 : i32
    %get3A = arith.index_cast %add3A_0 : i32 to index
    %get3A_1 = memref.load %arg1[%get3A] : memref<1280xi32, #tpu.memory_space<smem>>
    %c0_i32 = arith.constant 0 : i32
    %c0_i32_2 = arith.constant 0 : i32
    %c0_i32_3 = arith.constant 0 : i32
    return %get3A_1, %c0_i32, %c0_i32_2 : i32, i32, i32
  }
  func.func @transform_12(%arg0: i32, %arg1: memref<1280xi32, #tpu.memory_space<smem>>) -> (i32, i32, i32) {
    %add3A = arith.constant 200 : i32
    %add3A_0 = arith.addi %add3A, %arg0 : i32
    %get3A = arith.index_cast %add3A_0 : i32 to index
    %get3A_1 = memref.load %arg1[%get3A] : memref<1280xi32, #tpu.memory_space<smem>>
    %c0_i32 = arith.constant 0 : i32
    %c0_i32_2 = arith.constant 0 : i32
    %c0_i32_3 = arith.constant 0 : i32
    return %get3A_1, %c0_i32, %c0_i32_2 : i32, i32, i32
  }
  func.func @transform_13(%arg0: i32, %arg1: memref<1280xi32, #tpu.memory_space<smem>>) -> (i32, i32, i32) {
    %add3A = arith.constant 220 : i32
    %add3A_0 = arith.addi %add3A, %arg0 : i32
    %get3A = arith.index_cast %add3A_0 : i32 to index
    %get3A_1 = memref.load %arg1[%get3A] : memref<1280xi32, #tpu.memory_space<smem>>
    %c0_i32 = arith.constant 0 : i32
    %c0_i32_2 = arith.constant 0 : i32
    %c0_i32_3 = arith.constant 0 : i32
    return %get3A_1, %c0_i32, %c0_i32_2 : i32, i32, i32
  }
  func.func @transform_14(%arg0: i32, %arg1: memref<1280xi32, #tpu.memory_space<smem>>) -> (i32, i32, i32) {
    %add3A = arith.constant 240 : i32
    %add3A_0 = arith.addi %add3A, %arg0 : i32
    %get3A = arith.index_cast %add3A_0 : i32 to index
    %get3A_1 = memref.load %arg1[%get3A] : memref<1280xi32, #tpu.memory_space<smem>>
    %c0_i32 = arith.constant 0 : i32
    %c0_i32_2 = arith.constant 0 : i32
    %c0_i32_3 = arith.constant 0 : i32
    return %get3A_1, %c0_i32, %c0_i32_2 : i32, i32, i32
  }
  func.func @transform_15(%arg0: i32, %arg1: memref<1280xi32, #tpu.memory_space<smem>>) -> (i32, i32, i32) {
    %add3A = arith.constant 260 : i32
    %add3A_0 = arith.addi %add3A, %arg0 : i32
    %get3A = arith.index_cast %add3A_0 : i32 to index
    %get3A_1 = memref.load %arg1[%get3A] : memref<1280xi32, #tpu.memory_space<smem>>
    %c0_i32 = arith.constant 0 : i32
    %c0_i32_2 = arith.constant 0 : i32
    %c0_i32_3 = arith.constant 0 : i32
    return %get3A_1, %c0_i32, %c0_i32_2 : i32, i32, i32
  }
  func.func @transform_16(%arg0: i32, %arg1: memref<1280xi32, #tpu.memory_space<smem>>) -> (i32, i32, i32) {
    %add3A = arith.constant 280 : i32
    %add3A_0 = arith.addi %add3A, %arg0 : i32
    %get3A = arith.index_cast %add3A_0 : i32 to index
    %get3A_1 = memref.load %arg1[%get3A] : memref<1280xi32, #tpu.memory_space<smem>>
    %c0_i32 = arith.constant 0 : i32
    %c0_i32_2 = arith.constant 0 : i32
    %c0_i32_3 = arith.constant 0 : i32
    return %get3A_1, %c0_i32, %c0_i32_2 : i32, i32, i32
  }
  func.func @transform_17(%arg0: i32, %arg1: memref<1280xi32, #tpu.memory_space<smem>>) -> (i32, i32, i32) {
    %add3A = arith.constant 300 : i32
    %add3A_0 = arith.addi %add3A, %arg0 : i32
    %get3A = arith.index_cast %add3A_0 : i32 to index
    %get3A_1 = memref.load %arg1[%get3A] : memref<1280xi32, #tpu.memory_space<smem>>
    %c0_i32 = arith.constant 0 : i32
    %c0_i32_2 = arith.constant 0 : i32
    %c0_i32_3 = arith.constant 0 : i32
    return %get3A_1, %c0_i32, %c0_i32_2 : i32, i32, i32
  }
  func.func @transform_18(%arg0: i32, %arg1: memref<1280xi32, #tpu.memory_space<smem>>) -> (i32, i32, i32) {
    %add3A = arith.constant 320 : i32
    %add3A_0 = arith.addi %add3A, %arg0 : i32
    %get3A = arith.index_cast %add3A_0 : i32 to index
    %get3A_1 = memref.load %arg1[%get3A] : memref<1280xi32, #tpu.memory_space<smem>>
    %c0_i32 = arith.constant 0 : i32
    %c0_i32_2 = arith.constant 0 : i32
    %c0_i32_3 = arith.constant 0 : i32
    return %get3A_1, %c0_i32, %c0_i32_2 : i32, i32, i32
  }
  func.func @transform_19(%arg0: i32, %arg1: memref<1280xi32, #tpu.memory_space<smem>>) -> (i32, i32, i32) {
    %add3A = arith.constant 340 : i32
    %add3A_0 = arith.addi %add3A, %arg0 : i32
    %get3A = arith.index_cast %add3A_0 : i32 to index
    %get3A_1 = memref.load %arg1[%get3A] : memref<1280xi32, #tpu.memory_space<smem>>
    %c0_i32 = arith.constant 0 : i32
    %c0_i32_2 = arith.constant 0 : i32
    %c0_i32_3 = arith.constant 0 : i32
    return %get3A_1, %c0_i32, %c0_i32_2 : i32, i32, i32
  }
  func.func @transform_20(%arg0: i32, %arg1: memref<1280xi32, #tpu.memory_space<smem>>) -> (i32, i32, i32) {
    %add3A = arith.constant 360 : i32
    %add3A_0 = arith.addi %add3A, %arg0 : i32
    %get3A = arith.index_cast %add3A_0 : i32 to index
    %get3A_1 = memref.load %arg1[%get3A] : memref<1280xi32, #tpu.memory_space<smem>>
    %c0_i32 = arith.constant 0 : i32
    %c0_i32_2 = arith.constant 0 : i32
    %c0_i32_3 = arith.constant 0 : i32
    return %get3A_1, %c0_i32, %c0_i32_2 : i32, i32, i32
  }
  func.func @transform_21(%arg0: i32, %arg1: memref<1280xi32, #tpu.memory_space<smem>>) -> (i32, i32, i32) {
    %add3A = arith.constant 380 : i32
    %add3A_0 = arith.addi %add3A, %arg0 : i32
    %get3A = arith.index_cast %add3A_0 : i32 to index
    %get3A_1 = memref.load %arg1[%get3A] : memref<1280xi32, #tpu.memory_space<smem>>
    %c0_i32 = arith.constant 0 : i32
    %c0_i32_2 = arith.constant 0 : i32
    %c0_i32_3 = arith.constant 0 : i32
    return %get3A_1, %c0_i32, %c0_i32_2 : i32, i32, i32
  }
  func.func @transform_22(%arg0: i32, %arg1: memref<1280xi32, #tpu.memory_space<smem>>) -> (i32, i32, i32) {
    %add3A = arith.constant 400 : i32
    %add3A_0 = arith.addi %add3A, %arg0 : i32
    %get3A = arith.index_cast %add3A_0 : i32 to index
    %get3A_1 = memref.load %arg1[%get3A] : memref<1280xi32, #tpu.memory_space<smem>>
    %c0_i32 = arith.constant 0 : i32
    %c0_i32_2 = arith.constant 0 : i32
    %c0_i32_3 = arith.constant 0 : i32
    return %get3A_1, %c0_i32, %c0_i32_2 : i32, i32, i32
  }
  func.func @transform_23(%arg0: i32, %arg1: memref<1280xi32, #tpu.memory_space<smem>>) -> (i32, i32, i32) {
    %add3A = arith.constant 420 : i32
    %add3A_0 = arith.addi %add3A, %arg0 : i32
    %get3A = arith.index_cast %add3A_0 : i32 to index
    %get3A_1 = memref.load %arg1[%get3A] : memref<1280xi32, #tpu.memory_space<smem>>
    %c0_i32 = arith.constant 0 : i32
    %c0_i32_2 = arith.constant 0 : i32
    %c0_i32_3 = arith.constant 0 : i32
    return %get3A_1, %c0_i32, %c0_i32_2 : i32, i32, i32
  }
  func.func @transform_24(%arg0: i32, %arg1: memref<1280xi32, #tpu.memory_space<smem>>) -> (i32, i32, i32) {
    %add3A = arith.constant 440 : i32
    %add3A_0 = arith.addi %add3A, %arg0 : i32
    %get3A = arith.index_cast %add3A_0 : i32 to index
    %get3A_1 = memref.load %arg1[%get3A] : memref<1280xi32, #tpu.memory_space<smem>>
    %c0_i32 = arith.constant 0 : i32
    %c0_i32_2 = arith.constant 0 : i32
    %c0_i32_3 = arith.constant 0 : i32
    return %get3A_1, %c0_i32, %c0_i32_2 : i32, i32, i32
  }
  func.func @transform_25(%arg0: i32, %arg1: memref<1280xi32, #tpu.memory_space<smem>>) -> (i32, i32, i32) {
    %add3A = arith.constant 460 : i32
    %add3A_0 = arith.addi %add3A, %arg0 : i32
    %get3A = arith.index_cast %add3A_0 : i32 to index
    %get3A_1 = memref.load %arg1[%get3A] : memref<1280xi32, #tpu.memory_space<smem>>
    %c0_i32 = arith.constant 0 : i32
    %c0_i32_2 = arith.constant 0 : i32
    %c0_i32_3 = arith.constant 0 : i32
    return %get3A_1, %c0_i32, %c0_i32_2 : i32, i32, i32
  }
  func.func @transform_26(%arg0: i32, %arg1: memref<1280xi32, #tpu.memory_space<smem>>) -> (i32, i32, i32) {
    %add3A = arith.constant 480 : i32
    %add3A_0 = arith.addi %add3A, %arg0 : i32
    %get3A = arith.index_cast %add3A_0 : i32 to index
    %get3A_1 = memref.load %arg1[%get3A] : memref<1280xi32, #tpu.memory_space<smem>>
    %c0_i32 = arith.constant 0 : i32
    %c0_i32_2 = arith.constant 0 : i32
    %c0_i32_3 = arith.constant 0 : i32
    return %get3A_1, %c0_i32, %c0_i32_2 : i32, i32, i32
  }
  func.func @transform_27(%arg0: i32, %arg1: memref<1280xi32, #tpu.memory_space<smem>>) -> (i32, i32, i32) {
    %add3A = arith.constant 500 : i32
    %add3A_0 = arith.addi %add3A, %arg0 : i32
    %get3A = arith.index_cast %add3A_0 : i32 to index
    %get3A_1 = memref.load %arg1[%get3A] : memref<1280xi32, #tpu.memory_space<smem>>
    %c0_i32 = arith.constant 0 : i32
    %c0_i32_2 = arith.constant 0 : i32
    %c0_i32_3 = arith.constant 0 : i32
    return %get3A_1, %c0_i32, %c0_i32_2 : i32, i32, i32
  }
  func.func @transform_28(%arg0: i32, %arg1: memref<1280xi32, #tpu.memory_space<smem>>) -> (i32, i32, i32) {
    %add3A = arith.constant 520 : i32
    %add3A_0 = arith.addi %add3A, %arg0 : i32
    %get3A = arith.index_cast %add3A_0 : i32 to index
    %get3A_1 = memref.load %arg1[%get3A] : memref<1280xi32, #tpu.memory_space<smem>>
    %c0_i32 = arith.constant 0 : i32
    %c0_i32_2 = arith.constant 0 : i32
    %c0_i32_3 = arith.constant 0 : i32
    return %get3A_1, %c0_i32, %c0_i32_2 : i32, i32, i32
  }
  func.func @transform_29(%arg0: i32, %arg1: memref<1280xi32, #tpu.memory_space<smem>>) -> (i32, i32, i32) {
    %add3A = arith.constant 540 : i32
    %add3A_0 = arith.addi %add3A, %arg0 : i32
    %get3A = arith.index_cast %add3A_0 : i32 to index
    %get3A_1 = memref.load %arg1[%get3A] : memref<1280xi32, #tpu.memory_space<smem>>
    %c0_i32 = arith.constant 0 : i32
    %c0_i32_2 = arith.constant 0 : i32
    %c0_i32_3 = arith.constant 0 : i32
    return %get3A_1, %c0_i32, %c0_i32_2 : i32, i32, i32
  }
  func.func @transform_30(%arg0: i32, %arg1: memref<1280xi32, #tpu.memory_space<smem>>) -> (i32, i32, i32) {
    %add3A = arith.constant 560 : i32
    %add3A_0 = arith.addi %add3A, %arg0 : i32
    %get3A = arith.index_cast %add3A_0 : i32 to index
    %get3A_1 = memref.load %arg1[%get3A] : memref<1280xi32, #tpu.memory_space<smem>>
    %c0_i32 = arith.constant 0 : i32
    %c0_i32_2 = arith.constant 0 : i32
    %c0_i32_3 = arith.constant 0 : i32
    return %get3A_1, %c0_i32, %c0_i32_2 : i32, i32, i32
  }
  func.func @transform_31(%arg0: i32, %arg1: memref<1280xi32, #tpu.memory_space<smem>>) -> (i32, i32, i32) {
    %add3A = arith.constant 580 : i32
    %add3A_0 = arith.addi %add3A, %arg0 : i32
    %get3A = arith.index_cast %add3A_0 : i32 to index
    %get3A_1 = memref.load %arg1[%get3A] : memref<1280xi32, #tpu.memory_space<smem>>
    %c0_i32 = arith.constant 0 : i32
    %c0_i32_2 = arith.constant 0 : i32
    %c0_i32_3 = arith.constant 0 : i32
    return %get3A_1, %c0_i32, %c0_i32_2 : i32, i32, i32
  }
  func.func @transform_32(%arg0: i32, %arg1: memref<1280xi32, #tpu.memory_space<smem>>) -> (i32, i32, i32) {
    %add3A = arith.constant 600 : i32
    %add3A_0 = arith.addi %add3A, %arg0 : i32
    %get3A = arith.index_cast %add3A_0 : i32 to index
    %get3A_1 = memref.load %arg1[%get3A] : memref<1280xi32, #tpu.memory_space<smem>>
    %c0_i32 = arith.constant 0 : i32
    %c0_i32_2 = arith.constant 0 : i32
    %c0_i32_3 = arith.constant 0 : i32
    return %get3A_1, %c0_i32, %c0_i32_2 : i32, i32, i32
  }
  func.func @transform_33(%arg0: i32, %arg1: memref<1280xi32, #tpu.memory_space<smem>>) -> (i32, i32, i32) {
    %add3A = arith.constant 620 : i32
    %add3A_0 = arith.addi %add3A, %arg0 : i32
    %get3A = arith.index_cast %add3A_0 : i32 to index
    %get3A_1 = memref.load %arg1[%get3A] : memref<1280xi32, #tpu.memory_space<smem>>
    %c0_i32 = arith.constant 0 : i32
    %c0_i32_2 = arith.constant 0 : i32
    %c0_i32_3 = arith.constant 0 : i32
    return %get3A_1, %c0_i32, %c0_i32_2 : i32, i32, i32
  }
  func.func @transform_34(%arg0: i32, %arg1: memref<1280xi32, #tpu.memory_space<smem>>) -> (i32, i32, i32) {
    %add3A = arith.constant 640 : i32
    %add3A_0 = arith.addi %add3A, %arg0 : i32
    %get3A = arith.index_cast %add3A_0 : i32 to index
    %get3A_1 = memref.load %arg1[%get3A] : memref<1280xi32, #tpu.memory_space<smem>>
    %c0_i32 = arith.constant 0 : i32
    %c0_i32_2 = arith.constant 0 : i32
    %c0_i32_3 = arith.constant 0 : i32
    return %get3A_1, %c0_i32, %c0_i32_2 : i32, i32, i32
  }
  func.func @transform_35(%arg0: i32, %arg1: memref<1280xi32, #tpu.memory_space<smem>>) -> (i32, i32, i32) {
    %add3A = arith.constant 660 : i32
    %add3A_0 = arith.addi %add3A, %arg0 : i32
    %get3A = arith.index_cast %add3A_0 : i32 to index
    %get3A_1 = memref.load %arg1[%get3A] : memref<1280xi32, #tpu.memory_space<smem>>
    %c0_i32 = arith.constant 0 : i32
    %c0_i32_2 = arith.constant 0 : i32
    %c0_i32_3 = arith.constant 0 : i32
    return %get3A_1, %c0_i32, %c0_i32_2 : i32, i32, i32
  }
  func.func @transform_36(%arg0: i32, %arg1: memref<1280xi32, #tpu.memory_space<smem>>) -> (i32, i32, i32) {
    %add3A = arith.constant 680 : i32
    %add3A_0 = arith.addi %add3A, %arg0 : i32
    %get3A = arith.index_cast %add3A_0 : i32 to index
    %get3A_1 = memref.load %arg1[%get3A] : memref<1280xi32, #tpu.memory_space<smem>>
    %c0_i32 = arith.constant 0 : i32
    %c0_i32_2 = arith.constant 0 : i32
    %c0_i32_3 = arith.constant 0 : i32
    return %get3A_1, %c0_i32, %c0_i32_2 : i32, i32, i32
  }
  func.func @transform_37(%arg0: i32, %arg1: memref<1280xi32, #tpu.memory_space<smem>>) -> (i32, i32, i32) {
    %add3A = arith.constant 700 : i32
    %add3A_0 = arith.addi %add3A, %arg0 : i32
    %get3A = arith.index_cast %add3A_0 : i32 to index
    %get3A_1 = memref.load %arg1[%get3A] : memref<1280xi32, #tpu.memory_space<smem>>
    %c0_i32 = arith.constant 0 : i32
    %c0_i32_2 = arith.constant 0 : i32
    %c0_i32_3 = arith.constant 0 : i32
    return %get3A_1, %c0_i32, %c0_i32_2 : i32, i32, i32
  }
  func.func @transform_38(%arg0: i32, %arg1: memref<1280xi32, #tpu.memory_space<smem>>) -> (i32, i32, i32) {
    %add3A = arith.constant 720 : i32
    %add3A_0 = arith.addi %add3A, %arg0 : i32
    %get3A = arith.index_cast %add3A_0 : i32 to index
    %get3A_1 = memref.load %arg1[%get3A] : memref<1280xi32, #tpu.memory_space<smem>>
    %c0_i32 = arith.constant 0 : i32
    %c0_i32_2 = arith.constant 0 : i32
    %c0_i32_3 = arith.constant 0 : i32
    return %get3A_1, %c0_i32, %c0_i32_2 : i32, i32, i32
  }
  func.func @transform_39(%arg0: i32, %arg1: memref<1280xi32, #tpu.memory_space<smem>>) -> (i32, i32, i32) {
    %add3A = arith.constant 740 : i32
    %add3A_0 = arith.addi %add3A, %arg0 : i32
    %get3A = arith.index_cast %add3A_0 : i32 to index
    %get3A_1 = memref.load %arg1[%get3A] : memref<1280xi32, #tpu.memory_space<smem>>
    %c0_i32 = arith.constant 0 : i32
    %c0_i32_2 = arith.constant 0 : i32
    %c0_i32_3 = arith.constant 0 : i32
    return %get3A_1, %c0_i32, %c0_i32_2 : i32, i32, i32
  }
  func.func @transform_40(%arg0: i32, %arg1: memref<1280xi32, #tpu.memory_space<smem>>) -> (i32, i32, i32) {
    %add3A = arith.constant 760 : i32
    %add3A_0 = arith.addi %add3A, %arg0 : i32
    %get3A = arith.index_cast %add3A_0 : i32 to index
    %get3A_1 = memref.load %arg1[%get3A] : memref<1280xi32, #tpu.memory_space<smem>>
    %c0_i32 = arith.constant 0 : i32
    %c0_i32_2 = arith.constant 0 : i32
    %c0_i32_3 = arith.constant 0 : i32
    return %get3A_1, %c0_i32, %c0_i32_2 : i32, i32, i32
  }
  func.func @transform_41(%arg0: i32, %arg1: memref<1280xi32, #tpu.memory_space<smem>>) -> (i32, i32, i32) {
    %add3A = arith.constant 780 : i32
    %add3A_0 = arith.addi %add3A, %arg0 : i32
    %get3A = arith.index_cast %add3A_0 : i32 to index
    %get3A_1 = memref.load %arg1[%get3A] : memref<1280xi32, #tpu.memory_space<smem>>
    %c0_i32 = arith.constant 0 : i32
    %c0_i32_2 = arith.constant 0 : i32
    %c0_i32_3 = arith.constant 0 : i32
    return %get3A_1, %c0_i32, %c0_i32_2 : i32, i32, i32
  }
  func.func @transform_42(%arg0: i32, %arg1: memref<1280xi32, #tpu.memory_space<smem>>) -> (i32, i32, i32) {
    %add3A = arith.constant 800 : i32
    %add3A_0 = arith.addi %add3A, %arg0 : i32
    %get3A = arith.index_cast %add3A_0 : i32 to index
    %get3A_1 = memref.load %arg1[%get3A] : memref<1280xi32, #tpu.memory_space<smem>>
    %c0_i32 = arith.constant 0 : i32
    %c0_i32_2 = arith.constant 0 : i32
    %c0_i32_3 = arith.constant 0 : i32
    return %get3A_1, %c0_i32, %c0_i32_2 : i32, i32, i32
  }
  func.func @transform_43(%arg0: i32, %arg1: memref<1280xi32, #tpu.memory_space<smem>>) -> (i32, i32, i32) {
    %add3A = arith.constant 820 : i32
    %add3A_0 = arith.addi %add3A, %arg0 : i32
    %get3A = arith.index_cast %add3A_0 : i32 to index
    %get3A_1 = memref.load %arg1[%get3A] : memref<1280xi32, #tpu.memory_space<smem>>
    %c0_i32 = arith.constant 0 : i32
    %c0_i32_2 = arith.constant 0 : i32
    %c0_i32_3 = arith.constant 0 : i32
    return %get3A_1, %c0_i32, %c0_i32_2 : i32, i32, i32
  }
  func.func @transform_44(%arg0: i32, %arg1: memref<1280xi32, #tpu.memory_space<smem>>) -> (i32, i32, i32) {
    %add3A = arith.constant 840 : i32
    %add3A_0 = arith.addi %add3A, %arg0 : i32
    %get3A = arith.index_cast %add3A_0 : i32 to index
    %get3A_1 = memref.load %arg1[%get3A] : memref<1280xi32, #tpu.memory_space<smem>>
    %c0_i32 = arith.constant 0 : i32
    %c0_i32_2 = arith.constant 0 : i32
    %c0_i32_3 = arith.constant 0 : i32
    return %get3A_1, %c0_i32, %c0_i32_2 : i32, i32, i32
  }
  func.func @transform_45(%arg0: i32, %arg1: memref<1280xi32, #tpu.memory_space<smem>>) -> (i32, i32, i32) {
    %add3A = arith.constant 860 : i32
    %add3A_0 = arith.addi %add3A, %arg0 : i32
    %get3A = arith.index_cast %add3A_0 : i32 to index
    %get3A_1 = memref.load %arg1[%get3A] : memref<1280xi32, #tpu.memory_space<smem>>
    %c0_i32 = arith.constant 0 : i32
    %c0_i32_2 = arith.constant 0 : i32
    %c0_i32_3 = arith.constant 0 : i32
    return %get3A_1, %c0_i32, %c0_i32_2 : i32, i32, i32
  }
  func.func @transform_46(%arg0: i32, %arg1: memref<1280xi32, #tpu.memory_space<smem>>) -> (i32, i32, i32) {
    %add3A = arith.constant 880 : i32
    %add3A_0 = arith.addi %add3A, %arg0 : i32
    %get3A = arith.index_cast %add3A_0 : i32 to index
    %get3A_1 = memref.load %arg1[%get3A] : memref<1280xi32, #tpu.memory_space<smem>>
    %c0_i32 = arith.constant 0 : i32
    %c0_i32_2 = arith.constant 0 : i32
    %c0_i32_3 = arith.constant 0 : i32
    return %get3A_1, %c0_i32, %c0_i32_2 : i32, i32, i32
  }
  func.func @transform_47(%arg0: i32, %arg1: memref<1280xi32, #tpu.memory_space<smem>>) -> (i32, i32, i32) {
    %add3A = arith.constant 900 : i32
    %add3A_0 = arith.addi %add3A, %arg0 : i32
    %get3A = arith.index_cast %add3A_0 : i32 to index
    %get3A_1 = memref.load %arg1[%get3A] : memref<1280xi32, #tpu.memory_space<smem>>
    %c0_i32 = arith.constant 0 : i32
    %c0_i32_2 = arith.constant 0 : i32
    %c0_i32_3 = arith.constant 0 : i32
    return %get3A_1, %c0_i32, %c0_i32_2 : i32, i32, i32
  }
  func.func @transform_48(%arg0: i32, %arg1: memref<1280xi32, #tpu.memory_space<smem>>) -> (i32, i32, i32) {
    %add3A = arith.constant 920 : i32
    %add3A_0 = arith.addi %add3A, %arg0 : i32
    %get3A = arith.index_cast %add3A_0 : i32 to index
    %get3A_1 = memref.load %arg1[%get3A] : memref<1280xi32, #tpu.memory_space<smem>>
    %c0_i32 = arith.constant 0 : i32
    %c0_i32_2 = arith.constant 0 : i32
    %c0_i32_3 = arith.constant 0 : i32
    return %get3A_1, %c0_i32, %c0_i32_2 : i32, i32, i32
  }
  func.func @transform_49(%arg0: i32, %arg1: memref<1280xi32, #tpu.memory_space<smem>>) -> (i32, i32, i32) {
    %add3A = arith.constant 940 : i32
    %add3A_0 = arith.addi %add3A, %arg0 : i32
    %get3A = arith.index_cast %add3A_0 : i32 to index
    %get3A_1 = memref.load %arg1[%get3A] : memref<1280xi32, #tpu.memory_space<smem>>
    %c0_i32 = arith.constant 0 : i32
    %c0_i32_2 = arith.constant 0 : i32
    %c0_i32_3 = arith.constant 0 : i32
    return %get3A_1, %c0_i32, %c0_i32_2 : i32, i32, i32
  }
  func.func @transform_50(%arg0: i32, %arg1: memref<1280xi32, #tpu.memory_space<smem>>) -> (i32, i32, i32) {
    %add3A = arith.constant 960 : i32
    %add3A_0 = arith.addi %add3A, %arg0 : i32
    %get3A = arith.index_cast %add3A_0 : i32 to index
    %get3A_1 = memref.load %arg1[%get3A] : memref<1280xi32, #tpu.memory_space<smem>>
    %c0_i32 = arith.constant 0 : i32
    %c0_i32_2 = arith.constant 0 : i32
    %c0_i32_3 = arith.constant 0 : i32
    return %get3A_1, %c0_i32, %c0_i32_2 : i32, i32, i32
  }
  func.func @transform_51(%arg0: i32, %arg1: memref<1280xi32, #tpu.memory_space<smem>>) -> (i32, i32, i32) {
    %add3A = arith.constant 980 : i32
    %add3A_0 = arith.addi %add3A, %arg0 : i32
    %get3A = arith.index_cast %add3A_0 : i32 to index
    %get3A_1 = memref.load %arg1[%get3A] : memref<1280xi32, #tpu.memory_space<smem>>
    %c0_i32 = arith.constant 0 : i32
    %c0_i32_2 = arith.constant 0 : i32
    %c0_i32_3 = arith.constant 0 : i32
    return %get3A_1, %c0_i32, %c0_i32_2 : i32, i32, i32
  }
  func.func @transform_52(%arg0: i32, %arg1: memref<1280xi32, #tpu.memory_space<smem>>) -> (i32, i32, i32) {
    %add3A = arith.constant 1000 : i32
    %add3A_0 = arith.addi %add3A, %arg0 : i32
    %get3A = arith.index_cast %add3A_0 : i32 to index
    %get3A_1 = memref.load %arg1[%get3A] : memref<1280xi32, #tpu.memory_space<smem>>
    %c0_i32 = arith.constant 0 : i32
    %c0_i32_2 = arith.constant 0 : i32
    %c0_i32_3 = arith.constant 0 : i32
    return %get3A_1, %c0_i32, %c0_i32_2 : i32, i32, i32
  }
  func.func @transform_53(%arg0: i32, %arg1: memref<1280xi32, #tpu.memory_space<smem>>) -> (i32, i32, i32) {
    %add3A = arith.constant 1020 : i32
    %add3A_0 = arith.addi %add3A, %arg0 : i32
    %get3A = arith.index_cast %add3A_0 : i32 to index
    %get3A_1 = memref.load %arg1[%get3A] : memref<1280xi32, #tpu.memory_space<smem>>
    %c0_i32 = arith.constant 0 : i32
    %c0_i32_2 = arith.constant 0 : i32
    %c0_i32_3 = arith.constant 0 : i32
    return %get3A_1, %c0_i32, %c0_i32_2 : i32, i32, i32
  }
  func.func @transform_54(%arg0: i32, %arg1: memref<1280xi32, #tpu.memory_space<smem>>) -> (i32, i32, i32) {
    %add3A = arith.constant 1040 : i32
    %add3A_0 = arith.addi %add3A, %arg0 : i32
    %get3A = arith.index_cast %add3A_0 : i32 to index
    %get3A_1 = memref.load %arg1[%get3A] : memref<1280xi32, #tpu.memory_space<smem>>
    %c0_i32 = arith.constant 0 : i32
    %c0_i32_2 = arith.constant 0 : i32
    %c0_i32_3 = arith.constant 0 : i32
    return %get3A_1, %c0_i32, %c0_i32_2 : i32, i32, i32
  }
  func.func @transform_55(%arg0: i32, %arg1: memref<1280xi32, #tpu.memory_space<smem>>) -> (i32, i32, i32) {
    %add3A = arith.constant 1060 : i32
    %add3A_0 = arith.addi %add3A, %arg0 : i32
    %get3A = arith.index_cast %add3A_0 : i32 to index
    %get3A_1 = memref.load %arg1[%get3A] : memref<1280xi32, #tpu.memory_space<smem>>
    %c0_i32 = arith.constant 0 : i32
    %c0_i32_2 = arith.constant 0 : i32
    %c0_i32_3 = arith.constant 0 : i32
    return %get3A_1, %c0_i32, %c0_i32_2 : i32, i32, i32
  }
  func.func @transform_56(%arg0: i32, %arg1: memref<1280xi32, #tpu.memory_space<smem>>) -> (i32, i32, i32) {
    %add3A = arith.constant 1080 : i32
    %add3A_0 = arith.addi %add3A, %arg0 : i32
    %get3A = arith.index_cast %add3A_0 : i32 to index
    %get3A_1 = memref.load %arg1[%get3A] : memref<1280xi32, #tpu.memory_space<smem>>
    %c0_i32 = arith.constant 0 : i32
    %c0_i32_2 = arith.constant 0 : i32
    %c0_i32_3 = arith.constant 0 : i32
    return %get3A_1, %c0_i32, %c0_i32_2 : i32, i32, i32
  }
  func.func @transform_57(%arg0: i32, %arg1: memref<1280xi32, #tpu.memory_space<smem>>) -> (i32, i32, i32) {
    %add3A = arith.constant 1100 : i32
    %add3A_0 = arith.addi %add3A, %arg0 : i32
    %get3A = arith.index_cast %add3A_0 : i32 to index
    %get3A_1 = memref.load %arg1[%get3A] : memref<1280xi32, #tpu.memory_space<smem>>
    %c0_i32 = arith.constant 0 : i32
    %c0_i32_2 = arith.constant 0 : i32
    %c0_i32_3 = arith.constant 0 : i32
    return %get3A_1, %c0_i32, %c0_i32_2 : i32, i32, i32
  }
  func.func @transform_58(%arg0: i32, %arg1: memref<1280xi32, #tpu.memory_space<smem>>) -> (i32, i32, i32) {
    %add3A = arith.constant 1120 : i32
    %add3A_0 = arith.addi %add3A, %arg0 : i32
    %get3A = arith.index_cast %add3A_0 : i32 to index
    %get3A_1 = memref.load %arg1[%get3A] : memref<1280xi32, #tpu.memory_space<smem>>
    %c0_i32 = arith.constant 0 : i32
    %c0_i32_2 = arith.constant 0 : i32
    %c0_i32_3 = arith.constant 0 : i32
    return %get3A_1, %c0_i32, %c0_i32_2 : i32, i32, i32
  }
  func.func @transform_59(%arg0: i32, %arg1: memref<1280xi32, #tpu.memory_space<smem>>) -> (i32, i32, i32) {
    %add3A = arith.constant 1140 : i32
    %add3A_0 = arith.addi %add3A, %arg0 : i32
    %get3A = arith.index_cast %add3A_0 : i32 to index
    %get3A_1 = memref.load %arg1[%get3A] : memref<1280xi32, #tpu.memory_space<smem>>
    %c0_i32 = arith.constant 0 : i32
    %c0_i32_2 = arith.constant 0 : i32
    %c0_i32_3 = arith.constant 0 : i32
    return %get3A_1, %c0_i32, %c0_i32_2 : i32, i32, i32
  }
  func.func @transform_60(%arg0: i32, %arg1: memref<1280xi32, #tpu.memory_space<smem>>) -> (i32, i32, i32) {
    %add3A = arith.constant 1160 : i32
    %add3A_0 = arith.addi %add3A, %arg0 : i32
    %get3A = arith.index_cast %add3A_0 : i32 to index
    %get3A_1 = memref.load %arg1[%get3A] : memref<1280xi32, #tpu.memory_space<smem>>
    %c0_i32 = arith.constant 0 : i32
    %c0_i32_2 = arith.constant 0 : i32
    %c0_i32_3 = arith.constant 0 : i32
    return %get3A_1, %c0_i32, %c0_i32_2 : i32, i32, i32
  }
  func.func @transform_61(%arg0: i32, %arg1: memref<1280xi32, #tpu.memory_space<smem>>) -> (i32, i32, i32) {
    %add3A = arith.constant 1180 : i32
    %add3A_0 = arith.addi %add3A, %arg0 : i32
    %get3A = arith.index_cast %add3A_0 : i32 to index
    %get3A_1 = memref.load %arg1[%get3A] : memref<1280xi32, #tpu.memory_space<smem>>
    %c0_i32 = arith.constant 0 : i32
    %c0_i32_2 = arith.constant 0 : i32
    %c0_i32_3 = arith.constant 0 : i32
    return %get3A_1, %c0_i32, %c0_i32_2 : i32, i32, i32
  }
  func.func @transform_62(%arg0: i32, %arg1: memref<1280xi32, #tpu.memory_space<smem>>) -> (i32, i32, i32) {
    %add3A = arith.constant 1200 : i32
    %add3A_0 = arith.addi %add3A, %arg0 : i32
    %get3A = arith.index_cast %add3A_0 : i32 to index
    %get3A_1 = memref.load %arg1[%get3A] : memref<1280xi32, #tpu.memory_space<smem>>
    %c0_i32 = arith.constant 0 : i32
    %c0_i32_2 = arith.constant 0 : i32
    %c0_i32_3 = arith.constant 0 : i32
    return %get3A_1, %c0_i32, %c0_i32_2 : i32, i32, i32
  }
  func.func @transform_63(%arg0: i32, %arg1: memref<1280xi32, #tpu.memory_space<smem>>) -> (i32, i32, i32) {
    %add3A = arith.constant 1220 : i32
    %add3A_0 = arith.addi %add3A, %arg0 : i32
    %get3A = arith.index_cast %add3A_0 : i32 to index
    %get3A_1 = memref.load %arg1[%get3A] : memref<1280xi32, #tpu.memory_space<smem>>
    %c0_i32 = arith.constant 0 : i32
    %c0_i32_2 = arith.constant 0 : i32
    %c0_i32_3 = arith.constant 0 : i32
    return %get3A_1, %c0_i32, %c0_i32_2 : i32, i32, i32
  }
  func.func @transform_64(%arg0: i32, %arg1: memref<1280xi32, #tpu.memory_space<smem>>) -> (i32, i32, i32) {
    %add3A = arith.constant 1240 : i32
    %add3A_0 = arith.addi %add3A, %arg0 : i32
    %get3A = arith.index_cast %add3A_0 : i32 to index
    %get3A_1 = memref.load %arg1[%get3A] : memref<1280xi32, #tpu.memory_space<smem>>
    %c0_i32 = arith.constant 0 : i32
    %c0_i32_2 = arith.constant 0 : i32
    %c0_i32_3 = arith.constant 0 : i32
    return %get3A_1, %c0_i32, %c0_i32_2 : i32, i32, i32
  }
  func.func @transform_65(%arg0: i32, %arg1: memref<1280xi32, #tpu.memory_space<smem>>) -> (i32, i32, i32) {
    %add3A = arith.constant 1260 : i32
    %add3A_0 = arith.addi %add3A, %arg0 : i32
    %get3A = arith.index_cast %add3A_0 : i32 to index
    %get3A_1 = memref.load %arg1[%get3A] : memref<1280xi32, #tpu.memory_space<smem>>
    %c0_i32 = arith.constant 0 : i32
    %c0_i32_2 = arith.constant 0 : i32
    %c0_i32_3 = arith.constant 0 : i32
    return %get3A_1, %c0_i32, %c0_i32_2 : i32, i32, i32
  }
  func.func @transform_66(%arg0: i32, %arg1: memref<1280xi32, #tpu.memory_space<smem>>) -> (i32, i32, i32, i32) {
    %c0_i32 = arith.constant 0 : i32
    %c0_i32_0 = arith.constant 0 : i32
    %c0_i32_1 = arith.constant 0 : i32
    %c0_i32_2 = arith.constant 0 : i32
    return %c0_i32, %arg0, %c0_i32_0, %c0_i32_1 : i32, i32, i32, i32
  }
}

</mosaic_0001>

<sc_bundles>
// kernel: kernel.5.cloned.1.call-start
scs
__scs_entry_jumppad:
0x0: {  	(pc) =	sbr.rel $0x88, $3  }
0x1: {  	(tag) =	ssettag $0x0;
	lr =	simm.s32 $0x1  }
0x2: {  	[smem:$0x3F9D] =	sst lr;
	_ =	strace $0xD0000000  }
0x3: {  	_ = 	snop  }
0x4: {  	_ = 	snop  }
0x5: {  	_ = 	snop  }
0x6: {  	_ = 	snop  }
0x7: {  	_ = 	snop  }
__scs_overlays_trampoline_lowered:
0x8: {  	[smem:$0x3FAC] =	sst s0  }
0x9: {  	[smem:$0x3FAD] =	sst s1  }
0xa: {  	[smem:$0x3FAE] =	sst s2  }
0xb: {  	[smem:$0x3FAF] =	sst s3  }
0xc: {  	[smem:$0x3FB0] =	sst s4  }
0xd: {  	[smem:$0x3FB1] =	sst s5  }
0xe: {  	[smem:$0x3FB2] =	sst s6  }
0xf: {  	[smem:$0x3FB3] =	sst s7  }
0x10: {  	[smem:$0x3FB4] =	sst s8  }
0x11: {  	[smem:$0x3FB5] =	sst s9;
	s0 =	simm.s32 @!p0 $0x0  }
0x12: {  	s1 =	sld [smem:$0x3F9B];
	s0 =	simm.s32 @p0 $0x1  }
0x13: {  	[smem:$0x3FB6] =	sst s0;
	s0 =	simm.s32 @!p1 $0x0  }
0x14: {  	s2 =	sld [smem:$0x3F9A];
	s0 =	simm.s32 @p1 $0x1  }
0x15: {  	[smem:$0x3FB7] =	sst s0;
	s0 =	simm.s32 @!p2 $0x0  }
0x16: {  	s3 =	sld [smem:$0x3FDB];
	s0 =	simm.s32 @p2 $0x1  }
0x17: {  	s4 =	simm.s32 $0x1BF5;
	[smem:$0x3FB9] =	sst s0  }
0x18: {  	s0 =	sld [smem:$0x3F9C];
	_ =	swait.ge [sflag:s4], $0x0  }
0x19: {  	s7 =	sld [smem:$0x3F9D]  }
0x1a: {  	s8 =	sadd.s32 $0xFFFFE003, lr  }
0x1b: {  	s9 =	sadd.s32 $0xFFFFFEF7, lr;
	s5 =	simm.s32 $0xFFFFFFFF;
	p2 =	slt.u32 s8, $0xFFFFF086  }
0x1c: {  	p1 =	slt.u32 s9, $0xF7A;
	s5 =	simm.s32 @!p2 $0x0  }
0x1d: {  	s5 =	simm.s32 @p1 $0x1;
	p0 =	seq.s32 s7, s2  }
0x1e: {  	s7 =	smul.u32 @!p0 $0xF7A, s2;
	p2 =	seq.s32 @!p0 s5, $0x0  }
0x1f: {  	s9 =	smul.u32 $0xF7A, s1;
	s8 =	simm.s32 @!p0 $0x1BF5;
	p2 =	por !p2, p0  }
0x20: {  	[sflag:s8] =	ssyncset.s32 @!p0 $0xFFFFF086;
	s6 =	sadd.s32 @!p0 s3, s7;
	s7 =	simm.s32 @!p0 $0x108  }
0x21: {  	s3 =	sadd.s32 s3, s9;
	s6 =	sadd.s32 @!p0 $0x88, s6;
	s7 =	simm.s32 @p2 $0x1082  }
0x22: {  	[simem:s7], [sflag:s8] =	dma.local @!p0 [hbm:s6], $0xF7A  }
0x23: {  	s9 =	sor.u32 $0xD0000000, s2;
	s6 =	simm.s32 $0x108;
	_ =	swait.ge @!p0 [sflag:s8], $0x0  }
0x24: {  	s3 =	sadd.s32 $0x88, s3;
	s6 =	simm.s32 @!p1 $0x1082;
	[sflag:s4] =	ssyncset.s32 $0xFFFFF086  }
0x25: {  	[simem:s6], [sflag:s4] =	dma.local [hbm:s3], $0xF7A  }
0x26: {  	[smem:$0x3F9D] =	sst s1;
	(tag) =	ssettag s2;
	_ =	strace s9  }
0x27: {  	s1 =	sld [smem:$0x3FAD]  }
0x28: {  	s2 =	sld [smem:$0x3FAE]  }
0x29: {  	s4 =	sld [smem:$0x3FB0]  }
0x2a: {  	p0 =	seq.s32 s5, $0x0;
	s5 =	sld [smem:$0x3FB1]  }
0x2b: {  	s6 =	sld [smem:$0x3FB2]  }
0x2c: {  	s7 =	sld [smem:$0x3FB3]  }
0x2d: {  	s3 =	simm.s32 $0x108;
	s8 =	sld [smem:$0x3FB4]  }
0x2e: {  	s3 =	simm.s32 @!p0 $0x1082;
	s9 =	sld [smem:$0x3FB5]  }
0x2f: {  	lr =	sadd.s32 s0, s3;
	s0 =	sld [smem:$0x3FAC]  }
0x30: {  	s3 =	sld [smem:$0x3FAF]  }
0x31: {  	[smem:$0x3FB8] =	sst s10  }
0x32: {  	s10 =	sld [smem:$0x3FB6];
	_ =	sdelay $0x3  }
0x33: {  	p0 =	seq.s32 s10, $0x1;
	s10 =	sld [smem:$0x3FB8];
	_ =	sdelay $0x3  }
0x34: {  	[smem:$0x3FB8] =	sst s10  }
0x35: {  	s10 =	sld [smem:$0x3FB7];
	_ =	sdelay $0x3  }
0x36: {  	p1 =	seq.s32 s10, $0x1;
	s10 =	sld [smem:$0x3FB8];
	_ =	sdelay $0x3  }
0x37: {  	[smem:$0x3FB8] =	sst s10  }
0x38: {  	s10 =	sld [smem:$0x3FB9]  }
0x39: {  	_ = 	snop;
	(pc) =	sbr.ind lr, $3  }
0x3a: {  	_ = 	snop  }
0x3b: {  	_ = 	snop  }
0x3c: {  	p2 =	seq.s32 s10, $0x1;
	s10 =	sld [smem:$0x3FB8]  }
0x3d: {  	_ =	shalt  }
0x3e: {  	_ =	shalt  }
0x3f: {  	_ =	shalt  }
0x40: {  	_ =	shalt  }
0x41: {  	_ =	shalt  }
0x42: {  	_ =	shalt  }
0x43: {  	_ =	shalt  }
0x44: {  	_ =	shalt  }
0x45: {  	_ =	shalt  }
0x46: {  	_ =	shalt  }
0x47: {  	_ =	shalt  }
0x48: {  	_ =	shalt  }
0x49: {  	_ =	shalt  }
0x4a: {  	_ =	shalt  }
0x4b: {  	_ =	shalt  }
0x4c: {  	_ =	shalt  }
0x4d: {  	_ =	shalt  }
0x4e: {  	_ =	shalt  }
0x4f: {  	_ =	shalt  }
0x50: {  	_ =	shalt  }
0x51: {  	_ =	shalt  }
0x52: {  	_ =	shalt  }
0x53: {  	_ =	shalt  }
0x54: {  	_ =	shalt  }
0x55: {  	_ =	shalt  }
0x56: {  	_ =	shalt  }
0x57: {  	_ =	shalt  }
0x58: {  	_ =	shalt  }
0x59: {  	_ =	shalt  }
0x5a: {  	_ =	shalt  }
0x5b: {  	_ =	shalt  }
0x5c: {  	_ =	shalt  }
0x5d: {  	_ =	shalt  }
0x5e: {  	_ =	shalt  }
0x5f: {  	_ =	shalt  }
0x60: {  	_ =	shalt  }
0x61: {  	_ =	shalt  }
0x62: {  	_ =	shalt  }
0x63: {  	_ =	shalt  }
0x64: {  	_ =	shalt  }
0x65: {  	_ =	shalt  }
0x66: {  	_ =	shalt  }
0x67: {  	_ =	shalt  }
0x68: {  	_ =	shalt  }
0x69: {  	_ =	shalt  }
0x6a: {  	_ =	shalt  }
0x6b: {  	_ =	shalt  }
0x6c: {  	_ =	shalt  }
0x6d: {  	_ =	shalt  }
0x6e: {  	_ =	shalt  }
0x6f: {  	_ =	shalt  }
0x70: {  	_ =	shalt  }
0x71: {  	_ =	shalt  }
0x72: {  	_ =	shalt  }
0x73: {  	_ =	shalt  }
0x74: {  	_ =	shalt  }
0x75: {  	_ =	shalt  }
0x76: {  	_ =	shalt  }
0x77: {  	_ =	shalt  }
0x78: {  	_ =	shalt  }
0x79: {  	_ =	shalt  }
0x7a: {  	_ =	shalt  }
0x7b: {  	_ =	shalt  }
0x7c: {  	_ =	shalt  }
0x7d: {  	_ =	shalt  }
0x7e: {  	_ =	shalt  }
0x7f: {  	_ =	shalt  }
0x80: {  	_ =	shalt  }
0x81: {  	_ =	shalt  }
0x82: {  	_ =	shalt  }
0x83: {  	_ =	shalt  }
0x84: {  	_ =	shalt  }
0x85: {  	_ =	shalt  }
0x86: {  	_ =	shalt  }
0x87: {  	_ =	shalt  }
.Lfunc_end0:
.L_simem_size_0:
called_computation_lowered:
.L_overlay_start_0:
0x88: {  	s2 =	sld [smem:$0x3FD9]  }
0x89: {  	s3 =	sld [smem:$0x3FFE];
	_ =	sdelay $0x1  }
0x8a: {  	s1 =	srdreg.scid  }
0x8b: {  	s0 =	sand.u32 $0x1, s1  }
0x8c: {  	s17 =	sshll.u32 s0, $0xA;
	s2 =	sadd.s32 s3, s2  }
0x8d: {  	s2 =	sadd.s32 s2, s17  }
0x8e: {  	[smem:$0x3FC4] =	sst s2  }
0x8f: {  	_ = 	snop  }
0x90: {  	s2 =	sld [smem:$0x3FC9];
	(tm) =	ssettm $0x1  }
0x91: {  	s18 =	sld [smem:$0x3FFB];
	_ =	sdelay $0x3  }
0x92: {  	_ =	strace s18  }
0x93: {  	s3 =	sld [smem:$0x3FFC];
	_ =	sdelay $0x3  }
0x94: {  	_ =	strace s3  }
0x95: {  	s3 =	sld [smem:$0x3FFD];
	_ =	sdelay $0x3  }
0x96: {  	_ =	strace s3  }
0x97: {  	_ =	strace $0x8FFFFFFF  }
0x98: {  	s19 =	sld [smem:$0x3FDB];
	_ =	sdelay $0x1  }
0x99: {  	s4 =	simm.s32 $_scs_section_size  }
0x9a: {  	s5 =	simm.s32 $_size__tile_overlayer_lowered;
	s6 =	simm.s32 $_tile_overlayer_lowered  }
0x9b: {  	s22 =	simm.s32 $0x1BFF;
	s21 =	sshll.u32 s6, $0x1;
	s3 =	sadd.s32 s4, s19  }
0x9c: {  	s7 =	simm.s32 $0x0;
	s20 =	sshll.u32 s5, $0x1;
	s5 =	sadd.s32 s21, s3  }
0x9d: {  	[timem:s7], [sflag:s22] =	dma.local [hbm:s5], s20  }
0x9e: {  	_ =	swait.ge [sflag:s22], s20  }
0x9f: {  	s4 =	ssub.s32 $0x0, s20;
	[sflag:s22] =	ssyncset.done $0x0  }
0xa0: {  	[sflag:s22] =	ssyncadd.s32 s4;
	_ =	sdelay $0x1  }
0xa1: {  	s23 =	simm.s32 $0x1B8B  }
0xa2: {  	_ =	swait.ge [sflag:s23], $0x1  }
0xa3: {  	[sflag:s23] =	ssyncset.done $0x0  }
0xa4: {  	s25 =	simm.s32 $0x1B8E;
	s24 =	sld [smem:$0x3FFE];
	[sflag:s23] =	ssyncadd.s32 $0xFFFFFFFF  }
0xa5: {  	s26 =	simm.s32 $execute0_lowered;
	[smem:$0x3FD2] =	sst s25  }
0xa6: {  	s5 =	sshll.u32 s26, $0x1;
	_ =	strace $0x80000046;
	[dreg:$0x1] =	wrdreg $0xFFFFFFFF  }
0xa7: {  	s28 =	simm.s32 $_size_execute0_lowered;
	s3 =	sadd.s32 s3, s5;
	[dreg:$0x0] =	wrdreg $0x0  }
0xa8: {  	s5 =	sshll.u32 s28, $0x1;
	[dreg:$0x2] =	wrdreg s3  }
0xa9: {  	[dreg:$0x3] =	wrdreg s5  }
0xaa: {  	[dreg:$0x4] =	wrdreg $0xC0  }
0xab: {  	_ =	task [dreg:s7], $0x5FFFF  }
0xac: {  	[dreg:$0x1] =	wrdreg $0xFFFFFFFF  }
0xad: {  	[dreg:$0x0] =	wrdreg $0x60  }
0xae: {  	[dreg:$0x2] =	wrdreg s2  }
0xaf: {  	[dreg:$0x3] =	wrdreg s24  }
0xb0: {  	[dreg:$0x4] =	wrdreg $0x9  }
0xb1: {  	_ =	task.clear_ibuf [dreg:s7], $0x5FFFF;
	_ =	strace $0x90000046  }
0xb2: {  	s29 =	simm.s32 $0x9;
	_ =	strace $0x80000048  }
0xb3: {  	_ =	swait.ge [sflag:s29], $0x1  }
0xb4: {  	[sflag:s29] =	ssyncadd.s32 $0xFFFFFFFF  }
0xb5: {  	_ =	strace $0x90000048  }
0xb6: {  	_ =	sfence  }
0xb7: {  	s30 =	sld [smem:$0x0];
	_ =	sdelay $0x2  }
0xb8: {  	s31 =	sshll.u32 s1, $0xD;
	s1 =	sshrl.u32 s1, $0x2  }
0xb9: {  	s3 =	sand.u32 $0x4000, s31;
	s1 =	sadd.s32 s1, s30  }
0xba: {  	s0 =	sor.u32 s3, s0;
	s1 =	sshll.u32 s1, $0x11  }
0xbb: {  	s0 =	sor.u32 s1, s0  }
0xbc: {  	s0 =	sadd.s32 $0x8F2B, s0  }
0xbd: {  	[sflag:s0] =	ssyncadd.remote.s32 $0x1  }
0xbe: {  	_ =	sfence.sel $0xFFFF  }
0xbf: {  	[dreg:$0x0] =	wrdreg $0xFFFFFFFF;
	(pc) =	sbr.abs _section_cstart, $3  }
0xc0: {  	[dreg:$0x1] =	wrdreg $0xFFFFFFFF  }
0xc1: {  	_ =	task.clear_ibuf [dreg:s7], $0x2FFFF;
	_ =	strace $0x9FFFFFFF  }
0xc2: {  	(tm) =	ssettm $0x7FFFFFFF  }
0xc3: {  	_ =	shalt  }
tec
execute0_lowered:
.L_overlay_start_1:
0x0: {  	(tag) =	ssettag $0x1  }
0x1: {  	s2 =	rddreg [dreg:$0x0]  }
0x2: {  	s10 =	rddreg [dreg:$0x1];
	s3 =	srdreg.scid  }
0x3: {  	s0 =	rddreg [dreg:$0x2];
	s1 =	stileid.u32;
	s8 =	sand.u32 $0x1, s3  }
0x4: {  	s3 =	simm.s32 $0x0;
	s4 =	sshll.u32 s1, $0x5;
	s5 =	sshll.u32 s8, $0x4  }
0x5: {  	[smem:$0x7FF] =	sst s3;
	s4 =	sor.u32 s5, s4  }
0x6: {  	_ =	strace $0x80000047;
	s5 =	simm.s32 $0x2;
	s4 =	sadd.s32 s10, s4  }
0x7: {  	[tilespmem:s3], [sflag:$0x2] =	stream.linear.gather [hbm4b:s4+s3], $0x80, $0x38;
	[tilespmem:$0x4100] =	vst v63  }
0x8: {  	_ =	swait.ge [sflag:s5], $0x80  }
0x9: {  	s7 =	simm.s32 $0x80;
	[sflag:s5] =	ssyncset.done $0x0  }
0xa: {  	s11 =	ssub.s32 $0x2, s8;
	s6 =	sadd.s32 $0x200, s4;
	[sflag:s5] =	ssyncadd.s32 $0xFFFFFF80  }
0xb: {  	[tilespmem:s7], [sflag:$0x2] =	stream.linear.gather [hbm4b:s6+s3], $0x80, $0x38;
	[tilespmem:$0x4100] =	vst v63  }
0xc: {  	s12 =	sshrl.u32 s11, $0x1;
	_ =	swait.ge [sflag:s5], $0x80  }
0xd: {  	s9 =	simm.s32 $0x100;
	s11 =	ssub.s32 s11, s12;
	[sflag:s5] =	ssyncset.done $0x0  }
0xe: {  	s8 =	simm.s32 $0x1;
	s11 =	smax.u32 s11, $0x1;
	[sflag:s5] =	ssyncadd.s32 $0xFFFFFF80  }
0xf: {  	[tilespmem:s9], [sflag:$0x1] =	stream.indirect.gather [hbm4b:s2+s7], $0x80, s3, s7, $0xb8;
	[tilespmem:$0x4100] =	vst v63  }
0x10: {  	p0 =	sne.s32 s11, $0x1;
	_ =	swait.ge [sflag:s8], $0x4000  }
.Ltmp0:
0x11: {  	[sflag:s8] =	ssyncset.done $0x0;
	(pc) =	sbr.rel @!p0 .LBB2_2-.Ltmp0, $4  }
0x12: {  	s10 =	sadd.s32 $0x400, s10;
	[sflag:s8] =	ssyncadd.s32 $0xFFFFC000  }
0x13: {  	[hbm4b:s10+s7] =	stream.indirect.scatter [tilespmem:s9], [sflag:$0x1], $0x80, s7, s7, $0xb8;
	[tilespmem:$0x4100] =	vst v63  }
0x14: {  	_ =	swait.ge [sflag:s8], $0x4000  }
0x15: {  	s11 =	sadd.s32 $0xFFFFFFFF, s11;
	[sflag:s8] =	ssyncset.done $0x0  }
.LBB2_1:
0x16: {  	p0 =	sne.s32 s11, $0x1;
	s11 =	sadd.s32 $0xFFFFFFFF, s11;
	[sflag:s8] =	ssyncadd.s32 $0xFFFFC000  }
0x17: {  	[tilespmem:s3], [sflag:$0x2] =	stream.linear.gather [hbm4b:s4+s3], $0x80, $0x38;
	[tilespmem:$0x4100] =	vst v63  }
0x18: {  	_ =	swait.ge [sflag:s5], $0x80  }
0x19: {  	[sflag:s5] =	ssyncset.done $0x0  }
0x1a: {  	[sflag:s5] =	ssyncadd.s32 $0xFFFFFF80  }
0x1b: {  	[tilespmem:s7], [sflag:$0x2] =	stream.linear.gather [hbm4b:s6+s3], $0x80, $0x38;
	[tilespmem:$0x4100] =	vst v63  }
0x1c: {  	_ =	swait.ge [sflag:s5], $0x80  }
0x1d: {  	[sflag:s5] =	ssyncset.done $0x0  }
0x1e: {  	[sflag:s5] =	ssyncadd.s32 $0xFFFFFF80  }
0x1f: {  	[tilespmem:s9], [sflag:$0x1] =	stream.indirect.gather [hbm4b:s2+s7], $0x80, s3, s7, $0xb8;
	[tilespmem:$0x4100] =	vst v63  }
0x20: {  	_ =	swait.ge [sflag:s8], $0x4000  }
.Ltmp1:
0x21: {  	[sflag:s8] =	ssyncset.done $0x0;
	(pc) =	sbr.rel @p0 .LBB2_1-.Ltmp1, $4  }
0x22: {  	[sflag:s8] =	ssyncadd.s32 $0xFFFFC000  }
0x23: {  	[hbm4b:s10+s7] =	stream.indirect.scatter [tilespmem:s9], [sflag:$0x1], $0x80, s7, s7, $0xb8;
	[tilespmem:$0x4100] =	vst v63  }
0x24: {  	_ =	swait.ge [sflag:s8], $0x4000  }
0x25: {  	[sflag:s8] =	ssyncset.done $0x0  }
.LBB2_2:
0x26: {  	[sflag:s8] =	ssyncadd.s32 $0xFFFFC000  }
0x27: {  	_ =	sfence.sel $0x180000  }
0x28: {  	[bflag:$0x0] =	sbarrier.arrive $0xFFFF  }
0x29: {  	p0 =	sne.s32 s1, $0x0;
	_ =	strace $0x90000047  }
0x2a: {  	s0 =	sadd.s32 @!p0 $0x100000, s0;
	[bflag:$0x2] =	sbarrier.arrive $0xFFFF  }
0x2b: {  	[sflag:s0] =	ssyncadd.tile.s32 @!p0 $0x1;
	_ =	shalt  }
.Lfunc_end2:
_tile_overlayer_lowered:
.L_overlay_start_2:
0x2c: {  	(tag) =	ssettag $0x2  }
0x2d: {  	s0 =	rddreg [dreg:$0x0];
	s2 =	stileid.u32  }
0x2e: {  	s1 =	rddreg [dreg:$0x1];
	p0 =	sne.s32 s2, $0x0  }
0x2f: {  	s3 =	rddreg [dreg:$0x2];
	[bflag:$0x3] =	sbarrier.arrive $0xFFFF;
	s2 =	simm.s32 @!p0 $0x1C02  }
0x30: {  	[timem:s3], [sflag:s2] =	dma.local @!p0 [hbm:s0], s1  }
0x31: {  	s0 =	simm.s32 @!p0 $0x2  }
0x32: {  	_ =	swait.ge @!p0 [sflag:s0], s1  }
0x33: {  	s1 =	ssub.s32 @!p0 $0x0, s1;
	[sflag:s0] =	ssyncset.done @!p0 $0x0  }
0x34: {  	[sflag:s0] =	ssyncadd.s32 @!p0 s1  }
0x35: {  	[bflag:$0x3] =	sbarrier.arrive $0xFFFF  }
0x36: {  	_ =	shalt  }

// kernel: kernel.8.cloned.1.call-start
scs
__scs_entry_jumppad:
0x0: {  	(pc) =	sbr.rel $0x88, $3  }
0x1: {  	(tag) =	ssettag $0x0;
	lr =	simm.s32 $0x1  }
0x2: {  	[smem:$0x3F9D] =	sst lr;
	_ =	strace $0xD0000000  }
0x3: {  	_ = 	snop  }
0x4: {  	_ = 	snop  }
0x5: {  	_ = 	snop  }
0x6: {  	_ = 	snop  }
0x7: {  	_ = 	snop  }
__scs_overlays_trampoline_lowered:
0x8: {  	[smem:$0x3FAC] =	sst s0  }
0x9: {  	[smem:$0x3FAD] =	sst s1  }
0xa: {  	[smem:$0x3FAE] =	sst s2  }
0xb: {  	[smem:$0x3FAF] =	sst s3  }
0xc: {  	[smem:$0x3FB0] =	sst s4  }
0xd: {  	[smem:$0x3FB1] =	sst s5  }
0xe: {  	[smem:$0x3FB2] =	sst s6  }
0xf: {  	[smem:$0x3FB3] =	sst s7  }
0x10: {  	[smem:$0x3FB4] =	sst s8  }
0x11: {  	[smem:$0x3FB5] =	sst s9;
	s0 =	simm.s32 @!p0 $0x0  }
0x12: {  	s1 =	sld [smem:$0x3F9B];
	s0 =	simm.s32 @p0 $0x1  }
0x13: {  	[smem:$0x3FB6] =	sst s0;
	s0 =	simm.s32 @!p1 $0x0  }
0x14: {  	s2 =	sld [smem:$0x3F9A];
	s0 =	simm.s32 @p1 $0x1  }
0x15: {  	[smem:$0x3FB7] =	sst s0;
	s0 =	simm.s32 @!p2 $0x0  }
0x16: {  	s3 =	sld [smem:$0x3FDB];
	s0 =	simm.s32 @p2 $0x1  }
0x17: {  	s4 =	simm.s32 $0x1BF5;
	[smem:$0x3FB9] =	sst s0  }
0x18: {  	s0 =	sld [smem:$0x3F9C];
	_ =	swait.ge [sflag:s4], $0x0  }
0x19: {  	s7 =	sld [smem:$0x3F9D]  }
0x1a: {  	s8 =	sadd.s32 $0xFFFFE003, lr  }
0x1b: {  	s9 =	sadd.s32 $0xFFFFFEF7, lr;
	s5 =	simm.s32 $0xFFFFFFFF;
	p2 =	slt.u32 s8, $0xFFFFF086  }
0x1c: {  	p1 =	slt.u32 s9, $0xF7A;
	s5 =	simm.s32 @!p2 $0x0  }
0x1d: {  	s5 =	simm.s32 @p1 $0x1;
	p0 =	seq.s32 s7, s2  }
0x1e: {  	s7 =	smul.u32 @!p0 $0xF7A, s2;
	p2 =	seq.s32 @!p0 s5, $0x0  }
0x1f: {  	s9 =	smul.u32 $0xF7A, s1;
	s8 =	simm.s32 @!p0 $0x1BF5;
	p2 =	por !p2, p0  }
0x20: {  	[sflag:s8] =	ssyncset.s32 @!p0 $0xFFFFF086;
	s6 =	sadd.s32 @!p0 s3, s7;
	s7 =	simm.s32 @!p0 $0x108  }
0x21: {  	s3 =	sadd.s32 s3, s9;
	s6 =	sadd.s32 @!p0 $0x88, s6;
	s7 =	simm.s32 @p2 $0x1082  }
0x22: {  	[simem:s7], [sflag:s8] =	dma.local @!p0 [hbm:s6], $0xF7A  }
0x23: {  	s9 =	sor.u32 $0xD0000000, s2;
	s6 =	simm.s32 $0x108;
	_ =	swait.ge @!p0 [sflag:s8], $0x0  }
0x24: {  	s3 =	sadd.s32 $0x88, s3;
	s6 =	simm.s32 @!p1 $0x1082;
	[sflag:s4] =	ssyncset.s32 $0xFFFFF086  }
0x25: {  	[simem:s6], [sflag:s4] =	dma.local [hbm:s3], $0xF7A  }
0x26: {  	[smem:$0x3F9D] =	sst s1;
	(tag) =	ssettag s2;
	_ =	strace s9  }
0x27: {  	s1 =	sld [smem:$0x3FAD]  }
0x28: {  	s2 =	sld [smem:$0x3FAE]  }
0x29: {  	s4 =	sld [smem:$0x3FB0]  }
0x2a: {  	p0 =	seq.s32 s5, $0x0;
	s5 =	sld [smem:$0x3FB1]  }
0x2b: {  	s6 =	sld [smem:$0x3FB2]  }
0x2c: {  	s7 =	sld [smem:$0x3FB3]  }
0x2d: {  	s3 =	simm.s32 $0x108;
	s8 =	sld [smem:$0x3FB4]  }
0x2e: {  	s3 =	simm.s32 @!p0 $0x1082;
	s9 =	sld [smem:$0x3FB5]  }
0x2f: {  	lr =	sadd.s32 s0, s3;
	s0 =	sld [smem:$0x3FAC]  }
0x30: {  	s3 =	sld [smem:$0x3FAF]  }
0x31: {  	[smem:$0x3FB8] =	sst s10  }
0x32: {  	s10 =	sld [smem:$0x3FB6];
	_ =	sdelay $0x3  }
0x33: {  	p0 =	seq.s32 s10, $0x1;
	s10 =	sld [smem:$0x3FB8];
	_ =	sdelay $0x3  }
0x34: {  	[smem:$0x3FB8] =	sst s10  }
0x35: {  	s10 =	sld [smem:$0x3FB7];
	_ =	sdelay $0x3  }
0x36: {  	p1 =	seq.s32 s10, $0x1;
	s10 =	sld [smem:$0x3FB8];
	_ =	sdelay $0x3  }
0x37: {  	[smem:$0x3FB8] =	sst s10  }
0x38: {  	s10 =	sld [smem:$0x3FB9]  }
0x39: {  	_ = 	snop;
	(pc) =	sbr.ind lr, $3  }
0x3a: {  	_ = 	snop  }
0x3b: {  	_ = 	snop  }
0x3c: {  	p2 =	seq.s32 s10, $0x1;
	s10 =	sld [smem:$0x3FB8]  }
0x3d: {  	_ =	shalt  }
0x3e: {  	_ =	shalt  }
0x3f: {  	_ =	shalt  }
0x40: {  	_ =	shalt  }
0x41: {  	_ =	shalt  }
0x42: {  	_ =	shalt  }
0x43: {  	_ =	shalt  }
0x44: {  	_ =	shalt  }
0x45: {  	_ =	shalt  }
0x46: {  	_ =	shalt  }
0x47: {  	_ =	shalt  }
0x48: {  	_ =	shalt  }
0x49: {  	_ =	shalt  }
0x4a: {  	_ =	shalt  }
0x4b: {  	_ =	shalt  }
0x4c: {  	_ =	shalt  }
0x4d: {  	_ =	shalt  }
0x4e: {  	_ =	shalt  }
0x4f: {  	_ =	shalt  }
0x50: {  	_ =	shalt  }
0x51: {  	_ =	shalt  }
0x52: {  	_ =	shalt  }
0x53: {  	_ =	shalt  }
0x54: {  	_ =	shalt  }
0x55: {  	_ =	shalt  }
0x56: {  	_ =	shalt  }
0x57: {  	_ =	shalt  }
0x58: {  	_ =	shalt  }
0x59: {  	_ =	shalt  }
0x5a: {  	_ =	shalt  }
0x5b: {  	_ =	shalt  }
0x5c: {  	_ =	shalt  }
0x5d: {  	_ =	shalt  }
0x5e: {  	_ =	shalt  }
0x5f: {  	_ =	shalt  }
0x60: {  	_ =	shalt  }
0x61: {  	_ =	shalt  }
0x62: {  	_ =	shalt  }
0x63: {  	_ =	shalt  }
0x64: {  	_ =	shalt  }
0x65: {  	_ =	shalt  }
0x66: {  	_ =	shalt  }
0x67: {  	_ =	shalt  }
0x68: {  	_ =	shalt  }
0x69: {  	_ =	shalt  }
0x6a: {  	_ =	shalt  }
0x6b: {  	_ =	shalt  }
0x6c: {  	_ =	shalt  }
0x6d: {  	_ =	shalt  }
0x6e: {  	_ =	shalt  }
0x6f: {  	_ =	shalt  }
0x70: {  	_ =	shalt  }
0x71: {  	_ =	shalt  }
0x72: {  	_ =	shalt  }
0x73: {  	_ =	shalt  }
0x74: {  	_ =	shalt  }
0x75: {  	_ =	shalt  }
0x76: {  	_ =	shalt  }
0x77: {  	_ =	shalt  }
0x78: {  	_ =	shalt  }
0x79: {  	_ =	shalt  }
0x7a: {  	_ =	shalt  }
0x7b: {  	_ =	shalt  }
0x7c: {  	_ =	shalt  }
0x7d: {  	_ =	shalt  }
0x7e: {  	_ =	shalt  }
0x7f: {  	_ =	shalt  }
0x80: {  	_ =	shalt  }
0x81: {  	_ =	shalt  }
0x82: {  	_ =	shalt  }
0x83: {  	_ =	shalt  }
0x84: {  	_ =	shalt  }
0x85: {  	_ =	shalt  }
0x86: {  	_ =	shalt  }
0x87: {  	_ =	shalt  }
.Lfunc_end0:
.L_simem_size_0:
called_computation.1_lowered:
.L_overlay_start_0:
0x88: {  	s2 =	sld [smem:$0x3FD9]  }
0x89: {  	s3 =	sld [smem:$0x3FFE];
	_ =	sdelay $0x1  }
0x8a: {  	s1 =	srdreg.scid  }
0x8b: {  	s0 =	sand.u32 $0x1, s1  }
0x8c: {  	s17 =	sshll.u32 s0, $0xA;
	s2 =	sadd.s32 s3, s2  }
0x8d: {  	s2 =	sadd.s32 s2, s17  }
0x8e: {  	[smem:$0x3FC4] =	sst s2  }
0x8f: {  	_ = 	snop  }
0x90: {  	s2 =	sld [smem:$0x3FD0];
	(tm) =	ssettm $0x1  }
0x91: {  	s18 =	sld [smem:$0x3FFB];
	_ =	sdelay $0x3  }
0x92: {  	_ =	strace s18  }
0x93: {  	s3 =	sld [smem:$0x3FFC];
	_ =	sdelay $0x3  }
0x94: {  	_ =	strace s3  }
0x95: {  	s3 =	sld [smem:$0x3FFD];
	_ =	sdelay $0x3  }
0x96: {  	_ =	strace s3  }
0x97: {  	_ =	strace $0x8FFFFFFF  }
0x98: {  	s19 =	sld [smem:$0x3FDB];
	_ =	sdelay $0x1  }
0x99: {  	s4 =	simm.s32 $_scs_section_size  }
0x9a: {  	s5 =	simm.s32 $_size__tile_overlayer_lowered;
	s6 =	simm.s32 $_tile_overlayer_lowered  }
0x9b: {  	s22 =	simm.s32 $0x1BFF;
	s21 =	sshll.u32 s6, $0x1;
	s3 =	sadd.s32 s4, s19  }
0x9c: {  	s7 =	simm.s32 $0x0;
	s20 =	sshll.u32 s5, $0x1;
	s5 =	sadd.s32 s21, s3  }
0x9d: {  	[timem:s7], [sflag:s22] =	dma.local [hbm:s5], s20  }
0x9e: {  	_ =	swait.ge [sflag:s22], s20  }
0x9f: {  	s4 =	ssub.s32 $0x0, s20;
	[sflag:s22] =	ssyncset.done $0x0  }
0xa0: {  	[sflag:s22] =	ssyncadd.s32 s4;
	_ =	sdelay $0x1  }
0xa1: {  	s23 =	simm.s32 $0x1B8B  }
0xa2: {  	_ =	swait.ge [sflag:s23], $0x1  }
0xa3: {  	[sflag:s23] =	ssyncset.done $0x0  }
0xa4: {  	s25 =	simm.s32 $0x1B8E;
	s24 =	sld [smem:$0x3FFE];
	[sflag:s23] =	ssyncadd.s32 $0xFFFFFFFF  }
0xa5: {  	s26 =	simm.s32 $execute0_lowered;
	[smem:$0x3FD2] =	sst s25  }
0xa6: {  	s5 =	sshll.u32 s26, $0x1;
	_ =	strace $0x80000049;
	[dreg:$0x1] =	wrdreg $0xFFFFFFFF  }
0xa7: {  	s28 =	simm.s32 $_size_execute0_lowered;
	s3 =	sadd.s32 s3, s5;
	[dreg:$0x0] =	wrdreg $0x0  }
0xa8: {  	s5 =	sshll.u32 s28, $0x1;
	[dreg:$0x2] =	wrdreg s3  }
0xa9: {  	[dreg:$0x3] =	wrdreg s5  }
0xaa: {  	[dreg:$0x4] =	wrdreg $0xC0  }
0xab: {  	_ =	task [dreg:s7], $0x5FFFF  }
0xac: {  	[dreg:$0x1] =	wrdreg $0xFFFFFFFF  }
0xad: {  	[dreg:$0x0] =	wrdreg $0x60  }
0xae: {  	[dreg:$0x2] =	wrdreg s24  }
0xaf: {  	[dreg:$0x3] =	wrdreg s2  }
0xb0: {  	[dreg:$0x4] =	wrdreg $0x9  }
0xb1: {  	_ =	task.clear_ibuf [dreg:s7], $0x5FFFF;
	_ =	strace $0x90000049  }
0xb2: {  	s29 =	simm.s32 $0x9;
	_ =	strace $0x8000004B  }
0xb3: {  	_ =	swait.ge [sflag:s29], $0x1  }
0xb4: {  	[sflag:s29] =	ssyncadd.s32 $0xFFFFFFFF  }
0xb5: {  	_ =	strace $0x9000004B  }
0xb6: {  	_ =	sfence  }
0xb7: {  	s30 =	sld [smem:$0x0];
	_ =	sdelay $0x2  }
0xb8: {  	s31 =	sshll.u32 s1, $0xD;
	s1 =	sshrl.u32 s1, $0x2  }
0xb9: {  	s3 =	sand.u32 $0x4000, s31;
	s1 =	sadd.s32 s1, s30  }
0xba: {  	s0 =	sor.u32 s3, s0;
	s1 =	sshll.u32 s1, $0x11  }
0xbb: {  	s0 =	sor.u32 s1, s0  }
0xbc: {  	s0 =	sadd.s32 $0x8F2B, s0  }
0xbd: {  	[sflag:s0] =	ssyncadd.remote.s32 $0x1  }
0xbe: {  	_ =	sfence.sel $0xFFFF  }
0xbf: {  	[dreg:$0x0] =	wrdreg $0xFFFFFFFF;
	(pc) =	sbr.abs _section_cstart, $3  }
0xc0: {  	[dreg:$0x1] =	wrdreg $0xFFFFFFFF  }
0xc1: {  	_ =	task.clear_ibuf [dreg:s7], $0x2FFFF;
	_ =	strace $0x9FFFFFFF  }
0xc2: {  	(tm) =	ssettm $0x7FFFFFFF  }
0xc3: {  	_ =	shalt  }
tec
execute0_lowered:
.L_overlay_start_1:
0x0: {  	(tag) =	ssettag $0x1  }
0x1: {  	s1 =	srdreg.scid  }
0x2: {  	s0 =	stileid.u32;
	s9 =	sand.u32 $0x1, s1  }
0x3: {  	s8 =	rddreg [dreg:$0x0];
	s4 =	sshll.u32 s0, $0x5;
	s5 =	sshll.u32 s9, $0x4  }
0x4: {  	s2 =	rddreg [dreg:$0x1];
	s3 =	simm.s32 $0x0;
	s4 =	sor.u32 s5, s4  }
0x5: {  	s6 =	simm.s32 $0x2;
	[smem:$0x7FF] =	sst s3;
	s4 =	sadd.s32 s8, s4  }
0x6: {  	s1 =	rddreg [dreg:$0x2];
	_ =	strace $0x8000004A;
	s5 =	sadd.s32 $0x200, s4  }
0x7: {  	[tilespmem:s3], [sflag:$0x2] =	stream.linear.gather [hbm4b:s5+s3], $0x80, $0x38;
	[tilespmem:$0x4100] =	vst v63  }
0x8: {  	_ =	swait.ge [sflag:s6], $0x80  }
0x9: {  	[sflag:s6] =	ssyncset.done $0x0  }
0xa: {  	s7 =	simm.s32 $0x80;
	s11 =	ssub.s32 $0x2, s9;
	[sflag:s6] =	ssyncadd.s32 $0xFFFFFF80  }
0xb: {  	[tilespmem:s7], [sflag:$0x2] =	stream.linear.gather [hbm4b:s4+s3], $0x80, $0x38;
	[tilespmem:$0x4100] =	vst v63  }
0xc: {  	s10 =	simm.s32 $0x100;
	s12 =	sshrl.u32 s11, $0x1;
	_ =	swait.ge [sflag:s6], $0x80  }
0xd: {  	s9 =	simm.s32 $0x1;
	s11 =	ssub.s32 s11, s12;
	[sflag:s6] =	ssyncset.done $0x0  }
0xe: {  	s8 =	sadd.s32 $0x400, s8;
	s11 =	smax.u32 s11, $0x1;
	[sflag:s6] =	ssyncadd.s32 $0xFFFFFF80  }
0xf: {  	[tilespmem:s10], [sflag:$0x1] =	stream.indirect.gather [hbm4b:s8+s7], $0x80, s3, s7, $0xb8;
	[tilespmem:$0x4100] =	vst v63  }
0x10: {  	p0 =	sne.s32 s11, $0x1;
	_ =	swait.ge [sflag:s9], $0x4000  }
.Ltmp0:
0x11: {  	[sflag:s9] =	ssyncset.done $0x0;
	(pc) =	sbr.rel @!p0 .LBB2_2-.Ltmp0, $4  }
0x12: {  	[sflag:s9] =	ssyncadd.s32 $0xFFFFC000  }
0x13: {  	[hbm4b:s2+s7] =	stream.indirect.scatter [tilespmem:s10], [sflag:$0x1], $0x80, s7, s7, $0xb8;
	[tilespmem:$0x4100] =	vst v63  }
0x14: {  	_ =	swait.ge [sflag:s9], $0x4000  }
0x15: {  	s11 =	sadd.s32 $0xFFFFFFFF, s11;
	[sflag:s9] =	ssyncset.done $0x0  }
.LBB2_1:
0x16: {  	p0 =	sne.s32 s11, $0x1;
	s11 =	sadd.s32 $0xFFFFFFFF, s11;
	[sflag:s9] =	ssyncadd.s32 $0xFFFFC000  }
0x17: {  	[tilespmem:s3], [sflag:$0x2] =	stream.linear.gather [hbm4b:s5+s3], $0x80, $0x38;
	[tilespmem:$0x4100] =	vst v63  }
0x18: {  	_ =	swait.ge [sflag:s6], $0x80  }
0x19: {  	[sflag:s6] =	ssyncset.done $0x0  }
0x1a: {  	[sflag:s6] =	ssyncadd.s32 $0xFFFFFF80  }
0x1b: {  	[tilespmem:s7], [sflag:$0x2] =	stream.linear.gather [hbm4b:s4+s3], $0x80, $0x38;
	[tilespmem:$0x4100] =	vst v63  }
0x1c: {  	_ =	swait.ge [sflag:s6], $0x80  }
0x1d: {  	[sflag:s6] =	ssyncset.done $0x0  }
0x1e: {  	[sflag:s6] =	ssyncadd.s32 $0xFFFFFF80  }
0x1f: {  	[tilespmem:s10], [sflag:$0x1] =	stream.indirect.gather [hbm4b:s8+s7], $0x80, s3, s7, $0xb8;
	[tilespmem:$0x4100] =	vst v63  }
0x20: {  	_ =	swait.ge [sflag:s9], $0x4000  }
.Ltmp1:
0x21: {  	[sflag:s9] =	ssyncset.done $0x0;
	(pc) =	sbr.rel @p0 .LBB2_1-.Ltmp1, $4  }
0x22: {  	[sflag:s9] =	ssyncadd.s32 $0xFFFFC000  }
0x23: {  	[hbm4b:s2+s7] =	stream.indirect.scatter [tilespmem:s10], [sflag:$0x1], $0x80, s7, s7, $0xb8;
	[tilespmem:$0x4100] =	vst v63  }
0x24: {  	_ =	swait.ge [sflag:s9], $0x4000  }
0x25: {  	[sflag:s9] =	ssyncset.done $0x0  }
.LBB2_2:
0x26: {  	[sflag:s9] =	ssyncadd.s32 $0xFFFFC000  }
0x27: {  	_ =	sfence.sel $0x180000  }
0x28: {  	[bflag:$0x0] =	sbarrier.arrive $0xFFFF  }
0x29: {  	p0 =	sne.s32 s0, $0x0;
	_ =	strace $0x9000004A  }
0x2a: {  	s0 =	sadd.s32 @!p0 $0x100000, s1;
	[bflag:$0x2] =	sbarrier.arrive $0xFFFF  }
0x2b: {  	[sflag:s0] =	ssyncadd.tile.s32 @!p0 $0x1;
	_ =	shalt  }
.Lfunc_end2:
_tile_overlayer_lowered:
.L_overlay_start_2:
0x2c: {  	(tag) =	ssettag $0x2  }
0x2d: {  	s0 =	rddreg [dreg:$0x0];
	s2 =	stileid.u32  }
0x2e: {  	s1 =	rddreg [dreg:$0x1];
	p0 =	sne.s32 s2, $0x0  }
0x2f: {  	s3 =	rddreg [dreg:$0x2];
	[bflag:$0x3] =	sbarrier.arrive $0xFFFF;
	s2 =	simm.s32 @!p0 $0x1C02  }
0x30: {  	[timem:s3], [sflag:s2] =	dma.local @!p0 [hbm:s0], s1  }
0x31: {  	s0 =	simm.s32 @!p0 $0x2  }
0x32: {  	_ =	swait.ge @!p0 [sflag:s0], s1  }
0x33: {  	s1 =	ssub.s32 @!p0 $0x0, s1;
	[sflag:s0] =	ssyncset.done @!p0 $0x0  }
0x34: {  	[sflag:s0] =	ssyncadd.s32 @!p0 s1  }
0x35: {  	[bflag:$0x3] =	sbarrier.arrive $0xFFFF  }
0x36: {  	_ =	shalt  }

</sc_bundles>
